<compile_context>
chip_gen: v7x
topology: tpu7x:2x2x1
jax: 0.10.2.dev20260603
libtpu: 0.0.44.dev20260713+nightly
codegen_flags: <defaults>
</compile_context>

<pallas_src>
import functools

import jax
import jax.numpy as jnp
from jax import lax
from jax.experimental import pallas as pl
from jax.experimental.pallas import tpu as pltpu
from jax.experimental.pallas import tpu_sc as plsc

_NT = 16
_K = 128
_WK = 80


def _sc_aggregate(xa, xb, src, dst, zrow, ones_rows):
    n, h = xa.shape
    e = src.shape[0]
    npair = e // (2 * _K)
    ploop = (npair + _NT - 1) // _NT
    cloop = (npair + 2 * _NT - 1) // (2 * _NT)
    wch = n // _WK
    wloop = (wch + _NT - 1) // _NT

    mesh = plsc.VectorSubcoreMesh(core_axis_name="c", subcore_axis_name="s")

    @functools.partial(
        pl.kernel,
        mesh=mesh,
        out_type=(
            jax.ShapeDtypeStruct((n, h), jnp.float32),
            jax.ShapeDtypeStruct((n, h), jnp.float32),
            jax.ShapeDtypeStruct((n, h), jnp.float32),
            jax.ShapeDtypeStruct((n, h), jnp.float32),
        ),
        scratch_types=(
            pltpu.VMEM((_K,), jnp.int32),
            pltpu.VMEM((_K,), jnp.int32),
            pltpu.VMEM((_K,), jnp.int32),
            pltpu.VMEM((_K,), jnp.int32),
            pltpu.VMEM((_K, h), jnp.float32),
            pltpu.VMEM((_K, h), jnp.float32),
            pltpu.VMEM_SHARED((n, h), jnp.float32),
            pltpu.SemaphoreType.DMA,
            pltpu.SemaphoreType.DMA,
            pltpu.SemaphoreType.DMA,
            pltpu.SemaphoreType.DMA,
        ),
    )
    def body(xa_h, xb_h, src_h, dst_h, zrow_h, ones_h,
             out_a, out_b, out_c0, out_c1,
             idx_s0, idx_s1, idx_d0, idx_d1, rows0, rows1, acc,
             sga, sgb, ssa, ssb):
        c = lax.axis_index("c")
        s = lax.axis_index("s")

        def zero_acc():
            pltpu.sync_copy(zrow_h, rows0)
            for k in range(wloop):
                cid = k * _NT + s

                @pl.when(cid < wch)
                def _():
                    r0 = pl.multiple_of(cid * _WK, _WK)
                    pltpu.sync_copy(rows0.at[pl.ds(0, _WK)],
                                    acc.at[pl.ds(r0, _WK)])

        def write_acc(dst0_h, dst1_h):
            for k in range(wloop):
                cid = k * _NT + s

                @pl.when(cid < wch)
                def _():
                    r0 = pl.multiple_of(cid * _WK, _WK)
                    pltpu.sync_copy(acc.at[pl.ds(r0, _WK)],
                                    rows0.at[pl.ds(0, _WK)])

                    @pl.when(c == 0)
                    def _():
                        pltpu.sync_copy(rows0.at[pl.ds(0, _WK)],
                                        dst0_h.at[pl.ds(r0, _WK)])

                    @pl.when(c == 1)
                    def _():
                        pltpu.sync_copy(rows0.at[pl.ds(0, _WK)],
                                        dst1_h.at[pl.ds(r0, _WK)])

        zero_acc()
        plsc.subcore_barrier()

        def chunk(k, carry):
            p = k * _NT + s

            @pl.when(p < npair)
            def _():
                offa = pl.multiple_of((2 * p) * _K, _K)
                offb = pl.multiple_of((2 * p + 1) * _K, _K)
                pltpu.sync_copy(src_h.at[pl.ds(offa, _K)], idx_s0)
                pltpu.sync_copy(src_h.at[pl.ds(offb, _K)], idx_s1)
                pltpu.sync_copy(dst_h.at[pl.ds(offa, _K)], idx_d0)
                pltpu.sync_copy(dst_h.at[pl.ds(offb, _K)], idx_d1)

                @pl.when(c == 0)
                def _():
                    ga = pltpu.async_copy(xa_h.at[idx_s0], rows0, sga)
                    gb = pltpu.async_copy(xa_h.at[idx_s1], rows1, sgb)
                    ga.wait()
                    sa = pltpu.async_copy(rows0, acc.at[idx_d0], ssa,
                                          add=True)
                    gb.wait()
                    sb = pltpu.async_copy(rows1, acc.at[idx_d1], ssb,
                                          add=True)
                    sa.wait()
                    sb.wait()

                @pl.when(c == 1)
                def _():
                    ga = pltpu.async_copy(xb_h.at[idx_s0], rows0, sga)
                    gb = pltpu.async_copy(xb_h.at[idx_s1], rows1, sgb)
                    ga.wait()
                    sa = pltpu.async_copy(rows0, acc.at[idx_d0], ssa,
                                          add=True)
                    gb.wait()
                    sb = pltpu.async_copy(rows1, acc.at[idx_d1], ssb,
                                          add=True)
                    sa.wait()
                    sb.wait()

            return carry

        lax.fori_loop(0, ploop, chunk, 0)
        plsc.subcore_barrier()
        write_acc(out_a, out_b)
        plsc.subcore_barrier()

        zero_acc()
        plsc.subcore_barrier()
        pltpu.sync_copy(ones_h, rows0)

        def cchunk(k, carry):
            p = k * 2 * _NT + c * _NT + s

            @pl.when(p < npair)
            def _():
                offa = pl.multiple_of((2 * p) * _K, _K)
                offb = pl.multiple_of((2 * p + 1) * _K, _K)
                pltpu.sync_copy(dst_h.at[pl.ds(offa, _K)], idx_d0)
                pltpu.sync_copy(dst_h.at[pl.ds(offb, _K)], idx_d1)
                sa = pltpu.async_copy(rows0, acc.at[idx_d0], ssa, add=True)
                sb = pltpu.async_copy(rows0, acc.at[idx_d1], ssb, add=True)
                sa.wait()
                sb.wait()

            return carry

        lax.fori_loop(0, cloop, cchunk, 0)
        plsc.subcore_barrier()
        write_acc(out_c0, out_c1)

    return body(xa, xb, src, dst, zrow, ones_rows)


def _tc_finish(agg_a, agg_b, cnt0, cnt1, x, W_l, b_l, W_r, gamma, beta):
    n, d = x.shape
    h = d // 2
    r = 1000
    grid = n // r

    def body(a_ref, b_ref, c0_ref, c1_ref, x_ref, wl_ref, bl_ref, wr_ref,
             g_ref, be_ref, o_ref):
        agg = jnp.concatenate([a_ref[...], b_ref[...]], axis=1)
        count = c0_ref[...][:, 0:1] + c1_ref[...][:, 0:1]
        count = jnp.maximum(count, 1.0)
        agg = agg / count
        out = lax.dot_general(agg, wl_ref[...], (((1,), (1,)), ((), ())),
                              preferred_element_type=jnp.float32)
        out = out + lax.dot_general(x_ref[...], wr_ref[...],
                                    (((1,), (1,)), ((), ())),
                                    preferred_element_type=jnp.float32)
        out = out + bl_ref[...]
        mu = jnp.mean(out, axis=-1, keepdims=True)
        dev = out - mu
        var = jnp.mean(dev * dev, axis=-1, keepdims=True)
        out = dev * lax.rsqrt(var + 1e-5) * g_ref[...] + be_ref[...]
        o_ref[...] = jnp.maximum(out, 0.0)

    return pl.pallas_call(
        body,
        grid=(grid,),
        in_specs=[
            pl.BlockSpec((r, h), lambda i: (i, 0)),
            pl.BlockSpec((r, h), lambda i: (i, 0)),
            pl.BlockSpec((r, h), lambda i: (i, 0)),
            pl.BlockSpec((r, h), lambda i: (i, 0)),
            pl.BlockSpec((r, d), lambda i: (i, 0)),
            pl.BlockSpec((d, d), lambda i: (0, 0)),
            pl.BlockSpec((1, d), lambda i: (0, 0)),
            pl.BlockSpec((d, d), lambda i: (0, 0)),
            pl.BlockSpec((1, d), lambda i: (0, 0)),
            pl.BlockSpec((1, d), lambda i: (0, 0)),
        ],
        out_specs=pl.BlockSpec((r, d), lambda i: (i, 0)),
        out_shape=jax.ShapeDtypeStruct((n, d), jnp.float32),
    )(agg_a, agg_b, cnt0, cnt1, x, W_l, b_l.reshape(1, d), W_r,
      gamma.reshape(1, d), beta.reshape(1, d))


def kernel(x, edge_index, W_l, b_l, W_r, ln_gamma, ln_beta):
    n, d = x.shape
    h = d // 2
    src = edge_index[0]
    dst = edge_index[1]
    xa = x[:, :h]
    xb = x[:, h:]
    zrow = jnp.zeros((_K, h), jnp.float32)
    ones_rows = jnp.zeros((_K, h), jnp.float32).at[:, 0].set(1.0)
    assert src.shape[0] % (2 * _K) == 0 and n % _WK == 0
    agg_a, agg_b, cnt0, cnt1 = _sc_aggregate(xa, xb, src, dst, zrow,
                                             ones_rows)
    return _tc_finish(agg_a, agg_b, cnt0, cnt1, x, W_l, b_l, W_r,
                      ln_gamma, ln_beta)

# --- scband reference (transcript-rebuilt; emitter-appended) ---
"""Pipeline reference for scband-graph-sageblock-73529840107533 (READ-ONLY COPY).

The authoritative reference and input builder live on the scoring server;
editing this copy changes nothing except your own understanding.
"""

import jax, jax.numpy as jnp
import numpy as np

N, E, D = 10000, 160000, 256

def setup_inputs(seed: int = 0) -> dict:
    key = jax.random.key(seed)
    ks = jax.random.split(key, 8)
    x = jax.random.normal(ks[0], (N, D), dtype=jnp.float32)
    edge_index = jax.random.randint(ks[1], (2, E), 0, N, dtype=jnp.int32)
    s = 1.0 / np.sqrt(D)
    W_l = jax.random.normal(ks[2], (D, D), dtype=jnp.float32) * s
    b_l = jnp.zeros((D,), dtype=jnp.float32)
    W_r = jax.random.normal(ks[3], (D, D), dtype=jnp.float32) * s
    ln_gamma = jnp.ones((D,), dtype=jnp.float32)
    ln_beta = jnp.zeros((D,), dtype=jnp.float32)
    return {"x": x, "edge_index": edge_index, "W_l": W_l, "b_l": b_l, "W_r": W_r, "ln_gamma": ln_gamma, "ln_beta": ln_beta}

def reference(x, edge_index, W_l, b_l, W_r, ln_gamma, ln_beta):
    n = x.shape[0]
    src = edge_index[0]
    dst = edge_index[1]
    # SAGEConv with mean aggregation: out = lin_l(mean_j x_j) + lin_r(x_i)
    msgs = jnp.take(x, src, axis=0)
    agg_sum = jax.ops.segment_sum(msgs, dst, num_segments=n)
    cnt = jax.ops.segment_sum(jnp.ones((msgs.shape[0],), dtype=x.dtype), dst, num_segments=n)
    agg = agg_sum / jnp.clip(cnt, 1.0, None)[:, None]
    out = agg @ W_l.T + b_l + x @ W_r.T
    # LayerNorm
    mu = jnp.mean(out, axis=-1, keepdims=True)
    var = jnp.var(out, axis=-1, keepdims=True)
    out = (out - mu) / jnp.sqrt(var + 1e-5) * ln_gamma + ln_beta
    # ReLU
    out = jnp.maximum(out, 0.0)
    # Dropout: identity in eval mode
    return out

if __name__ == "__main__":
    import jax
    _d = setup_inputs()
    print(jax.jit(kernel)(*tuple(_d.values())))

</pallas_src>

<mosaic_0001>
#map = affine_map<(d0, d1) -> (0, 0)>
#map1 = affine_map<(d0, d1) -> (0)>
module attributes {stable_mosaic.version = 14 : i64} {
  func.func @body(%arg0: i32, %arg1: i32, %arg2: memref<10000x128xf32, #tpu.memory_space<hbm>>, %arg3: memref<10000x128xf32, #tpu.memory_space<hbm>>, %arg4: memref<160000xi32, #tpu.memory_space<hbm>>, %arg5: memref<160000xi32, #tpu.memory_space<hbm>>, %arg6: memref<128x128xf32, #tpu.memory_space<hbm>>, %arg7: memref<128x128xf32, #tpu.memory_space<hbm>>, %arg8: memref<10000x128xf32, #tpu.memory_space<hbm>>, %arg9: memref<10000x128xf32, #tpu.memory_space<hbm>>, %arg10: memref<10000x128xf32, #tpu.memory_space<hbm>>, %arg11: memref<10000x128xf32, #tpu.memory_space<hbm>>, %arg12: memref<128xi32, #tpu.memory_space<vmem>>, %arg13: memref<128xi32, #tpu.memory_space<vmem>>, %arg14: memref<128xi32, #tpu.memory_space<vmem>>, %arg15: memref<128xi32, #tpu.memory_space<vmem>>, %arg16: memref<128x128xf32, #tpu.memory_space<vmem>>, %arg17: memref<128x128xf32, #tpu.memory_space<vmem>>, %arg18: memref<10000x128xf32, #tpu.memory_space<vmem_shared>>, %arg19: memref<!tpu.dma_semaphore, #tpu.memory_space<semaphore_mem>>, %arg20: memref<!tpu.dma_semaphore, #tpu.memory_space<semaphore_mem>>, %arg21: memref<!tpu.dma_semaphore, #tpu.memory_space<semaphore_mem>>, %arg22: memref<!tpu.dma_semaphore, #tpu.memory_space<semaphore_mem>>) attributes {dimension_semantics = [#tpu.dimension_semantics<core_parallel>, #tpu.dimension_semantics<subcore_parallel>], iteration_bounds = array<i64: 2, 16>, scalar_prefetch = 0 : i64, scratch_operands = 11 : i64, tpu.core_type = #tpu.core_type<sc_vector_subcore>, window_params = [{transform_indices = #map}, {transform_indices = #map}, {transform_indices = #map1}, {transform_indices = #map1}, {transform_indices = #map}, {transform_indices = #map}, {transform_indices = #map}, {transform_indices = #map}, {transform_indices = #map}, {transform_indices = #map}]} {
    "tpu.region"() ({
      %run_scoped3A = tpu.sem_alloc : memref<!tpu.dma_semaphore, #tpu.memory_space<semaphore_mem>>
      tpu.enqueue_dma source(%arg6 : memref<128x128xf32, #tpu.memory_space<hbm>>) target(%arg16 : memref<128x128xf32, #tpu.memory_space<vmem>>) target_semaphore(%run_scoped3A : memref<!tpu.dma_semaphore, #tpu.memory_space<semaphore_mem>>)
      tpu.wait_dma2 semaphore(%run_scoped3A : memref<!tpu.dma_semaphore, #tpu.memory_space<semaphore_mem>>) src(%arg6 : memref<128x128xf32, #tpu.memory_space<hbm>>) dst(%arg16 : memref<128x128xf32, #tpu.memory_space<vmem>>)
      tpu.yield
    }) : () -> ()
    %add3A = arith.constant 0 : i32
    %add3A_0 = arith.addi %add3A, %arg1 : i32
    %lt3A = arith.constant 125 : i32
    %lt3A_1 = arith.cmpi slt, %add3A_0, %lt3A : i32
    %convert_element_type3A = arith.extui %lt3A_1 : i1 to i32
    %cond3A = arith.constant 0 : i32
    %cond3A_2 = arith.cmpi ne, %convert_element_type3A, %cond3A : i32
    scf.if %cond3A_2 {
      %mul3A = arith.constant 80 : i32
      %mul3A_235 = arith.muli %add3A_0, %mul3A : i32
      %multiple_of3A = tpu.assume_multiple %mul3A_235, 80 : i32
      "tpu.region"() ({
        %run_scoped3A = tpu.sem_alloc : memref<!tpu.dma_semaphore, #tpu.memory_space<semaphore_mem>>
        %dma_start3A = arith.constant 0 : i32
        %dma_start3A_236 = arith.constant 0 : i32
        %dma_start3A_237 = tpu.memref_slice %arg16[%dma_start3A, %dma_start3A_236] : memref<128x128xf32, #tpu.memory_space<vmem>> -> memref<80x128xf32, #tpu.memory_space<vmem>>
        %dma_start3A_238 = arith.constant 0 : i32
        %dma_start3A_239 = tpu.memref_slice %arg18[%multiple_of3A, %dma_start3A_238] : memref<10000x128xf32, #tpu.memory_space<vmem_shared>> -> memref<80x128xf32, #tpu.memory_space<vmem_shared>>
        %dma_start3A_240 = arith.constant 0 : i32
        %dma_start3A_241 = tpu.memref_slice %arg18[%multiple_of3A, %dma_start3A_240] : memref<10000x128xf32, #tpu.memory_space<vmem_shared>> -> memref<80x128xf32, #tpu.memory_space<vmem_shared>>
        %dma_start3A_242 = arith.constant 0 : i32
        %dma_start3A_243 = arith.constant 0 : i32
        %dma_start3A_244 = tpu.memref_slice %arg16[%dma_start3A_242, %dma_start3A_243] : memref<128x128xf32, #tpu.memory_space<vmem>> -> memref<80x128xf32, #tpu.memory_space<vmem>>
        tpu.enqueue_dma source(%dma_start3A_244 : memref<80x128xf32, #tpu.memory_space<vmem>>) target(%dma_start3A_241 : memref<80x128xf32, #tpu.memory_space<vmem_shared>>) target_semaphore(%run_scoped3A : memref<!tpu.dma_semaphore, #tpu.memory_space<semaphore_mem>>)
        %dma_wait3A = arith.constant 0 : i32
        %dma_wait3A_245 = arith.constant 0 : i32
        %dma_wait3A_246 = tpu.memref_slice %arg16[%dma_wait3A, %dma_wait3A_245] : memref<128x128xf32, #tpu.memory_space<vmem>> -> memref<80x128xf32, #tpu.memory_space<vmem>>
        %dma_wait3A_247 = arith.constant 0 : i32
        %dma_wait3A_248 = tpu.memref_slice %arg18[%multiple_of3A, %dma_wait3A_247] : memref<10000x128xf32, #tpu.memory_space<vmem_shared>> -> memref<80x128xf32, #tpu.memory_space<vmem_shared>>
        %dma_wait3A_249 = arith.constant 0 : i32
        %dma_wait3A_250 = tpu.memref_slice %arg18[%multiple_of3A, %dma_wait3A_249] : memref<10000x128xf32, #tpu.memory_space<vmem_shared>> -> memref<80x128xf32, #tpu.memory_space<vmem_shared>>
        %dma_wait3A_251 = arith.constant 0 : i32
        %dma_wait3A_252 = arith.constant 0 : i32
        %dma_wait3A_253 = tpu.memref_slice %arg16[%dma_wait3A_251, %dma_wait3A_252] : memref<128x128xf32, #tpu.memory_space<vmem>> -> memref<80x128xf32, #tpu.memory_space<vmem>>
        tpu.wait_dma2 semaphore(%run_scoped3A : memref<!tpu.dma_semaphore, #tpu.memory_space<semaphore_mem>>) src(%dma_wait3A_253 : memref<80x128xf32, #tpu.memory_space<vmem>>) dst(%dma_wait3A_250 : memref<80x128xf32, #tpu.memory_space<vmem_shared>>)
        tpu.yield
      }) : () -> ()
    } else {
    }
    %add3A_3 = arith.constant 16 : i32
    %add3A_4 = arith.addi %add3A_3, %arg1 : i32
    %lt3A_5 = arith.constant 125 : i32
    %lt3A_6 = arith.cmpi slt, %add3A_4, %lt3A_5 : i32
    %convert_element_type3A_7 = arith.extui %lt3A_6 : i1 to i32
    %cond3A_8 = arith.constant 0 : i32
    %cond3A_9 = arith.cmpi ne, %convert_element_type3A_7, %cond3A_8 : i32
    scf.if %cond3A_9 {
      %mul3A = arith.constant 80 : i32
      %mul3A_235 = arith.muli %add3A_4, %mul3A : i32
      %multiple_of3A = tpu.assume_multiple %mul3A_235, 80 : i32
      "tpu.region"() ({
        %run_scoped3A = tpu.sem_alloc : memref<!tpu.dma_semaphore, #tpu.memory_space<semaphore_mem>>
        %dma_start3A = arith.constant 0 : i32
        %dma_start3A_236 = arith.constant 0 : i32
        %dma_start3A_237 = tpu.memref_slice %arg16[%dma_start3A, %dma_start3A_236] : memref<128x128xf32, #tpu.memory_space<vmem>> -> memref<80x128xf32, #tpu.memory_space<vmem>>
        %dma_start3A_238 = arith.constant 0 : i32
        %dma_start3A_239 = tpu.memref_slice %arg18[%multiple_of3A, %dma_start3A_238] : memref<10000x128xf32, #tpu.memory_space<vmem_shared>> -> memref<80x128xf32, #tpu.memory_space<vmem_shared>>
        %dma_start3A_240 = arith.constant 0 : i32
        %dma_start3A_241 = tpu.memref_slice %arg18[%multiple_of3A, %dma_start3A_240] : memref<10000x128xf32, #tpu.memory_space<vmem_shared>> -> memref<80x128xf32, #tpu.memory_space<vmem_shared>>
        %dma_start3A_242 = arith.constant 0 : i32
        %dma_start3A_243 = arith.constant 0 : i32
        %dma_start3A_244 = tpu.memref_slice %arg16[%dma_start3A_242, %dma_start3A_243] : memref<128x128xf32, #tpu.memory_space<vmem>> -> memref<80x128xf32, #tpu.memory_space<vmem>>
        tpu.enqueue_dma source(%dma_start3A_244 : memref<80x128xf32, #tpu.memory_space<vmem>>) target(%dma_start3A_241 : memref<80x128xf32, #tpu.memory_space<vmem_shared>>) target_semaphore(%run_scoped3A : memref<!tpu.dma_semaphore, #tpu.memory_space<semaphore_mem>>)
        %dma_wait3A = arith.constant 0 : i32
        %dma_wait3A_245 = arith.constant 0 : i32
        %dma_wait3A_246 = tpu.memref_slice %arg16[%dma_wait3A, %dma_wait3A_245] : memref<128x128xf32, #tpu.memory_space<vmem>> -> memref<80x128xf32, #tpu.memory_space<vmem>>
        %dma_wait3A_247 = arith.constant 0 : i32
        %dma_wait3A_248 = tpu.memref_slice %arg18[%multiple_of3A, %dma_wait3A_247] : memref<10000x128xf32, #tpu.memory_space<vmem_shared>> -> memref<80x128xf32, #tpu.memory_space<vmem_shared>>
        %dma_wait3A_249 = arith.constant 0 : i32
        %dma_wait3A_250 = tpu.memref_slice %arg18[%multiple_of3A, %dma_wait3A_249] : memref<10000x128xf32, #tpu.memory_space<vmem_shared>> -> memref<80x128xf32, #tpu.memory_space<vmem_shared>>
        %dma_wait3A_251 = arith.constant 0 : i32
        %dma_wait3A_252 = arith.constant 0 : i32
        %dma_wait3A_253 = tpu.memref_slice %arg16[%dma_wait3A_251, %dma_wait3A_252] : memref<128x128xf32, #tpu.memory_space<vmem>> -> memref<80x128xf32, #tpu.memory_space<vmem>>
        tpu.wait_dma2 semaphore(%run_scoped3A : memref<!tpu.dma_semaphore, #tpu.memory_space<semaphore_mem>>) src(%dma_wait3A_253 : memref<80x128xf32, #tpu.memory_space<vmem>>) dst(%dma_wait3A_250 : memref<80x128xf32, #tpu.memory_space<vmem_shared>>)
        tpu.yield
      }) : () -> ()
    } else {
    }
    %add3A_10 = arith.constant 32 : i32
    %add3A_11 = arith.addi %add3A_10, %arg1 : i32
    %lt3A_12 = arith.constant 125 : i32
    %lt3A_13 = arith.cmpi slt, %add3A_11, %lt3A_12 : i32
    %convert_element_type3A_14 = arith.extui %lt3A_13 : i1 to i32
    %cond3A_15 = arith.constant 0 : i32
    %cond3A_16 = arith.cmpi ne, %convert_element_type3A_14, %cond3A_15 : i32
    scf.if %cond3A_16 {
      %mul3A = arith.constant 80 : i32
      %mul3A_235 = arith.muli %add3A_11, %mul3A : i32
      %multiple_of3A = tpu.assume_multiple %mul3A_235, 80 : i32
      "tpu.region"() ({
        %run_scoped3A = tpu.sem_alloc : memref<!tpu.dma_semaphore, #tpu.memory_space<semaphore_mem>>
        %dma_start3A = arith.constant 0 : i32
        %dma_start3A_236 = arith.constant 0 : i32
        %dma_start3A_237 = tpu.memref_slice %arg16[%dma_start3A, %dma_start3A_236] : memref<128x128xf32, #tpu.memory_space<vmem>> -> memref<80x128xf32, #tpu.memory_space<vmem>>
        %dma_start3A_238 = arith.constant 0 : i32
        %dma_start3A_239 = tpu.memref_slice %arg18[%multiple_of3A, %dma_start3A_238] : memref<10000x128xf32, #tpu.memory_space<vmem_shared>> -> memref<80x128xf32, #tpu.memory_space<vmem_shared>>
        %dma_start3A_240 = arith.constant 0 : i32
        %dma_start3A_241 = tpu.memref_slice %arg18[%multiple_of3A, %dma_start3A_240] : memref<10000x128xf32, #tpu.memory_space<vmem_shared>> -> memref<80x128xf32, #tpu.memory_space<vmem_shared>>
        %dma_start3A_242 = arith.constant 0 : i32
        %dma_start3A_243 = arith.constant 0 : i32
        %dma_start3A_244 = tpu.memref_slice %arg16[%dma_start3A_242, %dma_start3A_243] : memref<128x128xf32, #tpu.memory_space<vmem>> -> memref<80x128xf32, #tpu.memory_space<vmem>>
        tpu.enqueue_dma source(%dma_start3A_244 : memref<80x128xf32, #tpu.memory_space<vmem>>) target(%dma_start3A_241 : memref<80x128xf32, #tpu.memory_space<vmem_shared>>) target_semaphore(%run_scoped3A : memref<!tpu.dma_semaphore, #tpu.memory_space<semaphore_mem>>)
        %dma_wait3A = arith.constant 0 : i32
        %dma_wait3A_245 = arith.constant 0 : i32
        %dma_wait3A_246 = tpu.memref_slice %arg16[%dma_wait3A, %dma_wait3A_245] : memref<128x128xf32, #tpu.memory_space<vmem>> -> memref<80x128xf32, #tpu.memory_space<vmem>>
        %dma_wait3A_247 = arith.constant 0 : i32
        %dma_wait3A_248 = tpu.memref_slice %arg18[%multiple_of3A, %dma_wait3A_247] : memref<10000x128xf32, #tpu.memory_space<vmem_shared>> -> memref<80x128xf32, #tpu.memory_space<vmem_shared>>
        %dma_wait3A_249 = arith.constant 0 : i32
        %dma_wait3A_250 = tpu.memref_slice %arg18[%multiple_of3A, %dma_wait3A_249] : memref<10000x128xf32, #tpu.memory_space<vmem_shared>> -> memref<80x128xf32, #tpu.memory_space<vmem_shared>>
        %dma_wait3A_251 = arith.constant 0 : i32
        %dma_wait3A_252 = arith.constant 0 : i32
        %dma_wait3A_253 = tpu.memref_slice %arg16[%dma_wait3A_251, %dma_wait3A_252] : memref<128x128xf32, #tpu.memory_space<vmem>> -> memref<80x128xf32, #tpu.memory_space<vmem>>
        tpu.wait_dma2 semaphore(%run_scoped3A : memref<!tpu.dma_semaphore, #tpu.memory_space<semaphore_mem>>) src(%dma_wait3A_253 : memref<80x128xf32, #tpu.memory_space<vmem>>) dst(%dma_wait3A_250 : memref<80x128xf32, #tpu.memory_space<vmem_shared>>)
        tpu.yield
      }) : () -> ()
    } else {
    }
    %add3A_17 = arith.constant 48 : i32
    %add3A_18 = arith.addi %add3A_17, %arg1 : i32
    %lt3A_19 = arith.constant 125 : i32
    %lt3A_20 = arith.cmpi slt, %add3A_18, %lt3A_19 : i32
    %convert_element_type3A_21 = arith.extui %lt3A_20 : i1 to i32
    %cond3A_22 = arith.constant 0 : i32
    %cond3A_23 = arith.cmpi ne, %convert_element_type3A_21, %cond3A_22 : i32
    scf.if %cond3A_23 {
      %mul3A = arith.constant 80 : i32
      %mul3A_235 = arith.muli %add3A_18, %mul3A : i32
      %multiple_of3A = tpu.assume_multiple %mul3A_235, 80 : i32
      "tpu.region"() ({
        %run_scoped3A = tpu.sem_alloc : memref<!tpu.dma_semaphore, #tpu.memory_space<semaphore_mem>>
        %dma_start3A = arith.constant 0 : i32
        %dma_start3A_236 = arith.constant 0 : i32
        %dma_start3A_237 = tpu.memref_slice %arg16[%dma_start3A, %dma_start3A_236] : memref<128x128xf32, #tpu.memory_space<vmem>> -> memref<80x128xf32, #tpu.memory_space<vmem>>
        %dma_start3A_238 = arith.constant 0 : i32
        %dma_start3A_239 = tpu.memref_slice %arg18[%multiple_of3A, %dma_start3A_238] : memref<10000x128xf32, #tpu.memory_space<vmem_shared>> -> memref<80x128xf32, #tpu.memory_space<vmem_shared>>
        %dma_start3A_240 = arith.constant 0 : i32
        %dma_start3A_241 = tpu.memref_slice %arg18[%multiple_of3A, %dma_start3A_240] : memref<10000x128xf32, #tpu.memory_space<vmem_shared>> -> memref<80x128xf32, #tpu.memory_space<vmem_shared>>
        %dma_start3A_242 = arith.constant 0 : i32
        %dma_start3A_243 = arith.constant 0 : i32
        %dma_start3A_244 = tpu.memref_slice %arg16[%dma_start3A_242, %dma_start3A_243] : memref<128x128xf32, #tpu.memory_space<vmem>> -> memref<80x128xf32, #tpu.memory_space<vmem>>
        tpu.enqueue_dma source(%dma_start3A_244 : memref<80x128xf32, #tpu.memory_space<vmem>>) target(%dma_start3A_241 : memref<80x128xf32, #tpu.memory_space<vmem_shared>>) target_semaphore(%run_scoped3A : memref<!tpu.dma_semaphore, #tpu.memory_space<semaphore_mem>>)
        %dma_wait3A = arith.constant 0 : i32
        %dma_wait3A_245 = arith.constant 0 : i32
        %dma_wait3A_246 = tpu.memref_slice %arg16[%dma_wait3A, %dma_wait3A_245] : memref<128x128xf32, #tpu.memory_space<vmem>> -> memref<80x128xf32, #tpu.memory_space<vmem>>
        %dma_wait3A_247 = arith.constant 0 : i32
        %dma_wait3A_248 = tpu.memref_slice %arg18[%multiple_of3A, %dma_wait3A_247] : memref<10000x128xf32, #tpu.memory_space<vmem_shared>> -> memref<80x128xf32, #tpu.memory_space<vmem_shared>>
        %dma_wait3A_249 = arith.constant 0 : i32
        %dma_wait3A_250 = tpu.memref_slice %arg18[%multiple_of3A, %dma_wait3A_249] : memref<10000x128xf32, #tpu.memory_space<vmem_shared>> -> memref<80x128xf32, #tpu.memory_space<vmem_shared>>
        %dma_wait3A_251 = arith.constant 0 : i32
        %dma_wait3A_252 = arith.constant 0 : i32
        %dma_wait3A_253 = tpu.memref_slice %arg16[%dma_wait3A_251, %dma_wait3A_252] : memref<128x128xf32, #tpu.memory_space<vmem>> -> memref<80x128xf32, #tpu.memory_space<vmem>>
        tpu.wait_dma2 semaphore(%run_scoped3A : memref<!tpu.dma_semaphore, #tpu.memory_space<semaphore_mem>>) src(%dma_wait3A_253 : memref<80x128xf32, #tpu.memory_space<vmem>>) dst(%dma_wait3A_250 : memref<80x128xf32, #tpu.memory_space<vmem_shared>>)
        tpu.yield
      }) : () -> ()
    } else {
    }
    %add3A_24 = arith.constant 64 : i32
    %add3A_25 = arith.addi %add3A_24, %arg1 : i32
    %lt3A_26 = arith.constant 125 : i32
    %lt3A_27 = arith.cmpi slt, %add3A_25, %lt3A_26 : i32
    %convert_element_type3A_28 = arith.extui %lt3A_27 : i1 to i32
    %cond3A_29 = arith.constant 0 : i32
    %cond3A_30 = arith.cmpi ne, %convert_element_type3A_28, %cond3A_29 : i32
    scf.if %cond3A_30 {
      %mul3A = arith.constant 80 : i32
      %mul3A_235 = arith.muli %add3A_25, %mul3A : i32
      %multiple_of3A = tpu.assume_multiple %mul3A_235, 80 : i32
      "tpu.region"() ({
        %run_scoped3A = tpu.sem_alloc : memref<!tpu.dma_semaphore, #tpu.memory_space<semaphore_mem>>
        %dma_start3A = arith.constant 0 : i32
        %dma_start3A_236 = arith.constant 0 : i32
        %dma_start3A_237 = tpu.memref_slice %arg16[%dma_start3A, %dma_start3A_236] : memref<128x128xf32, #tpu.memory_space<vmem>> -> memref<80x128xf32, #tpu.memory_space<vmem>>
        %dma_start3A_238 = arith.constant 0 : i32
        %dma_start3A_239 = tpu.memref_slice %arg18[%multiple_of3A, %dma_start3A_238] : memref<10000x128xf32, #tpu.memory_space<vmem_shared>> -> memref<80x128xf32, #tpu.memory_space<vmem_shared>>
        %dma_start3A_240 = arith.constant 0 : i32
        %dma_start3A_241 = tpu.memref_slice %arg18[%multiple_of3A, %dma_start3A_240] : memref<10000x128xf32, #tpu.memory_space<vmem_shared>> -> memref<80x128xf32, #tpu.memory_space<vmem_shared>>
        %dma_start3A_242 = arith.constant 0 : i32
        %dma_start3A_243 = arith.constant 0 : i32
        %dma_start3A_244 = tpu.memref_slice %arg16[%dma_start3A_242, %dma_start3A_243] : memref<128x128xf32, #tpu.memory_space<vmem>> -> memref<80x128xf32, #tpu.memory_space<vmem>>
        tpu.enqueue_dma source(%dma_start3A_244 : memref<80x128xf32, #tpu.memory_space<vmem>>) target(%dma_start3A_241 : memref<80x128xf32, #tpu.memory_space<vmem_shared>>) target_semaphore(%run_scoped3A : memref<!tpu.dma_semaphore, #tpu.memory_space<semaphore_mem>>)
        %dma_wait3A = arith.constant 0 : i32
        %dma_wait3A_245 = arith.constant 0 : i32
        %dma_wait3A_246 = tpu.memref_slice %arg16[%dma_wait3A, %dma_wait3A_245] : memref<128x128xf32, #tpu.memory_space<vmem>> -> memref<80x128xf32, #tpu.memory_space<vmem>>
        %dma_wait3A_247 = arith.constant 0 : i32
        %dma_wait3A_248 = tpu.memref_slice %arg18[%multiple_of3A, %dma_wait3A_247] : memref<10000x128xf32, #tpu.memory_space<vmem_shared>> -> memref<80x128xf32, #tpu.memory_space<vmem_shared>>
        %dma_wait3A_249 = arith.constant 0 : i32
        %dma_wait3A_250 = tpu.memref_slice %arg18[%multiple_of3A, %dma_wait3A_249] : memref<10000x128xf32, #tpu.memory_space<vmem_shared>> -> memref<80x128xf32, #tpu.memory_space<vmem_shared>>
        %dma_wait3A_251 = arith.constant 0 : i32
        %dma_wait3A_252 = arith.constant 0 : i32
        %dma_wait3A_253 = tpu.memref_slice %arg16[%dma_wait3A_251, %dma_wait3A_252] : memref<128x128xf32, #tpu.memory_space<vmem>> -> memref<80x128xf32, #tpu.memory_space<vmem>>
        tpu.wait_dma2 semaphore(%run_scoped3A : memref<!tpu.dma_semaphore, #tpu.memory_space<semaphore_mem>>) src(%dma_wait3A_253 : memref<80x128xf32, #tpu.memory_space<vmem>>) dst(%dma_wait3A_250 : memref<80x128xf32, #tpu.memory_space<vmem_shared>>)
        tpu.yield
      }) : () -> ()
    } else {
    }
    %add3A_31 = arith.constant 80 : i32
    %add3A_32 = arith.addi %add3A_31, %arg1 : i32
    %lt3A_33 = arith.constant 125 : i32
    %lt3A_34 = arith.cmpi slt, %add3A_32, %lt3A_33 : i32
    %convert_element_type3A_35 = arith.extui %lt3A_34 : i1 to i32
    %cond3A_36 = arith.constant 0 : i32
    %cond3A_37 = arith.cmpi ne, %convert_element_type3A_35, %cond3A_36 : i32
    scf.if %cond3A_37 {
      %mul3A = arith.constant 80 : i32
      %mul3A_235 = arith.muli %add3A_32, %mul3A : i32
      %multiple_of3A = tpu.assume_multiple %mul3A_235, 80 : i32
      "tpu.region"() ({
        %run_scoped3A = tpu.sem_alloc : memref<!tpu.dma_semaphore, #tpu.memory_space<semaphore_mem>>
        %dma_start3A = arith.constant 0 : i32
        %dma_start3A_236 = arith.constant 0 : i32
        %dma_start3A_237 = tpu.memref_slice %arg16[%dma_start3A, %dma_start3A_236] : memref<128x128xf32, #tpu.memory_space<vmem>> -> memref<80x128xf32, #tpu.memory_space<vmem>>
        %dma_start3A_238 = arith.constant 0 : i32
        %dma_start3A_239 = tpu.memref_slice %arg18[%multiple_of3A, %dma_start3A_238] : memref<10000x128xf32, #tpu.memory_space<vmem_shared>> -> memref<80x128xf32, #tpu.memory_space<vmem_shared>>
        %dma_start3A_240 = arith.constant 0 : i32
        %dma_start3A_241 = tpu.memref_slice %arg18[%multiple_of3A, %dma_start3A_240] : memref<10000x128xf32, #tpu.memory_space<vmem_shared>> -> memref<80x128xf32, #tpu.memory_space<vmem_shared>>
        %dma_start3A_242 = arith.constant 0 : i32
        %dma_start3A_243 = arith.constant 0 : i32
        %dma_start3A_244 = tpu.memref_slice %arg16[%dma_start3A_242, %dma_start3A_243] : memref<128x128xf32, #tpu.memory_space<vmem>> -> memref<80x128xf32, #tpu.memory_space<vmem>>
        tpu.enqueue_dma source(%dma_start3A_244 : memref<80x128xf32, #tpu.memory_space<vmem>>) target(%dma_start3A_241 : memref<80x128xf32, #tpu.memory_space<vmem_shared>>) target_semaphore(%run_scoped3A : memref<!tpu.dma_semaphore, #tpu.memory_space<semaphore_mem>>)
        %dma_wait3A = arith.constant 0 : i32
        %dma_wait3A_245 = arith.constant 0 : i32
        %dma_wait3A_246 = tpu.memref_slice %arg16[%dma_wait3A, %dma_wait3A_245] : memref<128x128xf32, #tpu.memory_space<vmem>> -> memref<80x128xf32, #tpu.memory_space<vmem>>
        %dma_wait3A_247 = arith.constant 0 : i32
        %dma_wait3A_248 = tpu.memref_slice %arg18[%multiple_of3A, %dma_wait3A_247] : memref<10000x128xf32, #tpu.memory_space<vmem_shared>> -> memref<80x128xf32, #tpu.memory_space<vmem_shared>>
        %dma_wait3A_249 = arith.constant 0 : i32
        %dma_wait3A_250 = tpu.memref_slice %arg18[%multiple_of3A, %dma_wait3A_249] : memref<10000x128xf32, #tpu.memory_space<vmem_shared>> -> memref<80x128xf32, #tpu.memory_space<vmem_shared>>
        %dma_wait3A_251 = arith.constant 0 : i32
        %dma_wait3A_252 = arith.constant 0 : i32
        %dma_wait3A_253 = tpu.memref_slice %arg16[%dma_wait3A_251, %dma_wait3A_252] : memref<128x128xf32, #tpu.memory_space<vmem>> -> memref<80x128xf32, #tpu.memory_space<vmem>>
        tpu.wait_dma2 semaphore(%run_scoped3A : memref<!tpu.dma_semaphore, #tpu.memory_space<semaphore_mem>>) src(%dma_wait3A_253 : memref<80x128xf32, #tpu.memory_space<vmem>>) dst(%dma_wait3A_250 : memref<80x128xf32, #tpu.memory_space<vmem_shared>>)
        tpu.yield
      }) : () -> ()
    } else {
    }
    %add3A_38 = arith.constant 96 : i32
    %add3A_39 = arith.addi %add3A_38, %arg1 : i32
    %lt3A_40 = arith.constant 125 : i32
    %lt3A_41 = arith.cmpi slt, %add3A_39, %lt3A_40 : i32
    %convert_element_type3A_42 = arith.extui %lt3A_41 : i1 to i32
    %cond3A_43 = arith.constant 0 : i32
    %cond3A_44 = arith.cmpi ne, %convert_element_type3A_42, %cond3A_43 : i32
    scf.if %cond3A_44 {
      %mul3A = arith.constant 80 : i32
      %mul3A_235 = arith.muli %add3A_39, %mul3A : i32
      %multiple_of3A = tpu.assume_multiple %mul3A_235, 80 : i32
      "tpu.region"() ({
        %run_scoped3A = tpu.sem_alloc : memref<!tpu.dma_semaphore, #tpu.memory_space<semaphore_mem>>
        %dma_start3A = arith.constant 0 : i32
        %dma_start3A_236 = arith.constant 0 : i32
        %dma_start3A_237 = tpu.memref_slice %arg16[%dma_start3A, %dma_start3A_236] : memref<128x128xf32, #tpu.memory_space<vmem>> -> memref<80x128xf32, #tpu.memory_space<vmem>>
        %dma_start3A_238 = arith.constant 0 : i32
        %dma_start3A_239 = tpu.memref_slice %arg18[%multiple_of3A, %dma_start3A_238] : memref<10000x128xf32, #tpu.memory_space<vmem_shared>> -> memref<80x128xf32, #tpu.memory_space<vmem_shared>>
        %dma_start3A_240 = arith.constant 0 : i32
        %dma_start3A_241 = tpu.memref_slice %arg18[%multiple_of3A, %dma_start3A_240] : memref<10000x128xf32, #tpu.memory_space<vmem_shared>> -> memref<80x128xf32, #tpu.memory_space<vmem_shared>>
        %dma_start3A_242 = arith.constant 0 : i32
        %dma_start3A_243 = arith.constant 0 : i32
        %dma_start3A_244 = tpu.memref_slice %arg16[%dma_start3A_242, %dma_start3A_243] : memref<128x128xf32, #tpu.memory_space<vmem>> -> memref<80x128xf32, #tpu.memory_space<vmem>>
        tpu.enqueue_dma source(%dma_start3A_244 : memref<80x128xf32, #tpu.memory_space<vmem>>) target(%dma_start3A_241 : memref<80x128xf32, #tpu.memory_space<vmem_shared>>) target_semaphore(%run_scoped3A : memref<!tpu.dma_semaphore, #tpu.memory_space<semaphore_mem>>)
        %dma_wait3A = arith.constant 0 : i32
        %dma_wait3A_245 = arith.constant 0 : i32
        %dma_wait3A_246 = tpu.memref_slice %arg16[%dma_wait3A, %dma_wait3A_245] : memref<128x128xf32, #tpu.memory_space<vmem>> -> memref<80x128xf32, #tpu.memory_space<vmem>>
        %dma_wait3A_247 = arith.constant 0 : i32
        %dma_wait3A_248 = tpu.memref_slice %arg18[%multiple_of3A, %dma_wait3A_247] : memref<10000x128xf32, #tpu.memory_space<vmem_shared>> -> memref<80x128xf32, #tpu.memory_space<vmem_shared>>
        %dma_wait3A_249 = arith.constant 0 : i32
        %dma_wait3A_250 = tpu.memref_slice %arg18[%multiple_of3A, %dma_wait3A_249] : memref<10000x128xf32, #tpu.memory_space<vmem_shared>> -> memref<80x128xf32, #tpu.memory_space<vmem_shared>>
        %dma_wait3A_251 = arith.constant 0 : i32
        %dma_wait3A_252 = arith.constant 0 : i32
        %dma_wait3A_253 = tpu.memref_slice %arg16[%dma_wait3A_251, %dma_wait3A_252] : memref<128x128xf32, #tpu.memory_space<vmem>> -> memref<80x128xf32, #tpu.memory_space<vmem>>
        tpu.wait_dma2 semaphore(%run_scoped3A : memref<!tpu.dma_semaphore, #tpu.memory_space<semaphore_mem>>) src(%dma_wait3A_253 : memref<80x128xf32, #tpu.memory_space<vmem>>) dst(%dma_wait3A_250 : memref<80x128xf32, #tpu.memory_space<vmem_shared>>)
        tpu.yield
      }) : () -> ()
    } else {
    }
    %add3A_45 = arith.constant 112 : i32
    %add3A_46 = arith.addi %add3A_45, %arg1 : i32
    %lt3A_47 = arith.constant 125 : i32
    %lt3A_48 = arith.cmpi slt, %add3A_46, %lt3A_47 : i32
    %convert_element_type3A_49 = arith.extui %lt3A_48 : i1 to i32
    %cond3A_50 = arith.constant 0 : i32
    %cond3A_51 = arith.cmpi ne, %convert_element_type3A_49, %cond3A_50 : i32
    scf.if %cond3A_51 {
      %mul3A = arith.constant 80 : i32
      %mul3A_235 = arith.muli %add3A_46, %mul3A : i32
      %multiple_of3A = tpu.assume_multiple %mul3A_235, 80 : i32
      "tpu.region"() ({
        %run_scoped3A = tpu.sem_alloc : memref<!tpu.dma_semaphore, #tpu.memory_space<semaphore_mem>>
        %dma_start3A = arith.constant 0 : i32
        %dma_start3A_236 = arith.constant 0 : i32
        %dma_start3A_237 = tpu.memref_slice %arg16[%dma_start3A, %dma_start3A_236] : memref<128x128xf32, #tpu.memory_space<vmem>> -> memref<80x128xf32, #tpu.memory_space<vmem>>
        %dma_start3A_238 = arith.constant 0 : i32
        %dma_start3A_239 = tpu.memref_slice %arg18[%multiple_of3A, %dma_start3A_238] : memref<10000x128xf32, #tpu.memory_space<vmem_shared>> -> memref<80x128xf32, #tpu.memory_space<vmem_shared>>
        %dma_start3A_240 = arith.constant 0 : i32
        %dma_start3A_241 = tpu.memref_slice %arg18[%multiple_of3A, %dma_start3A_240] : memref<10000x128xf32, #tpu.memory_space<vmem_shared>> -> memref<80x128xf32, #tpu.memory_space<vmem_shared>>
        %dma_start3A_242 = arith.constant 0 : i32
        %dma_start3A_243 = arith.constant 0 : i32
        %dma_start3A_244 = tpu.memref_slice %arg16[%dma_start3A_242, %dma_start3A_243] : memref<128x128xf32, #tpu.memory_space<vmem>> -> memref<80x128xf32, #tpu.memory_space<vmem>>
        tpu.enqueue_dma source(%dma_start3A_244 : memref<80x128xf32, #tpu.memory_space<vmem>>) target(%dma_start3A_241 : memref<80x128xf32, #tpu.memory_space<vmem_shared>>) target_semaphore(%run_scoped3A : memref<!tpu.dma_semaphore, #tpu.memory_space<semaphore_mem>>)
        %dma_wait3A = arith.constant 0 : i32
        %dma_wait3A_245 = arith.constant 0 : i32
        %dma_wait3A_246 = tpu.memref_slice %arg16[%dma_wait3A, %dma_wait3A_245] : memref<128x128xf32, #tpu.memory_space<vmem>> -> memref<80x128xf32, #tpu.memory_space<vmem>>
        %dma_wait3A_247 = arith.constant 0 : i32
        %dma_wait3A_248 = tpu.memref_slice %arg18[%multiple_of3A, %dma_wait3A_247] : memref<10000x128xf32, #tpu.memory_space<vmem_shared>> -> memref<80x128xf32, #tpu.memory_space<vmem_shared>>
        %dma_wait3A_249 = arith.constant 0 : i32
        %dma_wait3A_250 = tpu.memref_slice %arg18[%multiple_of3A, %dma_wait3A_249] : memref<10000x128xf32, #tpu.memory_space<vmem_shared>> -> memref<80x128xf32, #tpu.memory_space<vmem_shared>>
        %dma_wait3A_251 = arith.constant 0 : i32
        %dma_wait3A_252 = arith.constant 0 : i32
        %dma_wait3A_253 = tpu.memref_slice %arg16[%dma_wait3A_251, %dma_wait3A_252] : memref<128x128xf32, #tpu.memory_space<vmem>> -> memref<80x128xf32, #tpu.memory_space<vmem>>
        tpu.wait_dma2 semaphore(%run_scoped3A : memref<!tpu.dma_semaphore, #tpu.memory_space<semaphore_mem>>) src(%dma_wait3A_253 : memref<80x128xf32, #tpu.memory_space<vmem>>) dst(%dma_wait3A_250 : memref<80x128xf32, #tpu.memory_space<vmem_shared>>)
        tpu.yield
      }) : () -> ()
    } else {
    }
    %barrier3A = arith.constant 0 : index
    tpu.barrier barrier_id(%barrier3A)
    %scan3A = arith.constant 0 : i32
    %scan3A_52 = arith.constant 0 : i32
    %scan3A_53 = arith.constant 40 : i32
    %scan3A_54 = arith.addi %scan3A_52, %scan3A_53 : i32
    %scan3A_55 = arith.constant 1 : i32
    scf.for %scan3A_235 = %scan3A_52 to %scan3A_54 step %scan3A_55  : i32 {
      %mul3A = arith.constant 16 : i32
      %mul3A_236 = arith.muli %scan3A_235, %mul3A : i32
      %add3A_237 = arith.addi %mul3A_236, %arg1 : i32
      %lt3A_238 = arith.constant 625 : i32
      %lt3A_239 = arith.cmpi slt, %add3A_237, %lt3A_238 : i32
      %convert_element_type3A_240 = arith.extui %lt3A_239 : i1 to i32
      %cond3A_241 = arith.constant 0 : i32
      %cond3A_242 = arith.cmpi ne, %convert_element_type3A_240, %cond3A_241 : i32
      scf.if %cond3A_242 {
        %mul3A_243 = arith.constant 2 : i32
        %mul3A_244 = arith.muli %mul3A_243, %add3A_237 : i32
        %mul3A_245 = arith.constant 128 : i32
        %mul3A_246 = arith.muli %mul3A_244, %mul3A_245 : i32
        %multiple_of3A = tpu.assume_multiple %mul3A_246, 128 : i32
        %mul3A_247 = arith.constant 2 : i32
        %mul3A_248 = arith.muli %mul3A_247, %add3A_237 : i32
        %add3A_249 = arith.constant 1 : i32
        %add3A_250 = arith.addi %mul3A_248, %add3A_249 : i32
        %mul3A_251 = arith.constant 128 : i32
        %mul3A_252 = arith.muli %add3A_250, %mul3A_251 : i32
        %multiple_of3A_253 = tpu.assume_multiple %mul3A_252, 128 : i32
        "tpu.region"() ({
          %run_scoped3A = tpu.sem_alloc : memref<!tpu.dma_semaphore, #tpu.memory_space<semaphore_mem>>
          %dma_start3A = tpu.memref_slice %arg4[%multiple_of3A] : memref<160000xi32, #tpu.memory_space<hbm>> -> memref<128xi32, #tpu.memory_space<hbm>>
          %dma_start3A_263 = tpu.memref_slice %arg4[%multiple_of3A] : memref<160000xi32, #tpu.memory_space<hbm>> -> memref<128xi32, #tpu.memory_space<hbm>>
          tpu.enqueue_dma source(%dma_start3A_263 : memref<128xi32, #tpu.memory_space<hbm>>) target(%arg12 : memref<128xi32, #tpu.memory_space<vmem>>) target_semaphore(%run_scoped3A : memref<!tpu.dma_semaphore, #tpu.memory_space<semaphore_mem>>)
          %dma_wait3A = tpu.memref_slice %arg4[%multiple_of3A] : memref<160000xi32, #tpu.memory_space<hbm>> -> memref<128xi32, #tpu.memory_space<hbm>>
          %dma_wait3A_264 = tpu.memref_slice %arg4[%multiple_of3A] : memref<160000xi32, #tpu.memory_space<hbm>> -> memref<128xi32, #tpu.memory_space<hbm>>
          tpu.wait_dma2 semaphore(%run_scoped3A : memref<!tpu.dma_semaphore, #tpu.memory_space<semaphore_mem>>) src(%dma_wait3A_264 : memref<128xi32, #tpu.memory_space<hbm>>) dst(%arg12 : memref<128xi32, #tpu.memory_space<vmem>>)
          tpu.yield
        }) : () -> ()
        "tpu.region"() ({
          %run_scoped3A = tpu.sem_alloc : memref<!tpu.dma_semaphore, #tpu.memory_space<semaphore_mem>>
          %dma_start3A = tpu.memref_slice %arg4[%multiple_of3A_253] : memref<160000xi32, #tpu.memory_space<hbm>> -> memref<128xi32, #tpu.memory_space<hbm>>
          %dma_start3A_263 = tpu.memref_slice %arg4[%multiple_of3A_253] : memref<160000xi32, #tpu.memory_space<hbm>> -> memref<128xi32, #tpu.memory_space<hbm>>
          tpu.enqueue_dma source(%dma_start3A_263 : memref<128xi32, #tpu.memory_space<hbm>>) target(%arg13 : memref<128xi32, #tpu.memory_space<vmem>>) target_semaphore(%run_scoped3A : memref<!tpu.dma_semaphore, #tpu.memory_space<semaphore_mem>>)
          %dma_wait3A = tpu.memref_slice %arg4[%multiple_of3A_253] : memref<160000xi32, #tpu.memory_space<hbm>> -> memref<128xi32, #tpu.memory_space<hbm>>
          %dma_wait3A_264 = tpu.memref_slice %arg4[%multiple_of3A_253] : memref<160000xi32, #tpu.memory_space<hbm>> -> memref<128xi32, #tpu.memory_space<hbm>>
          tpu.wait_dma2 semaphore(%run_scoped3A : memref<!tpu.dma_semaphore, #tpu.memory_space<semaphore_mem>>) src(%dma_wait3A_264 : memref<128xi32, #tpu.memory_space<hbm>>) dst(%arg13 : memref<128xi32, #tpu.memory_space<vmem>>)
          tpu.yield
        }) : () -> ()
        "tpu.region"() ({
          %run_scoped3A = tpu.sem_alloc : memref<!tpu.dma_semaphore, #tpu.memory_space<semaphore_mem>>
          %dma_start3A = tpu.memref_slice %arg5[%multiple_of3A] : memref<160000xi32, #tpu.memory_space<hbm>> -> memref<128xi32, #tpu.memory_space<hbm>>
          %dma_start3A_263 = tpu.memref_slice %arg5[%multiple_of3A] : memref<160000xi32, #tpu.memory_space<hbm>> -> memref<128xi32, #tpu.memory_space<hbm>>
          tpu.enqueue_dma source(%dma_start3A_263 : memref<128xi32, #tpu.memory_space<hbm>>) target(%arg14 : memref<128xi32, #tpu.memory_space<vmem>>) target_semaphore(%run_scoped3A : memref<!tpu.dma_semaphore, #tpu.memory_space<semaphore_mem>>)
          %dma_wait3A = tpu.memref_slice %arg5[%multiple_of3A] : memref<160000xi32, #tpu.memory_space<hbm>> -> memref<128xi32, #tpu.memory_space<hbm>>
          %dma_wait3A_264 = tpu.memref_slice %arg5[%multiple_of3A] : memref<160000xi32, #tpu.memory_space<hbm>> -> memref<128xi32, #tpu.memory_space<hbm>>
          tpu.wait_dma2 semaphore(%run_scoped3A : memref<!tpu.dma_semaphore, #tpu.memory_space<semaphore_mem>>) src(%dma_wait3A_264 : memref<128xi32, #tpu.memory_space<hbm>>) dst(%arg14 : memref<128xi32, #tpu.memory_space<vmem>>)
          tpu.yield
        }) : () -> ()
        "tpu.region"() ({
          %run_scoped3A = tpu.sem_alloc : memref<!tpu.dma_semaphore, #tpu.memory_space<semaphore_mem>>
          %dma_start3A = tpu.memref_slice %arg5[%multiple_of3A_253] : memref<160000xi32, #tpu.memory_space<hbm>> -> memref<128xi32, #tpu.memory_space<hbm>>
          %dma_start3A_263 = tpu.memref_slice %arg5[%multiple_of3A_253] : memref<160000xi32, #tpu.memory_space<hbm>> -> memref<128xi32, #tpu.memory_space<hbm>>
          tpu.enqueue_dma source(%dma_start3A_263 : memref<128xi32, #tpu.memory_space<hbm>>) target(%arg15 : memref<128xi32, #tpu.memory_space<vmem>>) target_semaphore(%run_scoped3A : memref<!tpu.dma_semaphore, #tpu.memory_space<semaphore_mem>>)
          %dma_wait3A = tpu.memref_slice %arg5[%multiple_of3A_253] : memref<160000xi32, #tpu.memory_space<hbm>> -> memref<128xi32, #tpu.memory_space<hbm>>
          %dma_wait3A_264 = tpu.memref_slice %arg5[%multiple_of3A_253] : memref<160000xi32, #tpu.memory_space<hbm>> -> memref<128xi32, #tpu.memory_space<hbm>>
          tpu.wait_dma2 semaphore(%run_scoped3A : memref<!tpu.dma_semaphore, #tpu.memory_space<semaphore_mem>>) src(%dma_wait3A_264 : memref<128xi32, #tpu.memory_space<hbm>>) dst(%arg15 : memref<128xi32, #tpu.memory_space<vmem>>)
          tpu.yield
        }) : () -> ()
        %eq3A = arith.constant 0 : i32
        %eq3A_254 = arith.cmpi eq, %arg0, %eq3A : i32
        %convert_element_type3A_255 = arith.extui %eq3A_254 : i1 to i32
        %cond3A_256 = arith.constant 0 : i32
        %cond3A_257 = arith.cmpi ne, %convert_element_type3A_255, %cond3A_256 : i32
        scf.if %cond3A_257 {
          %dma_start3A = arith.constant 0 : i32
          %dma_start3A_263 = arith.constant 0 : i32
          %dma_start3A_264 = tpu.memref_slice %arg2[%dma_start3A, %dma_start3A_263] : memref<10000x128xf32, #tpu.memory_space<hbm>> -> memref<10000x128xf32, #tpu.memory_space<hbm>>
          tpu.enqueue_indirect_dma source(%dma_start3A_264 : memref<10000x128xf32, #tpu.memory_space<hbm>>) target(%arg16 : memref<128x128xf32, #tpu.memory_space<vmem>>) offsets(%arg12 : memref<128xi32, #tpu.memory_space<vmem>>) semaphore(%arg19 : memref<!tpu.dma_semaphore, #tpu.memory_space<semaphore_mem>>)
          %dma_start3A_265 = arith.constant 0 : i32
          %dma_start3A_266 = arith.constant 0 : i32
          %dma_start3A_267 = tpu.memref_slice %arg2[%dma_start3A_265, %dma_start3A_266] : memref<10000x128xf32, #tpu.memory_space<hbm>> -> memref<10000x128xf32, #tpu.memory_space<hbm>>
          tpu.enqueue_indirect_dma source(%dma_start3A_267 : memref<10000x128xf32, #tpu.memory_space<hbm>>) target(%arg17 : memref<128x128xf32, #tpu.memory_space<vmem>>) offsets(%arg13 : memref<128xi32, #tpu.memory_space<vmem>>) semaphore(%arg20 : memref<!tpu.dma_semaphore, #tpu.memory_space<semaphore_mem>>)
          %dma_wait3A = arith.constant 0 : i32
          %dma_wait3A_268 = arith.constant 0 : i32
          %dma_wait3A_269 = tpu.memref_slice %arg2[%dma_wait3A, %dma_wait3A_268] : memref<10000x128xf32, #tpu.memory_space<hbm>> -> memref<10000x128xf32, #tpu.memory_space<hbm>>
          tpu.wait_indirect_dma semaphore(%arg19 : memref<!tpu.dma_semaphore, #tpu.memory_space<semaphore_mem>>) src(%dma_wait3A_269 : memref<10000x128xf32, #tpu.memory_space<hbm>>) dst(%arg16 : memref<128x128xf32, #tpu.memory_space<vmem>>)
          %dma_start3A_270 = arith.constant 0 : i32
          %dma_start3A_271 = arith.constant 0 : i32
          %dma_start3A_272 = tpu.memref_slice %arg18[%dma_start3A_270, %dma_start3A_271] : memref<10000x128xf32, #tpu.memory_space<vmem_shared>> -> memref<10000x128xf32, #tpu.memory_space<vmem_shared>>
          tpu.enqueue_indirect_dma source(%arg16 : memref<128x128xf32, #tpu.memory_space<vmem>>) target(%dma_start3A_272 : memref<10000x128xf32, #tpu.memory_space<vmem_shared>>) offsets(%arg14 : memref<128xi32, #tpu.memory_space<vmem>>) semaphore(%arg21 : memref<!tpu.dma_semaphore, #tpu.memory_space<semaphore_mem>>) {add = true}
          %dma_wait3A_273 = arith.constant 0 : i32
          %dma_wait3A_274 = arith.constant 0 : i32
          %dma_wait3A_275 = tpu.memref_slice %arg2[%dma_wait3A_273, %dma_wait3A_274] : memref<10000x128xf32, #tpu.memory_space<hbm>> -> memref<10000x128xf32, #tpu.memory_space<hbm>>
          tpu.wait_indirect_dma semaphore(%arg20 : memref<!tpu.dma_semaphore, #tpu.memory_space<semaphore_mem>>) src(%dma_wait3A_275 : memref<10000x128xf32, #tpu.memory_space<hbm>>) dst(%arg17 : memref<128x128xf32, #tpu.memory_space<vmem>>)
          %dma_start3A_276 = arith.constant 0 : i32
          %dma_start3A_277 = arith.constant 0 : i32
          %dma_start3A_278 = tpu.memref_slice %arg18[%dma_start3A_276, %dma_start3A_277] : memref<10000x128xf32, #tpu.memory_space<vmem_shared>> -> memref<10000x128xf32, #tpu.memory_space<vmem_shared>>
          tpu.enqueue_indirect_dma source(%arg17 : memref<128x128xf32, #tpu.memory_space<vmem>>) target(%dma_start3A_278 : memref<10000x128xf32, #tpu.memory_space<vmem_shared>>) offsets(%arg15 : memref<128xi32, #tpu.memory_space<vmem>>) semaphore(%arg22 : memref<!tpu.dma_semaphore, #tpu.memory_space<semaphore_mem>>) {add = true}
          %dma_wait3A_279 = arith.constant 0 : i32
          %dma_wait3A_280 = arith.constant 0 : i32
          %dma_wait3A_281 = tpu.memref_slice %arg18[%dma_wait3A_279, %dma_wait3A_280] : memref<10000x128xf32, #tpu.memory_space<vmem_shared>> -> memref<10000x128xf32, #tpu.memory_space<vmem_shared>>
          tpu.wait_indirect_dma semaphore(%arg21 : memref<!tpu.dma_semaphore, #tpu.memory_space<semaphore_mem>>) src(%arg16 : memref<128x128xf32, #tpu.memory_space<vmem>>) dst(%dma_wait3A_281 : memref<10000x128xf32, #tpu.memory_space<vmem_shared>>)
          %dma_wait3A_282 = arith.constant 0 : i32
          %dma_wait3A_283 = arith.constant 0 : i32
          %dma_wait3A_284 = tpu.memref_slice %arg18[%dma_wait3A_282, %dma_wait3A_283] : memref<10000x128xf32, #tpu.memory_space<vmem_shared>> -> memref<10000x128xf32, #tpu.memory_space<vmem_shared>>
          tpu.wait_indirect_dma semaphore(%arg22 : memref<!tpu.dma_semaphore, #tpu.memory_space<semaphore_mem>>) src(%arg17 : memref<128x128xf32, #tpu.memory_space<vmem>>) dst(%dma_wait3A_284 : memref<10000x128xf32, #tpu.memory_space<vmem_shared>>)
        } else {
        }
        %eq3A_258 = arith.constant 1 : i32
        %eq3A_259 = arith.cmpi eq, %arg0, %eq3A_258 : i32
        %convert_element_type3A_260 = arith.extui %eq3A_259 : i1 to i32
        %cond3A_261 = arith.constant 0 : i32
        %cond3A_262 = arith.cmpi ne, %convert_element_type3A_260, %cond3A_261 : i32
        scf.if %cond3A_262 {
          %dma_start3A = arith.constant 0 : i32
          %dma_start3A_263 = arith.constant 0 : i32
          %dma_start3A_264 = tpu.memref_slice %arg3[%dma_start3A, %dma_start3A_263] : memref<10000x128xf32, #tpu.memory_space<hbm>> -> memref<10000x128xf32, #tpu.memory_space<hbm>>
          tpu.enqueue_indirect_dma source(%dma_start3A_264 : memref<10000x128xf32, #tpu.memory_space<hbm>>) target(%arg16 : memref<128x128xf32, #tpu.memory_space<vmem>>) offsets(%arg12 : memref<128xi32, #tpu.memory_space<vmem>>) semaphore(%arg19 : memref<!tpu.dma_semaphore, #tpu.memory_space<semaphore_mem>>)
          %dma_start3A_265 = arith.constant 0 : i32
          %dma_start3A_266 = arith.constant 0 : i32
          %dma_start3A_267 = tpu.memref_slice %arg3[%dma_start3A_265, %dma_start3A_266] : memref<10000x128xf32, #tpu.memory_space<hbm>> -> memref<10000x128xf32, #tpu.memory_space<hbm>>
          tpu.enqueue_indirect_dma source(%dma_start3A_267 : memref<10000x128xf32, #tpu.memory_space<hbm>>) target(%arg17 : memref<128x128xf32, #tpu.memory_space<vmem>>) offsets(%arg13 : memref<128xi32, #tpu.memory_space<vmem>>) semaphore(%arg20 : memref<!tpu.dma_semaphore, #tpu.memory_space<semaphore_mem>>)
          %dma_wait3A = arith.constant 0 : i32
          %dma_wait3A_268 = arith.constant 0 : i32
          %dma_wait3A_269 = tpu.memref_slice %arg3[%dma_wait3A, %dma_wait3A_268] : memref<10000x128xf32, #tpu.memory_space<hbm>> -> memref<10000x128xf32, #tpu.memory_space<hbm>>
          tpu.wait_indirect_dma semaphore(%arg19 : memref<!tpu.dma_semaphore, #tpu.memory_space<semaphore_mem>>) src(%dma_wait3A_269 : memref<10000x128xf32, #tpu.memory_space<hbm>>) dst(%arg16 : memref<128x128xf32, #tpu.memory_space<vmem>>)
          %dma_start3A_270 = arith.constant 0 : i32
          %dma_start3A_271 = arith.constant 0 : i32
          %dma_start3A_272 = tpu.memref_slice %arg18[%dma_start3A_270, %dma_start3A_271] : memref<10000x128xf32, #tpu.memory_space<vmem_shared>> -> memref<10000x128xf32, #tpu.memory_space<vmem_shared>>
          tpu.enqueue_indirect_dma source(%arg16 : memref<128x128xf32, #tpu.memory_space<vmem>>) target(%dma_start3A_272 : memref<10000x128xf32, #tpu.memory_space<vmem_shared>>) offsets(%arg14 : memref<128xi32, #tpu.memory_space<vmem>>) semaphore(%arg21 : memref<!tpu.dma_semaphore, #tpu.memory_space<semaphore_mem>>) {add = true}
          %dma_wait3A_273 = arith.constant 0 : i32
          %dma_wait3A_274 = arith.constant 0 : i32
          %dma_wait3A_275 = tpu.memref_slice %arg3[%dma_wait3A_273, %dma_wait3A_274] : memref<10000x128xf32, #tpu.memory_space<hbm>> -> memref<10000x128xf32, #tpu.memory_space<hbm>>
          tpu.wait_indirect_dma semaphore(%arg20 : memref<!tpu.dma_semaphore, #tpu.memory_space<semaphore_mem>>) src(%dma_wait3A_275 : memref<10000x128xf32, #tpu.memory_space<hbm>>) dst(%arg17 : memref<128x128xf32, #tpu.memory_space<vmem>>)
          %dma_start3A_276 = arith.constant 0 : i32
          %dma_start3A_277 = arith.constant 0 : i32
          %dma_start3A_278 = tpu.memref_slice %arg18[%dma_start3A_276, %dma_start3A_277] : memref<10000x128xf32, #tpu.memory_space<vmem_shared>> -> memref<10000x128xf32, #tpu.memory_space<vmem_shared>>
          tpu.enqueue_indirect_dma source(%arg17 : memref<128x128xf32, #tpu.memory_space<vmem>>) target(%dma_start3A_278 : memref<10000x128xf32, #tpu.memory_space<vmem_shared>>) offsets(%arg15 : memref<128xi32, #tpu.memory_space<vmem>>) semaphore(%arg22 : memref<!tpu.dma_semaphore, #tpu.memory_space<semaphore_mem>>) {add = true}
          %dma_wait3A_279 = arith.constant 0 : i32
          %dma_wait3A_280 = arith.constant 0 : i32
          %dma_wait3A_281 = tpu.memref_slice %arg18[%dma_wait3A_279, %dma_wait3A_280] : memref<10000x128xf32, #tpu.memory_space<vmem_shared>> -> memref<10000x128xf32, #tpu.memory_space<vmem_shared>>
          tpu.wait_indirect_dma semaphore(%arg21 : memref<!tpu.dma_semaphore, #tpu.memory_space<semaphore_mem>>) src(%arg16 : memref<128x128xf32, #tpu.memory_space<vmem>>) dst(%dma_wait3A_281 : memref<10000x128xf32, #tpu.memory_space<vmem_shared>>)
          %dma_wait3A_282 = arith.constant 0 : i32
          %dma_wait3A_283 = arith.constant 0 : i32
          %dma_wait3A_284 = tpu.memref_slice %arg18[%dma_wait3A_282, %dma_wait3A_283] : memref<10000x128xf32, #tpu.memory_space<vmem_shared>> -> memref<10000x128xf32, #tpu.memory_space<vmem_shared>>
          tpu.wait_indirect_dma semaphore(%arg22 : memref<!tpu.dma_semaphore, #tpu.memory_space<semaphore_mem>>) src(%arg17 : memref<128x128xf32, #tpu.memory_space<vmem>>) dst(%dma_wait3A_284 : memref<10000x128xf32, #tpu.memory_space<vmem_shared>>)
        } else {
        }
      } else {
      }
    }
    %scan3A_56 = arith.constant 40 : i32
    %barrier3A_57 = arith.constant 0 : index
    tpu.barrier barrier_id(%barrier3A_57)
    %add3A_58 = arith.constant 0 : i32
    %add3A_59 = arith.addi %add3A_58, %arg1 : i32
    %lt3A_60 = arith.constant 125 : i32
    %lt3A_61 = arith.cmpi slt, %add3A_59, %lt3A_60 : i32
    %convert_element_type3A_62 = arith.extui %lt3A_61 : i1 to i32
    %cond3A_63 = arith.constant 0 : i32
    %cond3A_64 = arith.cmpi ne, %convert_element_type3A_62, %cond3A_63 : i32
    scf.if %cond3A_64 {
      %mul3A = arith.constant 80 : i32
      %mul3A_235 = arith.muli %add3A_59, %mul3A : i32
      %multiple_of3A = tpu.assume_multiple %mul3A_235, 80 : i32
      "tpu.region"() ({
        %run_scoped3A = tpu.sem_alloc : memref<!tpu.dma_semaphore, #tpu.memory_space<semaphore_mem>>
        %dma_start3A = arith.constant 0 : i32
        %dma_start3A_245 = arith.constant 0 : i32
        %dma_start3A_246 = tpu.memref_slice %arg16[%dma_start3A, %dma_start3A_245] : memref<128x128xf32, #tpu.memory_space<vmem>> -> memref<80x128xf32, #tpu.memory_space<vmem>>
        %dma_start3A_247 = arith.constant 0 : i32
        %dma_start3A_248 = tpu.memref_slice %arg18[%multiple_of3A, %dma_start3A_247] : memref<10000x128xf32, #tpu.memory_space<vmem_shared>> -> memref<80x128xf32, #tpu.memory_space<vmem_shared>>
        %dma_start3A_249 = arith.constant 0 : i32
        %dma_start3A_250 = arith.constant 0 : i32
        %dma_start3A_251 = tpu.memref_slice %arg16[%dma_start3A_249, %dma_start3A_250] : memref<128x128xf32, #tpu.memory_space<vmem>> -> memref<80x128xf32, #tpu.memory_space<vmem>>
        %dma_start3A_252 = arith.constant 0 : i32
        %dma_start3A_253 = tpu.memref_slice %arg18[%multiple_of3A, %dma_start3A_252] : memref<10000x128xf32, #tpu.memory_space<vmem_shared>> -> memref<80x128xf32, #tpu.memory_space<vmem_shared>>
        tpu.enqueue_dma source(%dma_start3A_253 : memref<80x128xf32, #tpu.memory_space<vmem_shared>>) target(%dma_start3A_251 : memref<80x128xf32, #tpu.memory_space<vmem>>) target_semaphore(%run_scoped3A : memref<!tpu.dma_semaphore, #tpu.memory_space<semaphore_mem>>)
        %dma_wait3A = arith.constant 0 : i32
        %dma_wait3A_254 = arith.constant 0 : i32
        %dma_wait3A_255 = tpu.memref_slice %arg16[%dma_wait3A, %dma_wait3A_254] : memref<128x128xf32, #tpu.memory_space<vmem>> -> memref<80x128xf32, #tpu.memory_space<vmem>>
        %dma_wait3A_256 = arith.constant 0 : i32
        %dma_wait3A_257 = tpu.memref_slice %arg18[%multiple_of3A, %dma_wait3A_256] : memref<10000x128xf32, #tpu.memory_space<vmem_shared>> -> memref<80x128xf32, #tpu.memory_space<vmem_shared>>
        %dma_wait3A_258 = arith.constant 0 : i32
        %dma_wait3A_259 = arith.constant 0 : i32
        %dma_wait3A_260 = tpu.memref_slice %arg16[%dma_wait3A_258, %dma_wait3A_259] : memref<128x128xf32, #tpu.memory_space<vmem>> -> memref<80x128xf32, #tpu.memory_space<vmem>>
        %dma_wait3A_261 = arith.constant 0 : i32
        %dma_wait3A_262 = tpu.memref_slice %arg18[%multiple_of3A, %dma_wait3A_261] : memref<10000x128xf32, #tpu.memory_space<vmem_shared>> -> memref<80x128xf32, #tpu.memory_space<vmem_shared>>
        tpu.wait_dma2 semaphore(%run_scoped3A : memref<!tpu.dma_semaphore, #tpu.memory_space<semaphore_mem>>) src(%dma_wait3A_262 : memref<80x128xf32, #tpu.memory_space<vmem_shared>>) dst(%dma_wait3A_260 : memref<80x128xf32, #tpu.memory_space<vmem>>)
        tpu.yield
      }) : () -> ()
      %eq3A = arith.constant 0 : i32
      %eq3A_236 = arith.cmpi eq, %arg0, %eq3A : i32
      %convert_element_type3A_237 = arith.extui %eq3A_236 : i1 to i32
      %cond3A_238 = arith.constant 0 : i32
      %cond3A_239 = arith.cmpi ne, %convert_element_type3A_237, %cond3A_238 : i32
      scf.if %cond3A_239 {
        "tpu.region"() ({
          %run_scoped3A = tpu.sem_alloc : memref<!tpu.dma_semaphore, #tpu.memory_space<semaphore_mem>>
          %dma_start3A = arith.constant 0 : i32
          %dma_start3A_245 = arith.constant 0 : i32
          %dma_start3A_246 = tpu.memref_slice %arg16[%dma_start3A, %dma_start3A_245] : memref<128x128xf32, #tpu.memory_space<vmem>> -> memref<80x128xf32, #tpu.memory_space<vmem>>
          %dma_start3A_247 = arith.constant 0 : i32
          %dma_start3A_248 = tpu.memref_slice %arg8[%multiple_of3A, %dma_start3A_247] : memref<10000x128xf32, #tpu.memory_space<hbm>> -> memref<80x128xf32, #tpu.memory_space<hbm>>
          %dma_start3A_249 = arith.constant 0 : i32
          %dma_start3A_250 = tpu.memref_slice %arg8[%multiple_of3A, %dma_start3A_249] : memref<10000x128xf32, #tpu.memory_space<hbm>> -> memref<80x128xf32, #tpu.memory_space<hbm>>
          %dma_start3A_251 = arith.constant 0 : i32
          %dma_start3A_252 = arith.constant 0 : i32
          %dma_start3A_253 = tpu.memref_slice %arg16[%dma_start3A_251, %dma_start3A_252] : memref<128x128xf32, #tpu.memory_space<vmem>> -> memref<80x128xf32, #tpu.memory_space<vmem>>
          tpu.enqueue_dma source(%dma_start3A_253 : memref<80x128xf32, #tpu.memory_space<vmem>>) target(%dma_start3A_250 : memref<80x128xf32, #tpu.memory_space<hbm>>) target_semaphore(%run_scoped3A : memref<!tpu.dma_semaphore, #tpu.memory_space<semaphore_mem>>)
          %dma_wait3A = arith.constant 0 : i32
          %dma_wait3A_254 = arith.constant 0 : i32
          %dma_wait3A_255 = tpu.memref_slice %arg16[%dma_wait3A, %dma_wait3A_254] : memref<128x128xf32, #tpu.memory_space<vmem>> -> memref<80x128xf32, #tpu.memory_space<vmem>>
          %dma_wait3A_256 = arith.constant 0 : i32
          %dma_wait3A_257 = tpu.memref_slice %arg8[%multiple_of3A, %dma_wait3A_256] : memref<10000x128xf32, #tpu.memory_space<hbm>> -> memref<80x128xf32, #tpu.memory_space<hbm>>
          %dma_wait3A_258 = arith.constant 0 : i32
          %dma_wait3A_259 = tpu.memref_slice %arg8[%multiple_of3A, %dma_wait3A_258] : memref<10000x128xf32, #tpu.memory_space<hbm>> -> memref<80x128xf32, #tpu.memory_space<hbm>>
          %dma_wait3A_260 = arith.constant 0 : i32
          %dma_wait3A_261 = arith.constant 0 : i32
          %dma_wait3A_262 = tpu.memref_slice %arg16[%dma_wait3A_260, %dma_wait3A_261] : memref<128x128xf32, #tpu.memory_space<vmem>> -> memref<80x128xf32, #tpu.memory_space<vmem>>
          tpu.wait_dma2 semaphore(%run_scoped3A : memref<!tpu.dma_semaphore, #tpu.memory_space<semaphore_mem>>) src(%dma_wait3A_262 : memref<80x128xf32, #tpu.memory_space<vmem>>) dst(%dma_wait3A_259 : memref<80x128xf32, #tpu.memory_space<hbm>>)
          tpu.yield
        }) : () -> ()
      } else {
      }
      %eq3A_240 = arith.constant 1 : i32
      %eq3A_241 = arith.cmpi eq, %arg0, %eq3A_240 : i32
      %convert_element_type3A_242 = arith.extui %eq3A_241 : i1 to i32
      %cond3A_243 = arith.constant 0 : i32
      %cond3A_244 = arith.cmpi ne, %convert_element_type3A_242, %cond3A_243 : i32
      scf.if %cond3A_244 {
        "tpu.region"() ({
          %run_scoped3A = tpu.sem_alloc : memref<!tpu.dma_semaphore, #tpu.memory_space<semaphore_mem>>
          %dma_start3A = arith.constant 0 : i32
          %dma_start3A_245 = arith.constant 0 : i32
          %dma_start3A_246 = tpu.memref_slice %arg16[%dma_start3A, %dma_start3A_245] : memref<128x128xf32, #tpu.memory_space<vmem>> -> memref<80x128xf32, #tpu.memory_space<vmem>>
          %dma_start3A_247 = arith.constant 0 : i32
          %dma_start3A_248 = tpu.memref_slice %arg9[%multiple_of3A, %dma_start3A_247] : memref<10000x128xf32, #tpu.memory_space<hbm>> -> memref<80x128xf32, #tpu.memory_space<hbm>>
          %dma_start3A_249 = arith.constant 0 : i32
          %dma_start3A_250 = tpu.memref_slice %arg9[%multiple_of3A, %dma_start3A_249] : memref<10000x128xf32, #tpu.memory_space<hbm>> -> memref<80x128xf32, #tpu.memory_space<hbm>>
          %dma_start3A_251 = arith.constant 0 : i32
          %dma_start3A_252 = arith.constant 0 : i32
          %dma_start3A_253 = tpu.memref_slice %arg16[%dma_start3A_251, %dma_start3A_252] : memref<128x128xf32, #tpu.memory_space<vmem>> -> memref<80x128xf32, #tpu.memory_space<vmem>>
          tpu.enqueue_dma source(%dma_start3A_253 : memref<80x128xf32, #tpu.memory_space<vmem>>) target(%dma_start3A_250 : memref<80x128xf32, #tpu.memory_space<hbm>>) target_semaphore(%run_scoped3A : memref<!tpu.dma_semaphore, #tpu.memory_space<semaphore_mem>>)
          %dma_wait3A = arith.constant 0 : i32
          %dma_wait3A_254 = arith.constant 0 : i32
          %dma_wait3A_255 = tpu.memref_slice %arg16[%dma_wait3A, %dma_wait3A_254] : memref<128x128xf32, #tpu.memory_space<vmem>> -> memref<80x128xf32, #tpu.memory_space<vmem>>
          %dma_wait3A_256 = arith.constant 0 : i32
          %dma_wait3A_257 = tpu.memref_slice %arg9[%multiple_of3A, %dma_wait3A_256] : memref<10000x128xf32, #tpu.memory_space<hbm>> -> memref<80x128xf32, #tpu.memory_space<hbm>>
          %dma_wait3A_258 = arith.constant 0 : i32
          %dma_wait3A_259 = tpu.memref_slice %arg9[%multiple_of3A, %dma_wait3A_258] : memref<10000x128xf32, #tpu.memory_space<hbm>> -> memref<80x128xf32, #tpu.memory_space<hbm>>
          %dma_wait3A_260 = arith.constant 0 : i32
          %dma_wait3A_261 = arith.constant 0 : i32
          %dma_wait3A_262 = tpu.memref_slice %arg16[%dma_wait3A_260, %dma_wait3A_261] : memref<128x128xf32, #tpu.memory_space<vmem>> -> memref<80x128xf32, #tpu.memory_space<vmem>>
          tpu.wait_dma2 semaphore(%run_scoped3A : memref<!tpu.dma_semaphore, #tpu.memory_space<semaphore_mem>>) src(%dma_wait3A_262 : memref<80x128xf32, #tpu.memory_space<vmem>>) dst(%dma_wait3A_259 : memref<80x128xf32, #tpu.memory_space<hbm>>)
          tpu.yield
        }) : () -> ()
      } else {
      }
    } else {
    }
    %add3A_65 = arith.constant 16 : i32
    %add3A_66 = arith.addi %add3A_65, %arg1 : i32
    %lt3A_67 = arith.constant 125 : i32
    %lt3A_68 = arith.cmpi slt, %add3A_66, %lt3A_67 : i32
    %convert_element_type3A_69 = arith.extui %lt3A_68 : i1 to i32
    %cond3A_70 = arith.constant 0 : i32
    %cond3A_71 = arith.cmpi ne, %convert_element_type3A_69, %cond3A_70 : i32
    scf.if %cond3A_71 {
      %mul3A = arith.constant 80 : i32
      %mul3A_235 = arith.muli %add3A_66, %mul3A : i32
      %multiple_of3A = tpu.assume_multiple %mul3A_235, 80 : i32
      "tpu.region"() ({
        %run_scoped3A = tpu.sem_alloc : memref<!tpu.dma_semaphore, #tpu.memory_space<semaphore_mem>>
        %dma_start3A = arith.constant 0 : i32
        %dma_start3A_245 = arith.constant 0 : i32
        %dma_start3A_246 = tpu.memref_slice %arg16[%dma_start3A, %dma_start3A_245] : memref<128x128xf32, #tpu.memory_space<vmem>> -> memref<80x128xf32, #tpu.memory_space<vmem>>
        %dma_start3A_247 = arith.constant 0 : i32
        %dma_start3A_248 = tpu.memref_slice %arg18[%multiple_of3A, %dma_start3A_247] : memref<10000x128xf32, #tpu.memory_space<vmem_shared>> -> memref<80x128xf32, #tpu.memory_space<vmem_shared>>
        %dma_start3A_249 = arith.constant 0 : i32
        %dma_start3A_250 = arith.constant 0 : i32
        %dma_start3A_251 = tpu.memref_slice %arg16[%dma_start3A_249, %dma_start3A_250] : memref<128x128xf32, #tpu.memory_space<vmem>> -> memref<80x128xf32, #tpu.memory_space<vmem>>
        %dma_start3A_252 = arith.constant 0 : i32
        %dma_start3A_253 = tpu.memref_slice %arg18[%multiple_of3A, %dma_start3A_252] : memref<10000x128xf32, #tpu.memory_space<vmem_shared>> -> memref<80x128xf32, #tpu.memory_space<vmem_shared>>
        tpu.enqueue_dma source(%dma_start3A_253 : memref<80x128xf32, #tpu.memory_space<vmem_shared>>) target(%dma_start3A_251 : memref<80x128xf32, #tpu.memory_space<vmem>>) target_semaphore(%run_scoped3A : memref<!tpu.dma_semaphore, #tpu.memory_space<semaphore_mem>>)
        %dma_wait3A = arith.constant 0 : i32
        %dma_wait3A_254 = arith.constant 0 : i32
        %dma_wait3A_255 = tpu.memref_slice %arg16[%dma_wait3A, %dma_wait3A_254] : memref<128x128xf32, #tpu.memory_space<vmem>> -> memref<80x128xf32, #tpu.memory_space<vmem>>
        %dma_wait3A_256 = arith.constant 0 : i32
        %dma_wait3A_257 = tpu.memref_slice %arg18[%multiple_of3A, %dma_wait3A_256] : memref<10000x128xf32, #tpu.memory_space<vmem_shared>> -> memref<80x128xf32, #tpu.memory_space<vmem_shared>>
        %dma_wait3A_258 = arith.constant 0 : i32
        %dma_wait3A_259 = arith.constant 0 : i32
        %dma_wait3A_260 = tpu.memref_slice %arg16[%dma_wait3A_258, %dma_wait3A_259] : memref<128x128xf32, #tpu.memory_space<vmem>> -> memref<80x128xf32, #tpu.memory_space<vmem>>
        %dma_wait3A_261 = arith.constant 0 : i32
        %dma_wait3A_262 = tpu.memref_slice %arg18[%multiple_of3A, %dma_wait3A_261] : memref<10000x128xf32, #tpu.memory_space<vmem_shared>> -> memref<80x128xf32, #tpu.memory_space<vmem_shared>>
        tpu.wait_dma2 semaphore(%run_scoped3A : memref<!tpu.dma_semaphore, #tpu.memory_space<semaphore_mem>>) src(%dma_wait3A_262 : memref<80x128xf32, #tpu.memory_space<vmem_shared>>) dst(%dma_wait3A_260 : memref<80x128xf32, #tpu.memory_space<vmem>>)
        tpu.yield
      }) : () -> ()
      %eq3A = arith.constant 0 : i32
      %eq3A_236 = arith.cmpi eq, %arg0, %eq3A : i32
      %convert_element_type3A_237 = arith.extui %eq3A_236 : i1 to i32
      %cond3A_238 = arith.constant 0 : i32
      %cond3A_239 = arith.cmpi ne, %convert_element_type3A_237, %cond3A_238 : i32
      scf.if %cond3A_239 {
        "tpu.region"() ({
          %run_scoped3A = tpu.sem_alloc : memref<!tpu.dma_semaphore, #tpu.memory_space<semaphore_mem>>
          %dma_start3A = arith.constant 0 : i32
          %dma_start3A_245 = arith.constant 0 : i32
          %dma_start3A_246 = tpu.memref_slice %arg16[%dma_start3A, %dma_start3A_245] : memref<128x128xf32, #tpu.memory_space<vmem>> -> memref<80x128xf32, #tpu.memory_space<vmem>>
          %dma_start3A_247 = arith.constant 0 : i32
          %dma_start3A_248 = tpu.memref_slice %arg8[%multiple_of3A, %dma_start3A_247] : memref<10000x128xf32, #tpu.memory_space<hbm>> -> memref<80x128xf32, #tpu.memory_space<hbm>>
          %dma_start3A_249 = arith.constant 0 : i32
          %dma_start3A_250 = tpu.memref_slice %arg8[%multiple_of3A, %dma_start3A_249] : memref<10000x128xf32, #tpu.memory_space<hbm>> -> memref<80x128xf32, #tpu.memory_space<hbm>>
          %dma_start3A_251 = arith.constant 0 : i32
          %dma_start3A_252 = arith.constant 0 : i32
          %dma_start3A_253 = tpu.memref_slice %arg16[%dma_start3A_251, %dma_start3A_252] : memref<128x128xf32, #tpu.memory_space<vmem>> -> memref<80x128xf32, #tpu.memory_space<vmem>>
          tpu.enqueue_dma source(%dma_start3A_253 : memref<80x128xf32, #tpu.memory_space<vmem>>) target(%dma_start3A_250 : memref<80x128xf32, #tpu.memory_space<hbm>>) target_semaphore(%run_scoped3A : memref<!tpu.dma_semaphore, #tpu.memory_space<semaphore_mem>>)
          %dma_wait3A = arith.constant 0 : i32
          %dma_wait3A_254 = arith.constant 0 : i32
          %dma_wait3A_255 = tpu.memref_slice %arg16[%dma_wait3A, %dma_wait3A_254] : memref<128x128xf32, #tpu.memory_space<vmem>> -> memref<80x128xf32, #tpu.memory_space<vmem>>
          %dma_wait3A_256 = arith.constant 0 : i32
          %dma_wait3A_257 = tpu.memref_slice %arg8[%multiple_of3A, %dma_wait3A_256] : memref<10000x128xf32, #tpu.memory_space<hbm>> -> memref<80x128xf32, #tpu.memory_space<hbm>>
          %dma_wait3A_258 = arith.constant 0 : i32
          %dma_wait3A_259 = tpu.memref_slice %arg8[%multiple_of3A, %dma_wait3A_258] : memref<10000x128xf32, #tpu.memory_space<hbm>> -> memref<80x128xf32, #tpu.memory_space<hbm>>
          %dma_wait3A_260 = arith.constant 0 : i32
          %dma_wait3A_261 = arith.constant 0 : i32
          %dma_wait3A_262 = tpu.memref_slice %arg16[%dma_wait3A_260, %dma_wait3A_261] : memref<128x128xf32, #tpu.memory_space<vmem>> -> memref<80x128xf32, #tpu.memory_space<vmem>>
          tpu.wait_dma2 semaphore(%run_scoped3A : memref<!tpu.dma_semaphore, #tpu.memory_space<semaphore_mem>>) src(%dma_wait3A_262 : memref<80x128xf32, #tpu.memory_space<vmem>>) dst(%dma_wait3A_259 : memref<80x128xf32, #tpu.memory_space<hbm>>)
          tpu.yield
        }) : () -> ()
      } else {
      }
      %eq3A_240 = arith.constant 1 : i32
      %eq3A_241 = arith.cmpi eq, %arg0, %eq3A_240 : i32
      %convert_element_type3A_242 = arith.extui %eq3A_241 : i1 to i32
      %cond3A_243 = arith.constant 0 : i32
      %cond3A_244 = arith.cmpi ne, %convert_element_type3A_242, %cond3A_243 : i32
      scf.if %cond3A_244 {
        "tpu.region"() ({
          %run_scoped3A = tpu.sem_alloc : memref<!tpu.dma_semaphore, #tpu.memory_space<semaphore_mem>>
          %dma_start3A = arith.constant 0 : i32
          %dma_start3A_245 = arith.constant 0 : i32
          %dma_start3A_246 = tpu.memref_slice %arg16[%dma_start3A, %dma_start3A_245] : memref<128x128xf32, #tpu.memory_space<vmem>> -> memref<80x128xf32, #tpu.memory_space<vmem>>
          %dma_start3A_247 = arith.constant 0 : i32
          %dma_start3A_248 = tpu.memref_slice %arg9[%multiple_of3A, %dma_start3A_247] : memref<10000x128xf32, #tpu.memory_space<hbm>> -> memref<80x128xf32, #tpu.memory_space<hbm>>
          %dma_start3A_249 = arith.constant 0 : i32
          %dma_start3A_250 = tpu.memref_slice %arg9[%multiple_of3A, %dma_start3A_249] : memref<10000x128xf32, #tpu.memory_space<hbm>> -> memref<80x128xf32, #tpu.memory_space<hbm>>
          %dma_start3A_251 = arith.constant 0 : i32
          %dma_start3A_252 = arith.constant 0 : i32
          %dma_start3A_253 = tpu.memref_slice %arg16[%dma_start3A_251, %dma_start3A_252] : memref<128x128xf32, #tpu.memory_space<vmem>> -> memref<80x128xf32, #tpu.memory_space<vmem>>
          tpu.enqueue_dma source(%dma_start3A_253 : memref<80x128xf32, #tpu.memory_space<vmem>>) target(%dma_start3A_250 : memref<80x128xf32, #tpu.memory_space<hbm>>) target_semaphore(%run_scoped3A : memref<!tpu.dma_semaphore, #tpu.memory_space<semaphore_mem>>)
          %dma_wait3A = arith.constant 0 : i32
          %dma_wait3A_254 = arith.constant 0 : i32
          %dma_wait3A_255 = tpu.memref_slice %arg16[%dma_wait3A, %dma_wait3A_254] : memref<128x128xf32, #tpu.memory_space<vmem>> -> memref<80x128xf32, #tpu.memory_space<vmem>>
          %dma_wait3A_256 = arith.constant 0 : i32
          %dma_wait3A_257 = tpu.memref_slice %arg9[%multiple_of3A, %dma_wait3A_256] : memref<10000x128xf32, #tpu.memory_space<hbm>> -> memref<80x128xf32, #tpu.memory_space<hbm>>
          %dma_wait3A_258 = arith.constant 0 : i32
          %dma_wait3A_259 = tpu.memref_slice %arg9[%multiple_of3A, %dma_wait3A_258] : memref<10000x128xf32, #tpu.memory_space<hbm>> -> memref<80x128xf32, #tpu.memory_space<hbm>>
          %dma_wait3A_260 = arith.constant 0 : i32
          %dma_wait3A_261 = arith.constant 0 : i32
          %dma_wait3A_262 = tpu.memref_slice %arg16[%dma_wait3A_260, %dma_wait3A_261] : memref<128x128xf32, #tpu.memory_space<vmem>> -> memref<80x128xf32, #tpu.memory_space<vmem>>
          tpu.wait_dma2 semaphore(%run_scoped3A : memref<!tpu.dma_semaphore, #tpu.memory_space<semaphore_mem>>) src(%dma_wait3A_262 : memref<80x128xf32, #tpu.memory_space<vmem>>) dst(%dma_wait3A_259 : memref<80x128xf32, #tpu.memory_space<hbm>>)
          tpu.yield
        }) : () -> ()
      } else {
      }
    } else {
    }
    %add3A_72 = arith.constant 32 : i32
    %add3A_73 = arith.addi %add3A_72, %arg1 : i32
    %lt3A_74 = arith.constant 125 : i32
    %lt3A_75 = arith.cmpi slt, %add3A_73, %lt3A_74 : i32
    %convert_element_type3A_76 = arith.extui %lt3A_75 : i1 to i32
    %cond3A_77 = arith.constant 0 : i32
    %cond3A_78 = arith.cmpi ne, %convert_element_type3A_76, %cond3A_77 : i32
    scf.if %cond3A_78 {
      %mul3A = arith.constant 80 : i32
      %mul3A_235 = arith.muli %add3A_73, %mul3A : i32
      %multiple_of3A = tpu.assume_multiple %mul3A_235, 80 : i32
      "tpu.region"() ({
        %run_scoped3A = tpu.sem_alloc : memref<!tpu.dma_semaphore, #tpu.memory_space<semaphore_mem>>
        %dma_start3A = arith.constant 0 : i32
        %dma_start3A_245 = arith.constant 0 : i32
        %dma_start3A_246 = tpu.memref_slice %arg16[%dma_start3A, %dma_start3A_245] : memref<128x128xf32, #tpu.memory_space<vmem>> -> memref<80x128xf32, #tpu.memory_space<vmem>>
        %dma_start3A_247 = arith.constant 0 : i32
        %dma_start3A_248 = tpu.memref_slice %arg18[%multiple_of3A, %dma_start3A_247] : memref<10000x128xf32, #tpu.memory_space<vmem_shared>> -> memref<80x128xf32, #tpu.memory_space<vmem_shared>>
        %dma_start3A_249 = arith.constant 0 : i32
        %dma_start3A_250 = arith.constant 0 : i32
        %dma_start3A_251 = tpu.memref_slice %arg16[%dma_start3A_249, %dma_start3A_250] : memref<128x128xf32, #tpu.memory_space<vmem>> -> memref<80x128xf32, #tpu.memory_space<vmem>>
        %dma_start3A_252 = arith.constant 0 : i32
        %dma_start3A_253 = tpu.memref_slice %arg18[%multiple_of3A, %dma_start3A_252] : memref<10000x128xf32, #tpu.memory_space<vmem_shared>> -> memref<80x128xf32, #tpu.memory_space<vmem_shared>>
        tpu.enqueue_dma source(%dma_start3A_253 : memref<80x128xf32, #tpu.memory_space<vmem_shared>>) target(%dma_start3A_251 : memref<80x128xf32, #tpu.memory_space<vmem>>) target_semaphore(%run_scoped3A : memref<!tpu.dma_semaphore, #tpu.memory_space<semaphore_mem>>)
        %dma_wait3A = arith.constant 0 : i32
        %dma_wait3A_254 = arith.constant 0 : i32
        %dma_wait3A_255 = tpu.memref_slice %arg16[%dma_wait3A, %dma_wait3A_254] : memref<128x128xf32, #tpu.memory_space<vmem>> -> memref<80x128xf32, #tpu.memory_space<vmem>>
        %dma_wait3A_256 = arith.constant 0 : i32
        %dma_wait3A_257 = tpu.memref_slice %arg18[%multiple_of3A, %dma_wait3A_256] : memref<10000x128xf32, #tpu.memory_space<vmem_shared>> -> memref<80x128xf32, #tpu.memory_space<vmem_shared>>
        %dma_wait3A_258 = arith.constant 0 : i32
        %dma_wait3A_259 = arith.constant 0 : i32
        %dma_wait3A_260 = tpu.memref_slice %arg16[%dma_wait3A_258, %dma_wait3A_259] : memref<128x128xf32, #tpu.memory_space<vmem>> -> memref<80x128xf32, #tpu.memory_space<vmem>>
        %dma_wait3A_261 = arith.constant 0 : i32
        %dma_wait3A_262 = tpu.memref_slice %arg18[%multiple_of3A, %dma_wait3A_261] : memref<10000x128xf32, #tpu.memory_space<vmem_shared>> -> memref<80x128xf32, #tpu.memory_space<vmem_shared>>
        tpu.wait_dma2 semaphore(%run_scoped3A : memref<!tpu.dma_semaphore, #tpu.memory_space<semaphore_mem>>) src(%dma_wait3A_262 : memref<80x128xf32, #tpu.memory_space<vmem_shared>>) dst(%dma_wait3A_260 : memref<80x128xf32, #tpu.memory_space<vmem>>)
        tpu.yield
      }) : () -> ()
      %eq3A = arith.constant 0 : i32
      %eq3A_236 = arith.cmpi eq, %arg0, %eq3A : i32
      %convert_element_type3A_237 = arith.extui %eq3A_236 : i1 to i32
      %cond3A_238 = arith.constant 0 : i32
      %cond3A_239 = arith.cmpi ne, %convert_element_type3A_237, %cond3A_238 : i32
      scf.if %cond3A_239 {
        "tpu.region"() ({
          %run_scoped3A = tpu.sem_alloc : memref<!tpu.dma_semaphore, #tpu.memory_space<semaphore_mem>>
          %dma_start3A = arith.constant 0 : i32
          %dma_start3A_245 = arith.constant 0 : i32
          %dma_start3A_246 = tpu.memref_slice %arg16[%dma_start3A, %dma_start3A_245] : memref<128x128xf32, #tpu.memory_space<vmem>> -> memref<80x128xf32, #tpu.memory_space<vmem>>
          %dma_start3A_247 = arith.constant 0 : i32
          %dma_start3A_248 = tpu.memref_slice %arg8[%multiple_of3A, %dma_start3A_247] : memref<10000x128xf32, #tpu.memory_space<hbm>> -> memref<80x128xf32, #tpu.memory_space<hbm>>
          %dma_start3A_249 = arith.constant 0 : i32
          %dma_start3A_250 = tpu.memref_slice %arg8[%multiple_of3A, %dma_start3A_249] : memref<10000x128xf32, #tpu.memory_space<hbm>> -> memref<80x128xf32, #tpu.memory_space<hbm>>
          %dma_start3A_251 = arith.constant 0 : i32
          %dma_start3A_252 = arith.constant 0 : i32
          %dma_start3A_253 = tpu.memref_slice %arg16[%dma_start3A_251, %dma_start3A_252] : memref<128x128xf32, #tpu.memory_space<vmem>> -> memref<80x128xf32, #tpu.memory_space<vmem>>
          tpu.enqueue_dma source(%dma_start3A_253 : memref<80x128xf32, #tpu.memory_space<vmem>>) target(%dma_start3A_250 : memref<80x128xf32, #tpu.memory_space<hbm>>) target_semaphore(%run_scoped3A : memref<!tpu.dma_semaphore, #tpu.memory_space<semaphore_mem>>)
          %dma_wait3A = arith.constant 0 : i32
          %dma_wait3A_254 = arith.constant 0 : i32
          %dma_wait3A_255 = tpu.memref_slice %arg16[%dma_wait3A, %dma_wait3A_254] : memref<128x128xf32, #tpu.memory_space<vmem>> -> memref<80x128xf32, #tpu.memory_space<vmem>>
          %dma_wait3A_256 = arith.constant 0 : i32
          %dma_wait3A_257 = tpu.memref_slice %arg8[%multiple_of3A, %dma_wait3A_256] : memref<10000x128xf32, #tpu.memory_space<hbm>> -> memref<80x128xf32, #tpu.memory_space<hbm>>
          %dma_wait3A_258 = arith.constant 0 : i32
          %dma_wait3A_259 = tpu.memref_slice %arg8[%multiple_of3A, %dma_wait3A_258] : memref<10000x128xf32, #tpu.memory_space<hbm>> -> memref<80x128xf32, #tpu.memory_space<hbm>>
          %dma_wait3A_260 = arith.constant 0 : i32
          %dma_wait3A_261 = arith.constant 0 : i32
          %dma_wait3A_262 = tpu.memref_slice %arg16[%dma_wait3A_260, %dma_wait3A_261] : memref<128x128xf32, #tpu.memory_space<vmem>> -> memref<80x128xf32, #tpu.memory_space<vmem>>
          tpu.wait_dma2 semaphore(%run_scoped3A : memref<!tpu.dma_semaphore, #tpu.memory_space<semaphore_mem>>) src(%dma_wait3A_262 : memref<80x128xf32, #tpu.memory_space<vmem>>) dst(%dma_wait3A_259 : memref<80x128xf32, #tpu.memory_space<hbm>>)
          tpu.yield
        }) : () -> ()
      } else {
      }
      %eq3A_240 = arith.constant 1 : i32
      %eq3A_241 = arith.cmpi eq, %arg0, %eq3A_240 : i32
      %convert_element_type3A_242 = arith.extui %eq3A_241 : i1 to i32
      %cond3A_243 = arith.constant 0 : i32
      %cond3A_244 = arith.cmpi ne, %convert_element_type3A_242, %cond3A_243 : i32
      scf.if %cond3A_244 {
        "tpu.region"() ({
          %run_scoped3A = tpu.sem_alloc : memref<!tpu.dma_semaphore, #tpu.memory_space<semaphore_mem>>
          %dma_start3A = arith.constant 0 : i32
          %dma_start3A_245 = arith.constant 0 : i32
          %dma_start3A_246 = tpu.memref_slice %arg16[%dma_start3A, %dma_start3A_245] : memref<128x128xf32, #tpu.memory_space<vmem>> -> memref<80x128xf32, #tpu.memory_space<vmem>>
          %dma_start3A_247 = arith.constant 0 : i32
          %dma_start3A_248 = tpu.memref_slice %arg9[%multiple_of3A, %dma_start3A_247] : memref<10000x128xf32, #tpu.memory_space<hbm>> -> memref<80x128xf32, #tpu.memory_space<hbm>>
          %dma_start3A_249 = arith.constant 0 : i32
          %dma_start3A_250 = tpu.memref_slice %arg9[%multiple_of3A, %dma_start3A_249] : memref<10000x128xf32, #tpu.memory_space<hbm>> -> memref<80x128xf32, #tpu.memory_space<hbm>>
          %dma_start3A_251 = arith.constant 0 : i32
          %dma_start3A_252 = arith.constant 0 : i32
          %dma_start3A_253 = tpu.memref_slice %arg16[%dma_start3A_251, %dma_start3A_252] : memref<128x128xf32, #tpu.memory_space<vmem>> -> memref<80x128xf32, #tpu.memory_space<vmem>>
          tpu.enqueue_dma source(%dma_start3A_253 : memref<80x128xf32, #tpu.memory_space<vmem>>) target(%dma_start3A_250 : memref<80x128xf32, #tpu.memory_space<hbm>>) target_semaphore(%run_scoped3A : memref<!tpu.dma_semaphore, #tpu.memory_space<semaphore_mem>>)
          %dma_wait3A = arith.constant 0 : i32
          %dma_wait3A_254 = arith.constant 0 : i32
          %dma_wait3A_255 = tpu.memref_slice %arg16[%dma_wait3A, %dma_wait3A_254] : memref<128x128xf32, #tpu.memory_space<vmem>> -> memref<80x128xf32, #tpu.memory_space<vmem>>
          %dma_wait3A_256 = arith.constant 0 : i32
          %dma_wait3A_257 = tpu.memref_slice %arg9[%multiple_of3A, %dma_wait3A_256] : memref<10000x128xf32, #tpu.memory_space<hbm>> -> memref<80x128xf32, #tpu.memory_space<hbm>>
          %dma_wait3A_258 = arith.constant 0 : i32
          %dma_wait3A_259 = tpu.memref_slice %arg9[%multiple_of3A, %dma_wait3A_258] : memref<10000x128xf32, #tpu.memory_space<hbm>> -> memref<80x128xf32, #tpu.memory_space<hbm>>
          %dma_wait3A_260 = arith.constant 0 : i32
          %dma_wait3A_261 = arith.constant 0 : i32
          %dma_wait3A_262 = tpu.memref_slice %arg16[%dma_wait3A_260, %dma_wait3A_261] : memref<128x128xf32, #tpu.memory_space<vmem>> -> memref<80x128xf32, #tpu.memory_space<vmem>>
          tpu.wait_dma2 semaphore(%run_scoped3A : memref<!tpu.dma_semaphore, #tpu.memory_space<semaphore_mem>>) src(%dma_wait3A_262 : memref<80x128xf32, #tpu.memory_space<vmem>>) dst(%dma_wait3A_259 : memref<80x128xf32, #tpu.memory_space<hbm>>)
          tpu.yield
        }) : () -> ()
      } else {
      }
    } else {
    }
    %add3A_79 = arith.constant 48 : i32
    %add3A_80 = arith.addi %add3A_79, %arg1 : i32
    %lt3A_81 = arith.constant 125 : i32
    %lt3A_82 = arith.cmpi slt, %add3A_80, %lt3A_81 : i32
    %convert_element_type3A_83 = arith.extui %lt3A_82 : i1 to i32
    %cond3A_84 = arith.constant 0 : i32
    %cond3A_85 = arith.cmpi ne, %convert_element_type3A_83, %cond3A_84 : i32
    scf.if %cond3A_85 {
      %mul3A = arith.constant 80 : i32
      %mul3A_235 = arith.muli %add3A_80, %mul3A : i32
      %multiple_of3A = tpu.assume_multiple %mul3A_235, 80 : i32
      "tpu.region"() ({
        %run_scoped3A = tpu.sem_alloc : memref<!tpu.dma_semaphore, #tpu.memory_space<semaphore_mem>>
        %dma_start3A = arith.constant 0 : i32
        %dma_start3A_245 = arith.constant 0 : i32
        %dma_start3A_246 = tpu.memref_slice %arg16[%dma_start3A, %dma_start3A_245] : memref<128x128xf32, #tpu.memory_space<vmem>> -> memref<80x128xf32, #tpu.memory_space<vmem>>
        %dma_start3A_247 = arith.constant 0 : i32
        %dma_start3A_248 = tpu.memref_slice %arg18[%multiple_of3A, %dma_start3A_247] : memref<10000x128xf32, #tpu.memory_space<vmem_shared>> -> memref<80x128xf32, #tpu.memory_space<vmem_shared>>
        %dma_start3A_249 = arith.constant 0 : i32
        %dma_start3A_250 = arith.constant 0 : i32
        %dma_start3A_251 = tpu.memref_slice %arg16[%dma_start3A_249, %dma_start3A_250] : memref<128x128xf32, #tpu.memory_space<vmem>> -> memref<80x128xf32, #tpu.memory_space<vmem>>
        %dma_start3A_252 = arith.constant 0 : i32
        %dma_start3A_253 = tpu.memref_slice %arg18[%multiple_of3A, %dma_start3A_252] : memref<10000x128xf32, #tpu.memory_space<vmem_shared>> -> memref<80x128xf32, #tpu.memory_space<vmem_shared>>
        tpu.enqueue_dma source(%dma_start3A_253 : memref<80x128xf32, #tpu.memory_space<vmem_shared>>) target(%dma_start3A_251 : memref<80x128xf32, #tpu.memory_space<vmem>>) target_semaphore(%run_scoped3A : memref<!tpu.dma_semaphore, #tpu.memory_space<semaphore_mem>>)
        %dma_wait3A = arith.constant 0 : i32
        %dma_wait3A_254 = arith.constant 0 : i32
        %dma_wait3A_255 = tpu.memref_slice %arg16[%dma_wait3A, %dma_wait3A_254] : memref<128x128xf32, #tpu.memory_space<vmem>> -> memref<80x128xf32, #tpu.memory_space<vmem>>
        %dma_wait3A_256 = arith.constant 0 : i32
        %dma_wait3A_257 = tpu.memref_slice %arg18[%multiple_of3A, %dma_wait3A_256] : memref<10000x128xf32, #tpu.memory_space<vmem_shared>> -> memref<80x128xf32, #tpu.memory_space<vmem_shared>>
        %dma_wait3A_258 = arith.constant 0 : i32
        %dma_wait3A_259 = arith.constant 0 : i32
        %dma_wait3A_260 = tpu.memref_slice %arg16[%dma_wait3A_258, %dma_wait3A_259] : memref<128x128xf32, #tpu.memory_space<vmem>> -> memref<80x128xf32, #tpu.memory_space<vmem>>
        %dma_wait3A_261 = arith.constant 0 : i32
        %dma_wait3A_262 = tpu.memref_slice %arg18[%multiple_of3A, %dma_wait3A_261] : memref<10000x128xf32, #tpu.memory_space<vmem_shared>> -> memref<80x128xf32, #tpu.memory_space<vmem_shared>>
        tpu.wait_dma2 semaphore(%run_scoped3A : memref<!tpu.dma_semaphore, #tpu.memory_space<semaphore_mem>>) src(%dma_wait3A_262 : memref<80x128xf32, #tpu.memory_space<vmem_shared>>) dst(%dma_wait3A_260 : memref<80x128xf32, #tpu.memory_space<vmem>>)
        tpu.yield
      }) : () -> ()
      %eq3A = arith.constant 0 : i32
      %eq3A_236 = arith.cmpi eq, %arg0, %eq3A : i32
      %convert_element_type3A_237 = arith.extui %eq3A_236 : i1 to i32
      %cond3A_238 = arith.constant 0 : i32
      %cond3A_239 = arith.cmpi ne, %convert_element_type3A_237, %cond3A_238 : i32
      scf.if %cond3A_239 {
        "tpu.region"() ({
          %run_scoped3A = tpu.sem_alloc : memref<!tpu.dma_semaphore, #tpu.memory_space<semaphore_mem>>
          %dma_start3A = arith.constant 0 : i32
          %dma_start3A_245 = arith.constant 0 : i32
          %dma_start3A_246 = tpu.memref_slice %arg16[%dma_start3A, %dma_start3A_245] : memref<128x128xf32, #tpu.memory_space<vmem>> -> memref<80x128xf32, #tpu.memory_space<vmem>>
          %dma_start3A_247 = arith.constant 0 : i32
          %dma_start3A_248 = tpu.memref_slice %arg8[%multiple_of3A, %dma_start3A_247] : memref<10000x128xf32, #tpu.memory_space<hbm>> -> memref<80x128xf32, #tpu.memory_space<hbm>>
          %dma_start3A_249 = arith.constant 0 : i32
          %dma_start3A_250 = tpu.memref_slice %arg8[%multiple_of3A, %dma_start3A_249] : memref<10000x128xf32, #tpu.memory_space<hbm>> -> memref<80x128xf32, #tpu.memory_space<hbm>>
          %dma_start3A_251 = arith.constant 0 : i32
          %dma_start3A_252 = arith.constant 0 : i32
          %dma_start3A_253 = tpu.memref_slice %arg16[%dma_start3A_251, %dma_start3A_252] : memref<128x128xf32, #tpu.memory_space<vmem>> -> memref<80x128xf32, #tpu.memory_space<vmem>>
          tpu.enqueue_dma source(%dma_start3A_253 : memref<80x128xf32, #tpu.memory_space<vmem>>) target(%dma_start3A_250 : memref<80x128xf32, #tpu.memory_space<hbm>>) target_semaphore(%run_scoped3A : memref<!tpu.dma_semaphore, #tpu.memory_space<semaphore_mem>>)
          %dma_wait3A = arith.constant 0 : i32
          %dma_wait3A_254 = arith.constant 0 : i32
          %dma_wait3A_255 = tpu.memref_slice %arg16[%dma_wait3A, %dma_wait3A_254] : memref<128x128xf32, #tpu.memory_space<vmem>> -> memref<80x128xf32, #tpu.memory_space<vmem>>
          %dma_wait3A_256 = arith.constant 0 : i32
          %dma_wait3A_257 = tpu.memref_slice %arg8[%multiple_of3A, %dma_wait3A_256] : memref<10000x128xf32, #tpu.memory_space<hbm>> -> memref<80x128xf32, #tpu.memory_space<hbm>>
          %dma_wait3A_258 = arith.constant 0 : i32
          %dma_wait3A_259 = tpu.memref_slice %arg8[%multiple_of3A, %dma_wait3A_258] : memref<10000x128xf32, #tpu.memory_space<hbm>> -> memref<80x128xf32, #tpu.memory_space<hbm>>
          %dma_wait3A_260 = arith.constant 0 : i32
          %dma_wait3A_261 = arith.constant 0 : i32
          %dma_wait3A_262 = tpu.memref_slice %arg16[%dma_wait3A_260, %dma_wait3A_261] : memref<128x128xf32, #tpu.memory_space<vmem>> -> memref<80x128xf32, #tpu.memory_space<vmem>>
          tpu.wait_dma2 semaphore(%run_scoped3A : memref<!tpu.dma_semaphore, #tpu.memory_space<semaphore_mem>>) src(%dma_wait3A_262 : memref<80x128xf32, #tpu.memory_space<vmem>>) dst(%dma_wait3A_259 : memref<80x128xf32, #tpu.memory_space<hbm>>)
          tpu.yield
        }) : () -> ()
      } else {
      }
      %eq3A_240 = arith.constant 1 : i32
      %eq3A_241 = arith.cmpi eq, %arg0, %eq3A_240 : i32
      %convert_element_type3A_242 = arith.extui %eq3A_241 : i1 to i32
      %cond3A_243 = arith.constant 0 : i32
      %cond3A_244 = arith.cmpi ne, %convert_element_type3A_242, %cond3A_243 : i32
      scf.if %cond3A_244 {
        "tpu.region"() ({
          %run_scoped3A = tpu.sem_alloc : memref<!tpu.dma_semaphore, #tpu.memory_space<semaphore_mem>>
          %dma_start3A = arith.constant 0 : i32
          %dma_start3A_245 = arith.constant 0 : i32
          %dma_start3A_246 = tpu.memref_slice %arg16[%dma_start3A, %dma_start3A_245] : memref<128x128xf32, #tpu.memory_space<vmem>> -> memref<80x128xf32, #tpu.memory_space<vmem>>
          %dma_start3A_247 = arith.constant 0 : i32
          %dma_start3A_248 = tpu.memref_slice %arg9[%multiple_of3A, %dma_start3A_247] : memref<10000x128xf32, #tpu.memory_space<hbm>> -> memref<80x128xf32, #tpu.memory_space<hbm>>
          %dma_start3A_249 = arith.constant 0 : i32
          %dma_start3A_250 = tpu.memref_slice %arg9[%multiple_of3A, %dma_start3A_249] : memref<10000x128xf32, #tpu.memory_space<hbm>> -> memref<80x128xf32, #tpu.memory_space<hbm>>
          %dma_start3A_251 = arith.constant 0 : i32
          %dma_start3A_252 = arith.constant 0 : i32
          %dma_start3A_253 = tpu.memref_slice %arg16[%dma_start3A_251, %dma_start3A_252] : memref<128x128xf32, #tpu.memory_space<vmem>> -> memref<80x128xf32, #tpu.memory_space<vmem>>
          tpu.enqueue_dma source(%dma_start3A_253 : memref<80x128xf32, #tpu.memory_space<vmem>>) target(%dma_start3A_250 : memref<80x128xf32, #tpu.memory_space<hbm>>) target_semaphore(%run_scoped3A : memref<!tpu.dma_semaphore, #tpu.memory_space<semaphore_mem>>)
          %dma_wait3A = arith.constant 0 : i32
          %dma_wait3A_254 = arith.constant 0 : i32
          %dma_wait3A_255 = tpu.memref_slice %arg16[%dma_wait3A, %dma_wait3A_254] : memref<128x128xf32, #tpu.memory_space<vmem>> -> memref<80x128xf32, #tpu.memory_space<vmem>>
          %dma_wait3A_256 = arith.constant 0 : i32
          %dma_wait3A_257 = tpu.memref_slice %arg9[%multiple_of3A, %dma_wait3A_256] : memref<10000x128xf32, #tpu.memory_space<hbm>> -> memref<80x128xf32, #tpu.memory_space<hbm>>
          %dma_wait3A_258 = arith.constant 0 : i32
          %dma_wait3A_259 = tpu.memref_slice %arg9[%multiple_of3A, %dma_wait3A_258] : memref<10000x128xf32, #tpu.memory_space<hbm>> -> memref<80x128xf32, #tpu.memory_space<hbm>>
          %dma_wait3A_260 = arith.constant 0 : i32
          %dma_wait3A_261 = arith.constant 0 : i32
          %dma_wait3A_262 = tpu.memref_slice %arg16[%dma_wait3A_260, %dma_wait3A_261] : memref<128x128xf32, #tpu.memory_space<vmem>> -> memref<80x128xf32, #tpu.memory_space<vmem>>
          tpu.wait_dma2 semaphore(%run_scoped3A : memref<!tpu.dma_semaphore, #tpu.memory_space<semaphore_mem>>) src(%dma_wait3A_262 : memref<80x128xf32, #tpu.memory_space<vmem>>) dst(%dma_wait3A_259 : memref<80x128xf32, #tpu.memory_space<hbm>>)
          tpu.yield
        }) : () -> ()
      } else {
      }
    } else {
    }
    %add3A_86 = arith.constant 64 : i32
    %add3A_87 = arith.addi %add3A_86, %arg1 : i32
    %lt3A_88 = arith.constant 125 : i32
    %lt3A_89 = arith.cmpi slt, %add3A_87, %lt3A_88 : i32
    %convert_element_type3A_90 = arith.extui %lt3A_89 : i1 to i32
    %cond3A_91 = arith.constant 0 : i32
    %cond3A_92 = arith.cmpi ne, %convert_element_type3A_90, %cond3A_91 : i32
    scf.if %cond3A_92 {
      %mul3A = arith.constant 80 : i32
      %mul3A_235 = arith.muli %add3A_87, %mul3A : i32
      %multiple_of3A = tpu.assume_multiple %mul3A_235, 80 : i32
      "tpu.region"() ({
        %run_scoped3A = tpu.sem_alloc : memref<!tpu.dma_semaphore, #tpu.memory_space<semaphore_mem>>
        %dma_start3A = arith.constant 0 : i32
        %dma_start3A_245 = arith.constant 0 : i32
        %dma_start3A_246 = tpu.memref_slice %arg16[%dma_start3A, %dma_start3A_245] : memref<128x128xf32, #tpu.memory_space<vmem>> -> memref<80x128xf32, #tpu.memory_space<vmem>>
        %dma_start3A_247 = arith.constant 0 : i32
        %dma_start3A_248 = tpu.memref_slice %arg18[%multiple_of3A, %dma_start3A_247] : memref<10000x128xf32, #tpu.memory_space<vmem_shared>> -> memref<80x128xf32, #tpu.memory_space<vmem_shared>>
        %dma_start3A_249 = arith.constant 0 : i32
        %dma_start3A_250 = arith.constant 0 : i32
        %dma_start3A_251 = tpu.memref_slice %arg16[%dma_start3A_249, %dma_start3A_250] : memref<128x128xf32, #tpu.memory_space<vmem>> -> memref<80x128xf32, #tpu.memory_space<vmem>>
        %dma_start3A_252 = arith.constant 0 : i32
        %dma_start3A_253 = tpu.memref_slice %arg18[%multiple_of3A, %dma_start3A_252] : memref<10000x128xf32, #tpu.memory_space<vmem_shared>> -> memref<80x128xf32, #tpu.memory_space<vmem_shared>>
        tpu.enqueue_dma source(%dma_start3A_253 : memref<80x128xf32, #tpu.memory_space<vmem_shared>>) target(%dma_start3A_251 : memref<80x128xf32, #tpu.memory_space<vmem>>) target_semaphore(%run_scoped3A : memref<!tpu.dma_semaphore, #tpu.memory_space<semaphore_mem>>)
        %dma_wait3A = arith.constant 0 : i32
        %dma_wait3A_254 = arith.constant 0 : i32
        %dma_wait3A_255 = tpu.memref_slice %arg16[%dma_wait3A, %dma_wait3A_254] : memref<128x128xf32, #tpu.memory_space<vmem>> -> memref<80x128xf32, #tpu.memory_space<vmem>>
        %dma_wait3A_256 = arith.constant 0 : i32
        %dma_wait3A_257 = tpu.memref_slice %arg18[%multiple_of3A, %dma_wait3A_256] : memref<10000x128xf32, #tpu.memory_space<vmem_shared>> -> memref<80x128xf32, #tpu.memory_space<vmem_shared>>
        %dma_wait3A_258 = arith.constant 0 : i32
        %dma_wait3A_259 = arith.constant 0 : i32
        %dma_wait3A_260 = tpu.memref_slice %arg16[%dma_wait3A_258, %dma_wait3A_259] : memref<128x128xf32, #tpu.memory_space<vmem>> -> memref<80x128xf32, #tpu.memory_space<vmem>>
        %dma_wait3A_261 = arith.constant 0 : i32
        %dma_wait3A_262 = tpu.memref_slice %arg18[%multiple_of3A, %dma_wait3A_261] : memref<10000x128xf32, #tpu.memory_space<vmem_shared>> -> memref<80x128xf32, #tpu.memory_space<vmem_shared>>
        tpu.wait_dma2 semaphore(%run_scoped3A : memref<!tpu.dma_semaphore, #tpu.memory_space<semaphore_mem>>) src(%dma_wait3A_262 : memref<80x128xf32, #tpu.memory_space<vmem_shared>>) dst(%dma_wait3A_260 : memref<80x128xf32, #tpu.memory_space<vmem>>)
        tpu.yield
      }) : () -> ()
      %eq3A = arith.constant 0 : i32
      %eq3A_236 = arith.cmpi eq, %arg0, %eq3A : i32
      %convert_element_type3A_237 = arith.extui %eq3A_236 : i1 to i32
      %cond3A_238 = arith.constant 0 : i32
      %cond3A_239 = arith.cmpi ne, %convert_element_type3A_237, %cond3A_238 : i32
      scf.if %cond3A_239 {
        "tpu.region"() ({
          %run_scoped3A = tpu.sem_alloc : memref<!tpu.dma_semaphore, #tpu.memory_space<semaphore_mem>>
          %dma_start3A = arith.constant 0 : i32
          %dma_start3A_245 = arith.constant 0 : i32
          %dma_start3A_246 = tpu.memref_slice %arg16[%dma_start3A, %dma_start3A_245] : memref<128x128xf32, #tpu.memory_space<vmem>> -> memref<80x128xf32, #tpu.memory_space<vmem>>
          %dma_start3A_247 = arith.constant 0 : i32
          %dma_start3A_248 = tpu.memref_slice %arg8[%multiple_of3A, %dma_start3A_247] : memref<10000x128xf32, #tpu.memory_space<hbm>> -> memref<80x128xf32, #tpu.memory_space<hbm>>
          %dma_start3A_249 = arith.constant 0 : i32
          %dma_start3A_250 = tpu.memref_slice %arg8[%multiple_of3A, %dma_start3A_249] : memref<10000x128xf32, #tpu.memory_space<hbm>> -> memref<80x128xf32, #tpu.memory_space<hbm>>
          %dma_start3A_251 = arith.constant 0 : i32
          %dma_start3A_252 = arith.constant 0 : i32
          %dma_start3A_253 = tpu.memref_slice %arg16[%dma_start3A_251, %dma_start3A_252] : memref<128x128xf32, #tpu.memory_space<vmem>> -> memref<80x128xf32, #tpu.memory_space<vmem>>
          tpu.enqueue_dma source(%dma_start3A_253 : memref<80x128xf32, #tpu.memory_space<vmem>>) target(%dma_start3A_250 : memref<80x128xf32, #tpu.memory_space<hbm>>) target_semaphore(%run_scoped3A : memref<!tpu.dma_semaphore, #tpu.memory_space<semaphore_mem>>)
          %dma_wait3A = arith.constant 0 : i32
          %dma_wait3A_254 = arith.constant 0 : i32
          %dma_wait3A_255 = tpu.memref_slice %arg16[%dma_wait3A, %dma_wait3A_254] : memref<128x128xf32, #tpu.memory_space<vmem>> -> memref<80x128xf32, #tpu.memory_space<vmem>>
          %dma_wait3A_256 = arith.constant 0 : i32
          %dma_wait3A_257 = tpu.memref_slice %arg8[%multiple_of3A, %dma_wait3A_256] : memref<10000x128xf32, #tpu.memory_space<hbm>> -> memref<80x128xf32, #tpu.memory_space<hbm>>
          %dma_wait3A_258 = arith.constant 0 : i32
          %dma_wait3A_259 = tpu.memref_slice %arg8[%multiple_of3A, %dma_wait3A_258] : memref<10000x128xf32, #tpu.memory_space<hbm>> -> memref<80x128xf32, #tpu.memory_space<hbm>>
          %dma_wait3A_260 = arith.constant 0 : i32
          %dma_wait3A_261 = arith.constant 0 : i32
          %dma_wait3A_262 = tpu.memref_slice %arg16[%dma_wait3A_260, %dma_wait3A_261] : memref<128x128xf32, #tpu.memory_space<vmem>> -> memref<80x128xf32, #tpu.memory_space<vmem>>
          tpu.wait_dma2 semaphore(%run_scoped3A : memref<!tpu.dma_semaphore, #tpu.memory_space<semaphore_mem>>) src(%dma_wait3A_262 : memref<80x128xf32, #tpu.memory_space<vmem>>) dst(%dma_wait3A_259 : memref<80x128xf32, #tpu.memory_space<hbm>>)
          tpu.yield
        }) : () -> ()
      } else {
      }
      %eq3A_240 = arith.constant 1 : i32
      %eq3A_241 = arith.cmpi eq, %arg0, %eq3A_240 : i32
      %convert_element_type3A_242 = arith.extui %eq3A_241 : i1 to i32
      %cond3A_243 = arith.constant 0 : i32
      %cond3A_244 = arith.cmpi ne, %convert_element_type3A_242, %cond3A_243 : i32
      scf.if %cond3A_244 {
        "tpu.region"() ({
          %run_scoped3A = tpu.sem_alloc : memref<!tpu.dma_semaphore, #tpu.memory_space<semaphore_mem>>
          %dma_start3A = arith.constant 0 : i32
          %dma_start3A_245 = arith.constant 0 : i32
          %dma_start3A_246 = tpu.memref_slice %arg16[%dma_start3A, %dma_start3A_245] : memref<128x128xf32, #tpu.memory_space<vmem>> -> memref<80x128xf32, #tpu.memory_space<vmem>>
          %dma_start3A_247 = arith.constant 0 : i32
          %dma_start3A_248 = tpu.memref_slice %arg9[%multiple_of3A, %dma_start3A_247] : memref<10000x128xf32, #tpu.memory_space<hbm>> -> memref<80x128xf32, #tpu.memory_space<hbm>>
          %dma_start3A_249 = arith.constant 0 : i32
          %dma_start3A_250 = tpu.memref_slice %arg9[%multiple_of3A, %dma_start3A_249] : memref<10000x128xf32, #tpu.memory_space<hbm>> -> memref<80x128xf32, #tpu.memory_space<hbm>>
          %dma_start3A_251 = arith.constant 0 : i32
          %dma_start3A_252 = arith.constant 0 : i32
          %dma_start3A_253 = tpu.memref_slice %arg16[%dma_start3A_251, %dma_start3A_252] : memref<128x128xf32, #tpu.memory_space<vmem>> -> memref<80x128xf32, #tpu.memory_space<vmem>>
          tpu.enqueue_dma source(%dma_start3A_253 : memref<80x128xf32, #tpu.memory_space<vmem>>) target(%dma_start3A_250 : memref<80x128xf32, #tpu.memory_space<hbm>>) target_semaphore(%run_scoped3A : memref<!tpu.dma_semaphore, #tpu.memory_space<semaphore_mem>>)
          %dma_wait3A = arith.constant 0 : i32
          %dma_wait3A_254 = arith.constant 0 : i32
          %dma_wait3A_255 = tpu.memref_slice %arg16[%dma_wait3A, %dma_wait3A_254] : memref<128x128xf32, #tpu.memory_space<vmem>> -> memref<80x128xf32, #tpu.memory_space<vmem>>
          %dma_wait3A_256 = arith.constant 0 : i32
          %dma_wait3A_257 = tpu.memref_slice %arg9[%multiple_of3A, %dma_wait3A_256] : memref<10000x128xf32, #tpu.memory_space<hbm>> -> memref<80x128xf32, #tpu.memory_space<hbm>>
          %dma_wait3A_258 = arith.constant 0 : i32
          %dma_wait3A_259 = tpu.memref_slice %arg9[%multiple_of3A, %dma_wait3A_258] : memref<10000x128xf32, #tpu.memory_space<hbm>> -> memref<80x128xf32, #tpu.memory_space<hbm>>
          %dma_wait3A_260 = arith.constant 0 : i32
          %dma_wait3A_261 = arith.constant 0 : i32
          %dma_wait3A_262 = tpu.memref_slice %arg16[%dma_wait3A_260, %dma_wait3A_261] : memref<128x128xf32, #tpu.memory_space<vmem>> -> memref<80x128xf32, #tpu.memory_space<vmem>>
          tpu.wait_dma2 semaphore(%run_scoped3A : memref<!tpu.dma_semaphore, #tpu.memory_space<semaphore_mem>>) src(%dma_wait3A_262 : memref<80x128xf32, #tpu.memory_space<vmem>>) dst(%dma_wait3A_259 : memref<80x128xf32, #tpu.memory_space<hbm>>)
          tpu.yield
        }) : () -> ()
      } else {
      }
    } else {
    }
    %add3A_93 = arith.constant 80 : i32
    %add3A_94 = arith.addi %add3A_93, %arg1 : i32
    %lt3A_95 = arith.constant 125 : i32
    %lt3A_96 = arith.cmpi slt, %add3A_94, %lt3A_95 : i32
    %convert_element_type3A_97 = arith.extui %lt3A_96 : i1 to i32
    %cond3A_98 = arith.constant 0 : i32
    %cond3A_99 = arith.cmpi ne, %convert_element_type3A_97, %cond3A_98 : i32
    scf.if %cond3A_99 {
      %mul3A = arith.constant 80 : i32
      %mul3A_235 = arith.muli %add3A_94, %mul3A : i32
      %multiple_of3A = tpu.assume_multiple %mul3A_235, 80 : i32
      "tpu.region"() ({
        %run_scoped3A = tpu.sem_alloc : memref<!tpu.dma_semaphore, #tpu.memory_space<semaphore_mem>>
        %dma_start3A = arith.constant 0 : i32
        %dma_start3A_245 = arith.constant 0 : i32
        %dma_start3A_246 = tpu.memref_slice %arg16[%dma_start3A, %dma_start3A_245] : memref<128x128xf32, #tpu.memory_space<vmem>> -> memref<80x128xf32, #tpu.memory_space<vmem>>
        %dma_start3A_247 = arith.constant 0 : i32
        %dma_start3A_248 = tpu.memref_slice %arg18[%multiple_of3A, %dma_start3A_247] : memref<10000x128xf32, #tpu.memory_space<vmem_shared>> -> memref<80x128xf32, #tpu.memory_space<vmem_shared>>
        %dma_start3A_249 = arith.constant 0 : i32
        %dma_start3A_250 = arith.constant 0 : i32
        %dma_start3A_251 = tpu.memref_slice %arg16[%dma_start3A_249, %dma_start3A_250] : memref<128x128xf32, #tpu.memory_space<vmem>> -> memref<80x128xf32, #tpu.memory_space<vmem>>
        %dma_start3A_252 = arith.constant 0 : i32
        %dma_start3A_253 = tpu.memref_slice %arg18[%multiple_of3A, %dma_start3A_252] : memref<10000x128xf32, #tpu.memory_space<vmem_shared>> -> memref<80x128xf32, #tpu.memory_space<vmem_shared>>
        tpu.enqueue_dma source(%dma_start3A_253 : memref<80x128xf32, #tpu.memory_space<vmem_shared>>) target(%dma_start3A_251 : memref<80x128xf32, #tpu.memory_space<vmem>>) target_semaphore(%run_scoped3A : memref<!tpu.dma_semaphore, #tpu.memory_space<semaphore_mem>>)
        %dma_wait3A = arith.constant 0 : i32
        %dma_wait3A_254 = arith.constant 0 : i32
        %dma_wait3A_255 = tpu.memref_slice %arg16[%dma_wait3A, %dma_wait3A_254] : memref<128x128xf32, #tpu.memory_space<vmem>> -> memref<80x128xf32, #tpu.memory_space<vmem>>
        %dma_wait3A_256 = arith.constant 0 : i32
        %dma_wait3A_257 = tpu.memref_slice %arg18[%multiple_of3A, %dma_wait3A_256] : memref<10000x128xf32, #tpu.memory_space<vmem_shared>> -> memref<80x128xf32, #tpu.memory_space<vmem_shared>>
        %dma_wait3A_258 = arith.constant 0 : i32
        %dma_wait3A_259 = arith.constant 0 : i32
        %dma_wait3A_260 = tpu.memref_slice %arg16[%dma_wait3A_258, %dma_wait3A_259] : memref<128x128xf32, #tpu.memory_space<vmem>> -> memref<80x128xf32, #tpu.memory_space<vmem>>
        %dma_wait3A_261 = arith.constant 0 : i32
        %dma_wait3A_262 = tpu.memref_slice %arg18[%multiple_of3A, %dma_wait3A_261] : memref<10000x128xf32, #tpu.memory_space<vmem_shared>> -> memref<80x128xf32, #tpu.memory_space<vmem_shared>>
        tpu.wait_dma2 semaphore(%run_scoped3A : memref<!tpu.dma_semaphore, #tpu.memory_space<semaphore_mem>>) src(%dma_wait3A_262 : memref<80x128xf32, #tpu.memory_space<vmem_shared>>) dst(%dma_wait3A_260 : memref<80x128xf32, #tpu.memory_space<vmem>>)
        tpu.yield
      }) : () -> ()
      %eq3A = arith.constant 0 : i32
      %eq3A_236 = arith.cmpi eq, %arg0, %eq3A : i32
      %convert_element_type3A_237 = arith.extui %eq3A_236 : i1 to i32
      %cond3A_238 = arith.constant 0 : i32
      %cond3A_239 = arith.cmpi ne, %convert_element_type3A_237, %cond3A_238 : i32
      scf.if %cond3A_239 {
        "tpu.region"() ({
          %run_scoped3A = tpu.sem_alloc : memref<!tpu.dma_semaphore, #tpu.memory_space<semaphore_mem>>
          %dma_start3A = arith.constant 0 : i32
          %dma_start3A_245 = arith.constant 0 : i32
          %dma_start3A_246 = tpu.memref_slice %arg16[%dma_start3A, %dma_start3A_245] : memref<128x128xf32, #tpu.memory_space<vmem>> -> memref<80x128xf32, #tpu.memory_space<vmem>>
          %dma_start3A_247 = arith.constant 0 : i32
          %dma_start3A_248 = tpu.memref_slice %arg8[%multiple_of3A, %dma_start3A_247] : memref<10000x128xf32, #tpu.memory_space<hbm>> -> memref<80x128xf32, #tpu.memory_space<hbm>>
          %dma_start3A_249 = arith.constant 0 : i32
          %dma_start3A_250 = tpu.memref_slice %arg8[%multiple_of3A, %dma_start3A_249] : memref<10000x128xf32, #tpu.memory_space<hbm>> -> memref<80x128xf32, #tpu.memory_space<hbm>>
          %dma_start3A_251 = arith.constant 0 : i32
          %dma_start3A_252 = arith.constant 0 : i32
          %dma_start3A_253 = tpu.memref_slice %arg16[%dma_start3A_251, %dma_start3A_252] : memref<128x128xf32, #tpu.memory_space<vmem>> -> memref<80x128xf32, #tpu.memory_space<vmem>>
          tpu.enqueue_dma source(%dma_start3A_253 : memref<80x128xf32, #tpu.memory_space<vmem>>) target(%dma_start3A_250 : memref<80x128xf32, #tpu.memory_space<hbm>>) target_semaphore(%run_scoped3A : memref<!tpu.dma_semaphore, #tpu.memory_space<semaphore_mem>>)
          %dma_wait3A = arith.constant 0 : i32
          %dma_wait3A_254 = arith.constant 0 : i32
          %dma_wait3A_255 = tpu.memref_slice %arg16[%dma_wait3A, %dma_wait3A_254] : memref<128x128xf32, #tpu.memory_space<vmem>> -> memref<80x128xf32, #tpu.memory_space<vmem>>
          %dma_wait3A_256 = arith.constant 0 : i32
          %dma_wait3A_257 = tpu.memref_slice %arg8[%multiple_of3A, %dma_wait3A_256] : memref<10000x128xf32, #tpu.memory_space<hbm>> -> memref<80x128xf32, #tpu.memory_space<hbm>>
          %dma_wait3A_258 = arith.constant 0 : i32
          %dma_wait3A_259 = tpu.memref_slice %arg8[%multiple_of3A, %dma_wait3A_258] : memref<10000x128xf32, #tpu.memory_space<hbm>> -> memref<80x128xf32, #tpu.memory_space<hbm>>
          %dma_wait3A_260 = arith.constant 0 : i32
          %dma_wait3A_261 = arith.constant 0 : i32
          %dma_wait3A_262 = tpu.memref_slice %arg16[%dma_wait3A_260, %dma_wait3A_261] : memref<128x128xf32, #tpu.memory_space<vmem>> -> memref<80x128xf32, #tpu.memory_space<vmem>>
          tpu.wait_dma2 semaphore(%run_scoped3A : memref<!tpu.dma_semaphore, #tpu.memory_space<semaphore_mem>>) src(%dma_wait3A_262 : memref<80x128xf32, #tpu.memory_space<vmem>>) dst(%dma_wait3A_259 : memref<80x128xf32, #tpu.memory_space<hbm>>)
          tpu.yield
        }) : () -> ()
      } else {
      }
      %eq3A_240 = arith.constant 1 : i32
      %eq3A_241 = arith.cmpi eq, %arg0, %eq3A_240 : i32
      %convert_element_type3A_242 = arith.extui %eq3A_241 : i1 to i32
      %cond3A_243 = arith.constant 0 : i32
      %cond3A_244 = arith.cmpi ne, %convert_element_type3A_242, %cond3A_243 : i32
      scf.if %cond3A_244 {
        "tpu.region"() ({
          %run_scoped3A = tpu.sem_alloc : memref<!tpu.dma_semaphore, #tpu.memory_space<semaphore_mem>>
          %dma_start3A = arith.constant 0 : i32
          %dma_start3A_245 = arith.constant 0 : i32
          %dma_start3A_246 = tpu.memref_slice %arg16[%dma_start3A, %dma_start3A_245] : memref<128x128xf32, #tpu.memory_space<vmem>> -> memref<80x128xf32, #tpu.memory_space<vmem>>
          %dma_start3A_247 = arith.constant 0 : i32
          %dma_start3A_248 = tpu.memref_slice %arg9[%multiple_of3A, %dma_start3A_247] : memref<10000x128xf32, #tpu.memory_space<hbm>> -> memref<80x128xf32, #tpu.memory_space<hbm>>
          %dma_start3A_249 = arith.constant 0 : i32
          %dma_start3A_250 = tpu.memref_slice %arg9[%multiple_of3A, %dma_start3A_249] : memref<10000x128xf32, #tpu.memory_space<hbm>> -> memref<80x128xf32, #tpu.memory_space<hbm>>
          %dma_start3A_251 = arith.constant 0 : i32
          %dma_start3A_252 = arith.constant 0 : i32
          %dma_start3A_253 = tpu.memref_slice %arg16[%dma_start3A_251, %dma_start3A_252] : memref<128x128xf32, #tpu.memory_space<vmem>> -> memref<80x128xf32, #tpu.memory_space<vmem>>
          tpu.enqueue_dma source(%dma_start3A_253 : memref<80x128xf32, #tpu.memory_space<vmem>>) target(%dma_start3A_250 : memref<80x128xf32, #tpu.memory_space<hbm>>) target_semaphore(%run_scoped3A : memref<!tpu.dma_semaphore, #tpu.memory_space<semaphore_mem>>)
          %dma_wait3A = arith.constant 0 : i32
          %dma_wait3A_254 = arith.constant 0 : i32
          %dma_wait3A_255 = tpu.memref_slice %arg16[%dma_wait3A, %dma_wait3A_254] : memref<128x128xf32, #tpu.memory_space<vmem>> -> memref<80x128xf32, #tpu.memory_space<vmem>>
          %dma_wait3A_256 = arith.constant 0 : i32
          %dma_wait3A_257 = tpu.memref_slice %arg9[%multiple_of3A, %dma_wait3A_256] : memref<10000x128xf32, #tpu.memory_space<hbm>> -> memref<80x128xf32, #tpu.memory_space<hbm>>
          %dma_wait3A_258 = arith.constant 0 : i32
          %dma_wait3A_259 = tpu.memref_slice %arg9[%multiple_of3A, %dma_wait3A_258] : memref<10000x128xf32, #tpu.memory_space<hbm>> -> memref<80x128xf32, #tpu.memory_space<hbm>>
          %dma_wait3A_260 = arith.constant 0 : i32
          %dma_wait3A_261 = arith.constant 0 : i32
          %dma_wait3A_262 = tpu.memref_slice %arg16[%dma_wait3A_260, %dma_wait3A_261] : memref<128x128xf32, #tpu.memory_space<vmem>> -> memref<80x128xf32, #tpu.memory_space<vmem>>
          tpu.wait_dma2 semaphore(%run_scoped3A : memref<!tpu.dma_semaphore, #tpu.memory_space<semaphore_mem>>) src(%dma_wait3A_262 : memref<80x128xf32, #tpu.memory_space<vmem>>) dst(%dma_wait3A_259 : memref<80x128xf32, #tpu.memory_space<hbm>>)
          tpu.yield
        }) : () -> ()
      } else {
      }
    } else {
    }
    %add3A_100 = arith.constant 96 : i32
    %add3A_101 = arith.addi %add3A_100, %arg1 : i32
    %lt3A_102 = arith.constant 125 : i32
    %lt3A_103 = arith.cmpi slt, %add3A_101, %lt3A_102 : i32
    %convert_element_type3A_104 = arith.extui %lt3A_103 : i1 to i32
    %cond3A_105 = arith.constant 0 : i32
    %cond3A_106 = arith.cmpi ne, %convert_element_type3A_104, %cond3A_105 : i32
    scf.if %cond3A_106 {
      %mul3A = arith.constant 80 : i32
      %mul3A_235 = arith.muli %add3A_101, %mul3A : i32
      %multiple_of3A = tpu.assume_multiple %mul3A_235, 80 : i32
      "tpu.region"() ({
        %run_scoped3A = tpu.sem_alloc : memref<!tpu.dma_semaphore, #tpu.memory_space<semaphore_mem>>
        %dma_start3A = arith.constant 0 : i32
        %dma_start3A_245 = arith.constant 0 : i32
        %dma_start3A_246 = tpu.memref_slice %arg16[%dma_start3A, %dma_start3A_245] : memref<128x128xf32, #tpu.memory_space<vmem>> -> memref<80x128xf32, #tpu.memory_space<vmem>>
        %dma_start3A_247 = arith.constant 0 : i32
        %dma_start3A_248 = tpu.memref_slice %arg18[%multiple_of3A, %dma_start3A_247] : memref<10000x128xf32, #tpu.memory_space<vmem_shared>> -> memref<80x128xf32, #tpu.memory_space<vmem_shared>>
        %dma_start3A_249 = arith.constant 0 : i32
        %dma_start3A_250 = arith.constant 0 : i32
        %dma_start3A_251 = tpu.memref_slice %arg16[%dma_start3A_249, %dma_start3A_250] : memref<128x128xf32, #tpu.memory_space<vmem>> -> memref<80x128xf32, #tpu.memory_space<vmem>>
        %dma_start3A_252 = arith.constant 0 : i32
        %dma_start3A_253 = tpu.memref_slice %arg18[%multiple_of3A, %dma_start3A_252] : memref<10000x128xf32, #tpu.memory_space<vmem_shared>> -> memref<80x128xf32, #tpu.memory_space<vmem_shared>>
        tpu.enqueue_dma source(%dma_start3A_253 : memref<80x128xf32, #tpu.memory_space<vmem_shared>>) target(%dma_start3A_251 : memref<80x128xf32, #tpu.memory_space<vmem>>) target_semaphore(%run_scoped3A : memref<!tpu.dma_semaphore, #tpu.memory_space<semaphore_mem>>)
        %dma_wait3A = arith.constant 0 : i32
        %dma_wait3A_254 = arith.constant 0 : i32
        %dma_wait3A_255 = tpu.memref_slice %arg16[%dma_wait3A, %dma_wait3A_254] : memref<128x128xf32, #tpu.memory_space<vmem>> -> memref<80x128xf32, #tpu.memory_space<vmem>>
        %dma_wait3A_256 = arith.constant 0 : i32
        %dma_wait3A_257 = tpu.memref_slice %arg18[%multiple_of3A, %dma_wait3A_256] : memref<10000x128xf32, #tpu.memory_space<vmem_shared>> -> memref<80x128xf32, #tpu.memory_space<vmem_shared>>
        %dma_wait3A_258 = arith.constant 0 : i32
        %dma_wait3A_259 = arith.constant 0 : i32
        %dma_wait3A_260 = tpu.memref_slice %arg16[%dma_wait3A_258, %dma_wait3A_259] : memref<128x128xf32, #tpu.memory_space<vmem>> -> memref<80x128xf32, #tpu.memory_space<vmem>>
        %dma_wait3A_261 = arith.constant 0 : i32
        %dma_wait3A_262 = tpu.memref_slice %arg18[%multiple_of3A, %dma_wait3A_261] : memref<10000x128xf32, #tpu.memory_space<vmem_shared>> -> memref<80x128xf32, #tpu.memory_space<vmem_shared>>
        tpu.wait_dma2 semaphore(%run_scoped3A : memref<!tpu.dma_semaphore, #tpu.memory_space<semaphore_mem>>) src(%dma_wait3A_262 : memref<80x128xf32, #tpu.memory_space<vmem_shared>>) dst(%dma_wait3A_260 : memref<80x128xf32, #tpu.memory_space<vmem>>)
        tpu.yield
      }) : () -> ()
      %eq3A = arith.constant 0 : i32
      %eq3A_236 = arith.cmpi eq, %arg0, %eq3A : i32
      %convert_element_type3A_237 = arith.extui %eq3A_236 : i1 to i32
      %cond3A_238 = arith.constant 0 : i32
      %cond3A_239 = arith.cmpi ne, %convert_element_type3A_237, %cond3A_238 : i32
      scf.if %cond3A_239 {
        "tpu.region"() ({
          %run_scoped3A = tpu.sem_alloc : memref<!tpu.dma_semaphore, #tpu.memory_space<semaphore_mem>>
          %dma_start3A = arith.constant 0 : i32
          %dma_start3A_245 = arith.constant 0 : i32
          %dma_start3A_246 = tpu.memref_slice %arg16[%dma_start3A, %dma_start3A_245] : memref<128x128xf32, #tpu.memory_space<vmem>> -> memref<80x128xf32, #tpu.memory_space<vmem>>
          %dma_start3A_247 = arith.constant 0 : i32
          %dma_start3A_248 = tpu.memref_slice %arg8[%multiple_of3A, %dma_start3A_247] : memref<10000x128xf32, #tpu.memory_space<hbm>> -> memref<80x128xf32, #tpu.memory_space<hbm>>
          %dma_start3A_249 = arith.constant 0 : i32
          %dma_start3A_250 = tpu.memref_slice %arg8[%multiple_of3A, %dma_start3A_249] : memref<10000x128xf32, #tpu.memory_space<hbm>> -> memref<80x128xf32, #tpu.memory_space<hbm>>
          %dma_start3A_251 = arith.constant 0 : i32
          %dma_start3A_252 = arith.constant 0 : i32
          %dma_start3A_253 = tpu.memref_slice %arg16[%dma_start3A_251, %dma_start3A_252] : memref<128x128xf32, #tpu.memory_space<vmem>> -> memref<80x128xf32, #tpu.memory_space<vmem>>
          tpu.enqueue_dma source(%dma_start3A_253 : memref<80x128xf32, #tpu.memory_space<vmem>>) target(%dma_start3A_250 : memref<80x128xf32, #tpu.memory_space<hbm>>) target_semaphore(%run_scoped3A : memref<!tpu.dma_semaphore, #tpu.memory_space<semaphore_mem>>)
          %dma_wait3A = arith.constant 0 : i32
          %dma_wait3A_254 = arith.constant 0 : i32
          %dma_wait3A_255 = tpu.memref_slice %arg16[%dma_wait3A, %dma_wait3A_254] : memref<128x128xf32, #tpu.memory_space<vmem>> -> memref<80x128xf32, #tpu.memory_space<vmem>>
          %dma_wait3A_256 = arith.constant 0 : i32
          %dma_wait3A_257 = tpu.memref_slice %arg8[%multiple_of3A, %dma_wait3A_256] : memref<10000x128xf32, #tpu.memory_space<hbm>> -> memref<80x128xf32, #tpu.memory_space<hbm>>
          %dma_wait3A_258 = arith.constant 0 : i32
          %dma_wait3A_259 = tpu.memref_slice %arg8[%multiple_of3A, %dma_wait3A_258] : memref<10000x128xf32, #tpu.memory_space<hbm>> -> memref<80x128xf32, #tpu.memory_space<hbm>>
          %dma_wait3A_260 = arith.constant 0 : i32
          %dma_wait3A_261 = arith.constant 0 : i32
          %dma_wait3A_262 = tpu.memref_slice %arg16[%dma_wait3A_260, %dma_wait3A_261] : memref<128x128xf32, #tpu.memory_space<vmem>> -> memref<80x128xf32, #tpu.memory_space<vmem>>
          tpu.wait_dma2 semaphore(%run_scoped3A : memref<!tpu.dma_semaphore, #tpu.memory_space<semaphore_mem>>) src(%dma_wait3A_262 : memref<80x128xf32, #tpu.memory_space<vmem>>) dst(%dma_wait3A_259 : memref<80x128xf32, #tpu.memory_space<hbm>>)
          tpu.yield
        }) : () -> ()
      } else {
      }
      %eq3A_240 = arith.constant 1 : i32
      %eq3A_241 = arith.cmpi eq, %arg0, %eq3A_240 : i32
      %convert_element_type3A_242 = arith.extui %eq3A_241 : i1 to i32
      %cond3A_243 = arith.constant 0 : i32
      %cond3A_244 = arith.cmpi ne, %convert_element_type3A_242, %cond3A_243 : i32
      scf.if %cond3A_244 {
        "tpu.region"() ({
          %run_scoped3A = tpu.sem_alloc : memref<!tpu.dma_semaphore, #tpu.memory_space<semaphore_mem>>
          %dma_start3A = arith.constant 0 : i32
          %dma_start3A_245 = arith.constant 0 : i32
          %dma_start3A_246 = tpu.memref_slice %arg16[%dma_start3A, %dma_start3A_245] : memref<128x128xf32, #tpu.memory_space<vmem>> -> memref<80x128xf32, #tpu.memory_space<vmem>>
          %dma_start3A_247 = arith.constant 0 : i32
          %dma_start3A_248 = tpu.memref_slice %arg9[%multiple_of3A, %dma_start3A_247] : memref<10000x128xf32, #tpu.memory_space<hbm>> -> memref<80x128xf32, #tpu.memory_space<hbm>>
          %dma_start3A_249 = arith.constant 0 : i32
          %dma_start3A_250 = tpu.memref_slice %arg9[%multiple_of3A, %dma_start3A_249] : memref<10000x128xf32, #tpu.memory_space<hbm>> -> memref<80x128xf32, #tpu.memory_space<hbm>>
          %dma_start3A_251 = arith.constant 0 : i32
          %dma_start3A_252 = arith.constant 0 : i32
          %dma_start3A_253 = tpu.memref_slice %arg16[%dma_start3A_251, %dma_start3A_252] : memref<128x128xf32, #tpu.memory_space<vmem>> -> memref<80x128xf32, #tpu.memory_space<vmem>>
          tpu.enqueue_dma source(%dma_start3A_253 : memref<80x128xf32, #tpu.memory_space<vmem>>) target(%dma_start3A_250 : memref<80x128xf32, #tpu.memory_space<hbm>>) target_semaphore(%run_scoped3A : memref<!tpu.dma_semaphore, #tpu.memory_space<semaphore_mem>>)
          %dma_wait3A = arith.constant 0 : i32
          %dma_wait3A_254 = arith.constant 0 : i32
          %dma_wait3A_255 = tpu.memref_slice %arg16[%dma_wait3A, %dma_wait3A_254] : memref<128x128xf32, #tpu.memory_space<vmem>> -> memref<80x128xf32, #tpu.memory_space<vmem>>
          %dma_wait3A_256 = arith.constant 0 : i32
          %dma_wait3A_257 = tpu.memref_slice %arg9[%multiple_of3A, %dma_wait3A_256] : memref<10000x128xf32, #tpu.memory_space<hbm>> -> memref<80x128xf32, #tpu.memory_space<hbm>>
          %dma_wait3A_258 = arith.constant 0 : i32
          %dma_wait3A_259 = tpu.memref_slice %arg9[%multiple_of3A, %dma_wait3A_258] : memref<10000x128xf32, #tpu.memory_space<hbm>> -> memref<80x128xf32, #tpu.memory_space<hbm>>
          %dma_wait3A_260 = arith.constant 0 : i32
          %dma_wait3A_261 = arith.constant 0 : i32
          %dma_wait3A_262 = tpu.memref_slice %arg16[%dma_wait3A_260, %dma_wait3A_261] : memref<128x128xf32, #tpu.memory_space<vmem>> -> memref<80x128xf32, #tpu.memory_space<vmem>>
          tpu.wait_dma2 semaphore(%run_scoped3A : memref<!tpu.dma_semaphore, #tpu.memory_space<semaphore_mem>>) src(%dma_wait3A_262 : memref<80x128xf32, #tpu.memory_space<vmem>>) dst(%dma_wait3A_259 : memref<80x128xf32, #tpu.memory_space<hbm>>)
          tpu.yield
        }) : () -> ()
      } else {
      }
    } else {
    }
    %add3A_107 = arith.constant 112 : i32
    %add3A_108 = arith.addi %add3A_107, %arg1 : i32
    %lt3A_109 = arith.constant 125 : i32
    %lt3A_110 = arith.cmpi slt, %add3A_108, %lt3A_109 : i32
    %convert_element_type3A_111 = arith.extui %lt3A_110 : i1 to i32
    %cond3A_112 = arith.constant 0 : i32
    %cond3A_113 = arith.cmpi ne, %convert_element_type3A_111, %cond3A_112 : i32
    scf.if %cond3A_113 {
      %mul3A = arith.constant 80 : i32
      %mul3A_235 = arith.muli %add3A_108, %mul3A : i32
      %multiple_of3A = tpu.assume_multiple %mul3A_235, 80 : i32
      "tpu.region"() ({
        %run_scoped3A = tpu.sem_alloc : memref<!tpu.dma_semaphore, #tpu.memory_space<semaphore_mem>>
        %dma_start3A = arith.constant 0 : i32
        %dma_start3A_245 = arith.constant 0 : i32
        %dma_start3A_246 = tpu.memref_slice %arg16[%dma_start3A, %dma_start3A_245] : memref<128x128xf32, #tpu.memory_space<vmem>> -> memref<80x128xf32, #tpu.memory_space<vmem>>
        %dma_start3A_247 = arith.constant 0 : i32
        %dma_start3A_248 = tpu.memref_slice %arg18[%multiple_of3A, %dma_start3A_247] : memref<10000x128xf32, #tpu.memory_space<vmem_shared>> -> memref<80x128xf32, #tpu.memory_space<vmem_shared>>
        %dma_start3A_249 = arith.constant 0 : i32
        %dma_start3A_250 = arith.constant 0 : i32
        %dma_start3A_251 = tpu.memref_slice %arg16[%dma_start3A_249, %dma_start3A_250] : memref<128x128xf32, #tpu.memory_space<vmem>> -> memref<80x128xf32, #tpu.memory_space<vmem>>
        %dma_start3A_252 = arith.constant 0 : i32
        %dma_start3A_253 = tpu.memref_slice %arg18[%multiple_of3A, %dma_start3A_252] : memref<10000x128xf32, #tpu.memory_space<vmem_shared>> -> memref<80x128xf32, #tpu.memory_space<vmem_shared>>
        tpu.enqueue_dma source(%dma_start3A_253 : memref<80x128xf32, #tpu.memory_space<vmem_shared>>) target(%dma_start3A_251 : memref<80x128xf32, #tpu.memory_space<vmem>>) target_semaphore(%run_scoped3A : memref<!tpu.dma_semaphore, #tpu.memory_space<semaphore_mem>>)
        %dma_wait3A = arith.constant 0 : i32
        %dma_wait3A_254 = arith.constant 0 : i32
        %dma_wait3A_255 = tpu.memref_slice %arg16[%dma_wait3A, %dma_wait3A_254] : memref<128x128xf32, #tpu.memory_space<vmem>> -> memref<80x128xf32, #tpu.memory_space<vmem>>
        %dma_wait3A_256 = arith.constant 0 : i32
        %dma_wait3A_257 = tpu.memref_slice %arg18[%multiple_of3A, %dma_wait3A_256] : memref<10000x128xf32, #tpu.memory_space<vmem_shared>> -> memref<80x128xf32, #tpu.memory_space<vmem_shared>>
        %dma_wait3A_258 = arith.constant 0 : i32
        %dma_wait3A_259 = arith.constant 0 : i32
        %dma_wait3A_260 = tpu.memref_slice %arg16[%dma_wait3A_258, %dma_wait3A_259] : memref<128x128xf32, #tpu.memory_space<vmem>> -> memref<80x128xf32, #tpu.memory_space<vmem>>
        %dma_wait3A_261 = arith.constant 0 : i32
        %dma_wait3A_262 = tpu.memref_slice %arg18[%multiple_of3A, %dma_wait3A_261] : memref<10000x128xf32, #tpu.memory_space<vmem_shared>> -> memref<80x128xf32, #tpu.memory_space<vmem_shared>>
        tpu.wait_dma2 semaphore(%run_scoped3A : memref<!tpu.dma_semaphore, #tpu.memory_space<semaphore_mem>>) src(%dma_wait3A_262 : memref<80x128xf32, #tpu.memory_space<vmem_shared>>) dst(%dma_wait3A_260 : memref<80x128xf32, #tpu.memory_space<vmem>>)
        tpu.yield
      }) : () -> ()
      %eq3A = arith.constant 0 : i32
      %eq3A_236 = arith.cmpi eq, %arg0, %eq3A : i32
      %convert_element_type3A_237 = arith.extui %eq3A_236 : i1 to i32
      %cond3A_238 = arith.constant 0 : i32
      %cond3A_239 = arith.cmpi ne, %convert_element_type3A_237, %cond3A_238 : i32
      scf.if %cond3A_239 {
        "tpu.region"() ({
          %run_scoped3A = tpu.sem_alloc : memref<!tpu.dma_semaphore, #tpu.memory_space<semaphore_mem>>
          %dma_start3A = arith.constant 0 : i32
          %dma_start3A_245 = arith.constant 0 : i32
          %dma_start3A_246 = tpu.memref_slice %arg16[%dma_start3A, %dma_start3A_245] : memref<128x128xf32, #tpu.memory_space<vmem>> -> memref<80x128xf32, #tpu.memory_space<vmem>>
          %dma_start3A_247 = arith.constant 0 : i32
          %dma_start3A_248 = tpu.memref_slice %arg8[%multiple_of3A, %dma_start3A_247] : memref<10000x128xf32, #tpu.memory_space<hbm>> -> memref<80x128xf32, #tpu.memory_space<hbm>>
          %dma_start3A_249 = arith.constant 0 : i32
          %dma_start3A_250 = tpu.memref_slice %arg8[%multiple_of3A, %dma_start3A_249] : memref<10000x128xf32, #tpu.memory_space<hbm>> -> memref<80x128xf32, #tpu.memory_space<hbm>>
          %dma_start3A_251 = arith.constant 0 : i32
          %dma_start3A_252 = arith.constant 0 : i32
          %dma_start3A_253 = tpu.memref_slice %arg16[%dma_start3A_251, %dma_start3A_252] : memref<128x128xf32, #tpu.memory_space<vmem>> -> memref<80x128xf32, #tpu.memory_space<vmem>>
          tpu.enqueue_dma source(%dma_start3A_253 : memref<80x128xf32, #tpu.memory_space<vmem>>) target(%dma_start3A_250 : memref<80x128xf32, #tpu.memory_space<hbm>>) target_semaphore(%run_scoped3A : memref<!tpu.dma_semaphore, #tpu.memory_space<semaphore_mem>>)
          %dma_wait3A = arith.constant 0 : i32
          %dma_wait3A_254 = arith.constant 0 : i32
          %dma_wait3A_255 = tpu.memref_slice %arg16[%dma_wait3A, %dma_wait3A_254] : memref<128x128xf32, #tpu.memory_space<vmem>> -> memref<80x128xf32, #tpu.memory_space<vmem>>
          %dma_wait3A_256 = arith.constant 0 : i32
          %dma_wait3A_257 = tpu.memref_slice %arg8[%multiple_of3A, %dma_wait3A_256] : memref<10000x128xf32, #tpu.memory_space<hbm>> -> memref<80x128xf32, #tpu.memory_space<hbm>>
          %dma_wait3A_258 = arith.constant 0 : i32
          %dma_wait3A_259 = tpu.memref_slice %arg8[%multiple_of3A, %dma_wait3A_258] : memref<10000x128xf32, #tpu.memory_space<hbm>> -> memref<80x128xf32, #tpu.memory_space<hbm>>
          %dma_wait3A_260 = arith.constant 0 : i32
          %dma_wait3A_261 = arith.constant 0 : i32
          %dma_wait3A_262 = tpu.memref_slice %arg16[%dma_wait3A_260, %dma_wait3A_261] : memref<128x128xf32, #tpu.memory_space<vmem>> -> memref<80x128xf32, #tpu.memory_space<vmem>>
          tpu.wait_dma2 semaphore(%run_scoped3A : memref<!tpu.dma_semaphore, #tpu.memory_space<semaphore_mem>>) src(%dma_wait3A_262 : memref<80x128xf32, #tpu.memory_space<vmem>>) dst(%dma_wait3A_259 : memref<80x128xf32, #tpu.memory_space<hbm>>)
          tpu.yield
        }) : () -> ()
      } else {
      }
      %eq3A_240 = arith.constant 1 : i32
      %eq3A_241 = arith.cmpi eq, %arg0, %eq3A_240 : i32
      %convert_element_type3A_242 = arith.extui %eq3A_241 : i1 to i32
      %cond3A_243 = arith.constant 0 : i32
      %cond3A_244 = arith.cmpi ne, %convert_element_type3A_242, %cond3A_243 : i32
      scf.if %cond3A_244 {
        "tpu.region"() ({
          %run_scoped3A = tpu.sem_alloc : memref<!tpu.dma_semaphore, #tpu.memory_space<semaphore_mem>>
          %dma_start3A = arith.constant 0 : i32
          %dma_start3A_245 = arith.constant 0 : i32
          %dma_start3A_246 = tpu.memref_slice %arg16[%dma_start3A, %dma_start3A_245] : memref<128x128xf32, #tpu.memory_space<vmem>> -> memref<80x128xf32, #tpu.memory_space<vmem>>
          %dma_start3A_247 = arith.constant 0 : i32
          %dma_start3A_248 = tpu.memref_slice %arg9[%multiple_of3A, %dma_start3A_247] : memref<10000x128xf32, #tpu.memory_space<hbm>> -> memref<80x128xf32, #tpu.memory_space<hbm>>
          %dma_start3A_249 = arith.constant 0 : i32
          %dma_start3A_250 = tpu.memref_slice %arg9[%multiple_of3A, %dma_start3A_249] : memref<10000x128xf32, #tpu.memory_space<hbm>> -> memref<80x128xf32, #tpu.memory_space<hbm>>
          %dma_start3A_251 = arith.constant 0 : i32
          %dma_start3A_252 = arith.constant 0 : i32
          %dma_start3A_253 = tpu.memref_slice %arg16[%dma_start3A_251, %dma_start3A_252] : memref<128x128xf32, #tpu.memory_space<vmem>> -> memref<80x128xf32, #tpu.memory_space<vmem>>
          tpu.enqueue_dma source(%dma_start3A_253 : memref<80x128xf32, #tpu.memory_space<vmem>>) target(%dma_start3A_250 : memref<80x128xf32, #tpu.memory_space<hbm>>) target_semaphore(%run_scoped3A : memref<!tpu.dma_semaphore, #tpu.memory_space<semaphore_mem>>)
          %dma_wait3A = arith.constant 0 : i32
          %dma_wait3A_254 = arith.constant 0 : i32
          %dma_wait3A_255 = tpu.memref_slice %arg16[%dma_wait3A, %dma_wait3A_254] : memref<128x128xf32, #tpu.memory_space<vmem>> -> memref<80x128xf32, #tpu.memory_space<vmem>>
          %dma_wait3A_256 = arith.constant 0 : i32
          %dma_wait3A_257 = tpu.memref_slice %arg9[%multiple_of3A, %dma_wait3A_256] : memref<10000x128xf32, #tpu.memory_space<hbm>> -> memref<80x128xf32, #tpu.memory_space<hbm>>
          %dma_wait3A_258 = arith.constant 0 : i32
          %dma_wait3A_259 = tpu.memref_slice %arg9[%multiple_of3A, %dma_wait3A_258] : memref<10000x128xf32, #tpu.memory_space<hbm>> -> memref<80x128xf32, #tpu.memory_space<hbm>>
          %dma_wait3A_260 = arith.constant 0 : i32
          %dma_wait3A_261 = arith.constant 0 : i32
          %dma_wait3A_262 = tpu.memref_slice %arg16[%dma_wait3A_260, %dma_wait3A_261] : memref<128x128xf32, #tpu.memory_space<vmem>> -> memref<80x128xf32, #tpu.memory_space<vmem>>
          tpu.wait_dma2 semaphore(%run_scoped3A : memref<!tpu.dma_semaphore, #tpu.memory_space<semaphore_mem>>) src(%dma_wait3A_262 : memref<80x128xf32, #tpu.memory_space<vmem>>) dst(%dma_wait3A_259 : memref<80x128xf32, #tpu.memory_space<hbm>>)
          tpu.yield
        }) : () -> ()
      } else {
      }
    } else {
    }
    %barrier3A_114 = arith.constant 0 : index
    tpu.barrier barrier_id(%barrier3A_114)
    "tpu.region"() ({
      %run_scoped3A = tpu.sem_alloc : memref<!tpu.dma_semaphore, #tpu.memory_space<semaphore_mem>>
      tpu.enqueue_dma source(%arg6 : memref<128x128xf32, #tpu.memory_space<hbm>>) target(%arg16 : memref<128x128xf32, #tpu.memory_space<vmem>>) target_semaphore(%run_scoped3A : memref<!tpu.dma_semaphore, #tpu.memory_space<semaphore_mem>>)
      tpu.wait_dma2 semaphore(%run_scoped3A : memref<!tpu.dma_semaphore, #tpu.memory_space<semaphore_mem>>) src(%arg6 : memref<128x128xf32, #tpu.memory_space<hbm>>) dst(%arg16 : memref<128x128xf32, #tpu.memory_space<vmem>>)
      tpu.yield
    }) : () -> ()
    %add3A_115 = arith.constant 0 : i32
    %add3A_116 = arith.addi %add3A_115, %arg1 : i32
    %lt3A_117 = arith.constant 125 : i32
    %lt3A_118 = arith.cmpi slt, %add3A_116, %lt3A_117 : i32
    %convert_element_type3A_119 = arith.extui %lt3A_118 : i1 to i32
    %cond3A_120 = arith.constant 0 : i32
    %cond3A_121 = arith.cmpi ne, %convert_element_type3A_119, %cond3A_120 : i32
    scf.if %cond3A_121 {
      %mul3A = arith.constant 80 : i32
      %mul3A_235 = arith.muli %add3A_116, %mul3A : i32
      %multiple_of3A = tpu.assume_multiple %mul3A_235, 80 : i32
      "tpu.region"() ({
        %run_scoped3A = tpu.sem_alloc : memref<!tpu.dma_semaphore, #tpu.memory_space<semaphore_mem>>
        %dma_start3A = arith.constant 0 : i32
        %dma_start3A_236 = arith.constant 0 : i32
        %dma_start3A_237 = tpu.memref_slice %arg16[%dma_start3A, %dma_start3A_236] : memref<128x128xf32, #tpu.memory_space<vmem>> -> memref<80x128xf32, #tpu.memory_space<vmem>>
        %dma_start3A_238 = arith.constant 0 : i32
        %dma_start3A_239 = tpu.memref_slice %arg18[%multiple_of3A, %dma_start3A_238] : memref<10000x128xf32, #tpu.memory_space<vmem_shared>> -> memref<80x128xf32, #tpu.memory_space<vmem_shared>>
        %dma_start3A_240 = arith.constant 0 : i32
        %dma_start3A_241 = tpu.memref_slice %arg18[%multiple_of3A, %dma_start3A_240] : memref<10000x128xf32, #tpu.memory_space<vmem_shared>> -> memref<80x128xf32, #tpu.memory_space<vmem_shared>>
        %dma_start3A_242 = arith.constant 0 : i32
        %dma_start3A_243 = arith.constant 0 : i32
        %dma_start3A_244 = tpu.memref_slice %arg16[%dma_start3A_242, %dma_start3A_243] : memref<128x128xf32, #tpu.memory_space<vmem>> -> memref<80x128xf32, #tpu.memory_space<vmem>>
        tpu.enqueue_dma source(%dma_start3A_244 : memref<80x128xf32, #tpu.memory_space<vmem>>) target(%dma_start3A_241 : memref<80x128xf32, #tpu.memory_space<vmem_shared>>) target_semaphore(%run_scoped3A : memref<!tpu.dma_semaphore, #tpu.memory_space<semaphore_mem>>)
        %dma_wait3A = arith.constant 0 : i32
        %dma_wait3A_245 = arith.constant 0 : i32
        %dma_wait3A_246 = tpu.memref_slice %arg16[%dma_wait3A, %dma_wait3A_245] : memref<128x128xf32, #tpu.memory_space<vmem>> -> memref<80x128xf32, #tpu.memory_space<vmem>>
        %dma_wait3A_247 = arith.constant 0 : i32
        %dma_wait3A_248 = tpu.memref_slice %arg18[%multiple_of3A, %dma_wait3A_247] : memref<10000x128xf32, #tpu.memory_space<vmem_shared>> -> memref<80x128xf32, #tpu.memory_space<vmem_shared>>
        %dma_wait3A_249 = arith.constant 0 : i32
        %dma_wait3A_250 = tpu.memref_slice %arg18[%multiple_of3A, %dma_wait3A_249] : memref<10000x128xf32, #tpu.memory_space<vmem_shared>> -> memref<80x128xf32, #tpu.memory_space<vmem_shared>>
        %dma_wait3A_251 = arith.constant 0 : i32
        %dma_wait3A_252 = arith.constant 0 : i32
        %dma_wait3A_253 = tpu.memref_slice %arg16[%dma_wait3A_251, %dma_wait3A_252] : memref<128x128xf32, #tpu.memory_space<vmem>> -> memref<80x128xf32, #tpu.memory_space<vmem>>
        tpu.wait_dma2 semaphore(%run_scoped3A : memref<!tpu.dma_semaphore, #tpu.memory_space<semaphore_mem>>) src(%dma_wait3A_253 : memref<80x128xf32, #tpu.memory_space<vmem>>) dst(%dma_wait3A_250 : memref<80x128xf32, #tpu.memory_space<vmem_shared>>)
        tpu.yield
      }) : () -> ()
    } else {
    }
    %add3A_122 = arith.constant 16 : i32
    %add3A_123 = arith.addi %add3A_122, %arg1 : i32
    %lt3A_124 = arith.constant 125 : i32
    %lt3A_125 = arith.cmpi slt, %add3A_123, %lt3A_124 : i32
    %convert_element_type3A_126 = arith.extui %lt3A_125 : i1 to i32
    %cond3A_127 = arith.constant 0 : i32
    %cond3A_128 = arith.cmpi ne, %convert_element_type3A_126, %cond3A_127 : i32
    scf.if %cond3A_128 {
      %mul3A = arith.constant 80 : i32
      %mul3A_235 = arith.muli %add3A_123, %mul3A : i32
      %multiple_of3A = tpu.assume_multiple %mul3A_235, 80 : i32
      "tpu.region"() ({
        %run_scoped3A = tpu.sem_alloc : memref<!tpu.dma_semaphore, #tpu.memory_space<semaphore_mem>>
        %dma_start3A = arith.constant 0 : i32
        %dma_start3A_236 = arith.constant 0 : i32
        %dma_start3A_237 = tpu.memref_slice %arg16[%dma_start3A, %dma_start3A_236] : memref<128x128xf32, #tpu.memory_space<vmem>> -> memref<80x128xf32, #tpu.memory_space<vmem>>
        %dma_start3A_238 = arith.constant 0 : i32
        %dma_start3A_239 = tpu.memref_slice %arg18[%multiple_of3A, %dma_start3A_238] : memref<10000x128xf32, #tpu.memory_space<vmem_shared>> -> memref<80x128xf32, #tpu.memory_space<vmem_shared>>
        %dma_start3A_240 = arith.constant 0 : i32
        %dma_start3A_241 = tpu.memref_slice %arg18[%multiple_of3A, %dma_start3A_240] : memref<10000x128xf32, #tpu.memory_space<vmem_shared>> -> memref<80x128xf32, #tpu.memory_space<vmem_shared>>
        %dma_start3A_242 = arith.constant 0 : i32
        %dma_start3A_243 = arith.constant 0 : i32
        %dma_start3A_244 = tpu.memref_slice %arg16[%dma_start3A_242, %dma_start3A_243] : memref<128x128xf32, #tpu.memory_space<vmem>> -> memref<80x128xf32, #tpu.memory_space<vmem>>
        tpu.enqueue_dma source(%dma_start3A_244 : memref<80x128xf32, #tpu.memory_space<vmem>>) target(%dma_start3A_241 : memref<80x128xf32, #tpu.memory_space<vmem_shared>>) target_semaphore(%run_scoped3A : memref<!tpu.dma_semaphore, #tpu.memory_space<semaphore_mem>>)
        %dma_wait3A = arith.constant 0 : i32
        %dma_wait3A_245 = arith.constant 0 : i32
        %dma_wait3A_246 = tpu.memref_slice %arg16[%dma_wait3A, %dma_wait3A_245] : memref<128x128xf32, #tpu.memory_space<vmem>> -> memref<80x128xf32, #tpu.memory_space<vmem>>
        %dma_wait3A_247 = arith.constant 0 : i32
        %dma_wait3A_248 = tpu.memref_slice %arg18[%multiple_of3A, %dma_wait3A_247] : memref<10000x128xf32, #tpu.memory_space<vmem_shared>> -> memref<80x128xf32, #tpu.memory_space<vmem_shared>>
        %dma_wait3A_249 = arith.constant 0 : i32
        %dma_wait3A_250 = tpu.memref_slice %arg18[%multiple_of3A, %dma_wait3A_249] : memref<10000x128xf32, #tpu.memory_space<vmem_shared>> -> memref<80x128xf32, #tpu.memory_space<vmem_shared>>
        %dma_wait3A_251 = arith.constant 0 : i32
        %dma_wait3A_252 = arith.constant 0 : i32
        %dma_wait3A_253 = tpu.memref_slice %arg16[%dma_wait3A_251, %dma_wait3A_252] : memref<128x128xf32, #tpu.memory_space<vmem>> -> memref<80x128xf32, #tpu.memory_space<vmem>>
        tpu.wait_dma2 semaphore(%run_scoped3A : memref<!tpu.dma_semaphore, #tpu.memory_space<semaphore_mem>>) src(%dma_wait3A_253 : memref<80x128xf32, #tpu.memory_space<vmem>>) dst(%dma_wait3A_250 : memref<80x128xf32, #tpu.memory_space<vmem_shared>>)
        tpu.yield
      }) : () -> ()
    } else {
    }
    %add3A_129 = arith.constant 32 : i32
    %add3A_130 = arith.addi %add3A_129, %arg1 : i32
    %lt3A_131 = arith.constant 125 : i32
    %lt3A_132 = arith.cmpi slt, %add3A_130, %lt3A_131 : i32
    %convert_element_type3A_133 = arith.extui %lt3A_132 : i1 to i32
    %cond3A_134 = arith.constant 0 : i32
    %cond3A_135 = arith.cmpi ne, %convert_element_type3A_133, %cond3A_134 : i32
    scf.if %cond3A_135 {
      %mul3A = arith.constant 80 : i32
      %mul3A_235 = arith.muli %add3A_130, %mul3A : i32
      %multiple_of3A = tpu.assume_multiple %mul3A_235, 80 : i32
      "tpu.region"() ({
        %run_scoped3A = tpu.sem_alloc : memref<!tpu.dma_semaphore, #tpu.memory_space<semaphore_mem>>
        %dma_start3A = arith.constant 0 : i32
        %dma_start3A_236 = arith.constant 0 : i32
        %dma_start3A_237 = tpu.memref_slice %arg16[%dma_start3A, %dma_start3A_236] : memref<128x128xf32, #tpu.memory_space<vmem>> -> memref<80x128xf32, #tpu.memory_space<vmem>>
        %dma_start3A_238 = arith.constant 0 : i32
        %dma_start3A_239 = tpu.memref_slice %arg18[%multiple_of3A, %dma_start3A_238] : memref<10000x128xf32, #tpu.memory_space<vmem_shared>> -> memref<80x128xf32, #tpu.memory_space<vmem_shared>>
        %dma_start3A_240 = arith.constant 0 : i32
        %dma_start3A_241 = tpu.memref_slice %arg18[%multiple_of3A, %dma_start3A_240] : memref<10000x128xf32, #tpu.memory_space<vmem_shared>> -> memref<80x128xf32, #tpu.memory_space<vmem_shared>>
        %dma_start3A_242 = arith.constant 0 : i32
        %dma_start3A_243 = arith.constant 0 : i32
        %dma_start3A_244 = tpu.memref_slice %arg16[%dma_start3A_242, %dma_start3A_243] : memref<128x128xf32, #tpu.memory_space<vmem>> -> memref<80x128xf32, #tpu.memory_space<vmem>>
        tpu.enqueue_dma source(%dma_start3A_244 : memref<80x128xf32, #tpu.memory_space<vmem>>) target(%dma_start3A_241 : memref<80x128xf32, #tpu.memory_space<vmem_shared>>) target_semaphore(%run_scoped3A : memref<!tpu.dma_semaphore, #tpu.memory_space<semaphore_mem>>)
        %dma_wait3A = arith.constant 0 : i32
        %dma_wait3A_245 = arith.constant 0 : i32
        %dma_wait3A_246 = tpu.memref_slice %arg16[%dma_wait3A, %dma_wait3A_245] : memref<128x128xf32, #tpu.memory_space<vmem>> -> memref<80x128xf32, #tpu.memory_space<vmem>>
        %dma_wait3A_247 = arith.constant 0 : i32
        %dma_wait3A_248 = tpu.memref_slice %arg18[%multiple_of3A, %dma_wait3A_247] : memref<10000x128xf32, #tpu.memory_space<vmem_shared>> -> memref<80x128xf32, #tpu.memory_space<vmem_shared>>
        %dma_wait3A_249 = arith.constant 0 : i32
        %dma_wait3A_250 = tpu.memref_slice %arg18[%multiple_of3A, %dma_wait3A_249] : memref<10000x128xf32, #tpu.memory_space<vmem_shared>> -> memref<80x128xf32, #tpu.memory_space<vmem_shared>>
        %dma_wait3A_251 = arith.constant 0 : i32
        %dma_wait3A_252 = arith.constant 0 : i32
        %dma_wait3A_253 = tpu.memref_slice %arg16[%dma_wait3A_251, %dma_wait3A_252] : memref<128x128xf32, #tpu.memory_space<vmem>> -> memref<80x128xf32, #tpu.memory_space<vmem>>
        tpu.wait_dma2 semaphore(%run_scoped3A : memref<!tpu.dma_semaphore, #tpu.memory_space<semaphore_mem>>) src(%dma_wait3A_253 : memref<80x128xf32, #tpu.memory_space<vmem>>) dst(%dma_wait3A_250 : memref<80x128xf32, #tpu.memory_space<vmem_shared>>)
        tpu.yield
      }) : () -> ()
    } else {
    }
    %add3A_136 = arith.constant 48 : i32
    %add3A_137 = arith.addi %add3A_136, %arg1 : i32
    %lt3A_138 = arith.constant 125 : i32
    %lt3A_139 = arith.cmpi slt, %add3A_137, %lt3A_138 : i32
    %convert_element_type3A_140 = arith.extui %lt3A_139 : i1 to i32
    %cond3A_141 = arith.constant 0 : i32
    %cond3A_142 = arith.cmpi ne, %convert_element_type3A_140, %cond3A_141 : i32
    scf.if %cond3A_142 {
      %mul3A = arith.constant 80 : i32
      %mul3A_235 = arith.muli %add3A_137, %mul3A : i32
      %multiple_of3A = tpu.assume_multiple %mul3A_235, 80 : i32
      "tpu.region"() ({
        %run_scoped3A = tpu.sem_alloc : memref<!tpu.dma_semaphore, #tpu.memory_space<semaphore_mem>>
        %dma_start3A = arith.constant 0 : i32
        %dma_start3A_236 = arith.constant 0 : i32
        %dma_start3A_237 = tpu.memref_slice %arg16[%dma_start3A, %dma_start3A_236] : memref<128x128xf32, #tpu.memory_space<vmem>> -> memref<80x128xf32, #tpu.memory_space<vmem>>
        %dma_start3A_238 = arith.constant 0 : i32
        %dma_start3A_239 = tpu.memref_slice %arg18[%multiple_of3A, %dma_start3A_238] : memref<10000x128xf32, #tpu.memory_space<vmem_shared>> -> memref<80x128xf32, #tpu.memory_space<vmem_shared>>
        %dma_start3A_240 = arith.constant 0 : i32
        %dma_start3A_241 = tpu.memref_slice %arg18[%multiple_of3A, %dma_start3A_240] : memref<10000x128xf32, #tpu.memory_space<vmem_shared>> -> memref<80x128xf32, #tpu.memory_space<vmem_shared>>
        %dma_start3A_242 = arith.constant 0 : i32
        %dma_start3A_243 = arith.constant 0 : i32
        %dma_start3A_244 = tpu.memref_slice %arg16[%dma_start3A_242, %dma_start3A_243] : memref<128x128xf32, #tpu.memory_space<vmem>> -> memref<80x128xf32, #tpu.memory_space<vmem>>
        tpu.enqueue_dma source(%dma_start3A_244 : memref<80x128xf32, #tpu.memory_space<vmem>>) target(%dma_start3A_241 : memref<80x128xf32, #tpu.memory_space<vmem_shared>>) target_semaphore(%run_scoped3A : memref<!tpu.dma_semaphore, #tpu.memory_space<semaphore_mem>>)
        %dma_wait3A = arith.constant 0 : i32
        %dma_wait3A_245 = arith.constant 0 : i32
        %dma_wait3A_246 = tpu.memref_slice %arg16[%dma_wait3A, %dma_wait3A_245] : memref<128x128xf32, #tpu.memory_space<vmem>> -> memref<80x128xf32, #tpu.memory_space<vmem>>
        %dma_wait3A_247 = arith.constant 0 : i32
        %dma_wait3A_248 = tpu.memref_slice %arg18[%multiple_of3A, %dma_wait3A_247] : memref<10000x128xf32, #tpu.memory_space<vmem_shared>> -> memref<80x128xf32, #tpu.memory_space<vmem_shared>>
        %dma_wait3A_249 = arith.constant 0 : i32
        %dma_wait3A_250 = tpu.memref_slice %arg18[%multiple_of3A, %dma_wait3A_249] : memref<10000x128xf32, #tpu.memory_space<vmem_shared>> -> memref<80x128xf32, #tpu.memory_space<vmem_shared>>
        %dma_wait3A_251 = arith.constant 0 : i32
        %dma_wait3A_252 = arith.constant 0 : i32
        %dma_wait3A_253 = tpu.memref_slice %arg16[%dma_wait3A_251, %dma_wait3A_252] : memref<128x128xf32, #tpu.memory_space<vmem>> -> memref<80x128xf32, #tpu.memory_space<vmem>>
        tpu.wait_dma2 semaphore(%run_scoped3A : memref<!tpu.dma_semaphore, #tpu.memory_space<semaphore_mem>>) src(%dma_wait3A_253 : memref<80x128xf32, #tpu.memory_space<vmem>>) dst(%dma_wait3A_250 : memref<80x128xf32, #tpu.memory_space<vmem_shared>>)
        tpu.yield
      }) : () -> ()
    } else {
    }
    %add3A_143 = arith.constant 64 : i32
    %add3A_144 = arith.addi %add3A_143, %arg1 : i32
    %lt3A_145 = arith.constant 125 : i32
    %lt3A_146 = arith.cmpi slt, %add3A_144, %lt3A_145 : i32
    %convert_element_type3A_147 = arith.extui %lt3A_146 : i1 to i32
    %cond3A_148 = arith.constant 0 : i32
    %cond3A_149 = arith.cmpi ne, %convert_element_type3A_147, %cond3A_148 : i32
    scf.if %cond3A_149 {
      %mul3A = arith.constant 80 : i32
      %mul3A_235 = arith.muli %add3A_144, %mul3A : i32
      %multiple_of3A = tpu.assume_multiple %mul3A_235, 80 : i32
      "tpu.region"() ({
        %run_scoped3A = tpu.sem_alloc : memref<!tpu.dma_semaphore, #tpu.memory_space<semaphore_mem>>
        %dma_start3A = arith.constant 0 : i32
        %dma_start3A_236 = arith.constant 0 : i32
        %dma_start3A_237 = tpu.memref_slice %arg16[%dma_start3A, %dma_start3A_236] : memref<128x128xf32, #tpu.memory_space<vmem>> -> memref<80x128xf32, #tpu.memory_space<vmem>>
        %dma_start3A_238 = arith.constant 0 : i32
        %dma_start3A_239 = tpu.memref_slice %arg18[%multiple_of3A, %dma_start3A_238] : memref<10000x128xf32, #tpu.memory_space<vmem_shared>> -> memref<80x128xf32, #tpu.memory_space<vmem_shared>>
        %dma_start3A_240 = arith.constant 0 : i32
        %dma_start3A_241 = tpu.memref_slice %arg18[%multiple_of3A, %dma_start3A_240] : memref<10000x128xf32, #tpu.memory_space<vmem_shared>> -> memref<80x128xf32, #tpu.memory_space<vmem_shared>>
        %dma_start3A_242 = arith.constant 0 : i32
        %dma_start3A_243 = arith.constant 0 : i32
        %dma_start3A_244 = tpu.memref_slice %arg16[%dma_start3A_242, %dma_start3A_243] : memref<128x128xf32, #tpu.memory_space<vmem>> -> memref<80x128xf32, #tpu.memory_space<vmem>>
        tpu.enqueue_dma source(%dma_start3A_244 : memref<80x128xf32, #tpu.memory_space<vmem>>) target(%dma_start3A_241 : memref<80x128xf32, #tpu.memory_space<vmem_shared>>) target_semaphore(%run_scoped3A : memref<!tpu.dma_semaphore, #tpu.memory_space<semaphore_mem>>)
        %dma_wait3A = arith.constant 0 : i32
        %dma_wait3A_245 = arith.constant 0 : i32
        %dma_wait3A_246 = tpu.memref_slice %arg16[%dma_wait3A, %dma_wait3A_245] : memref<128x128xf32, #tpu.memory_space<vmem>> -> memref<80x128xf32, #tpu.memory_space<vmem>>
        %dma_wait3A_247 = arith.constant 0 : i32
        %dma_wait3A_248 = tpu.memref_slice %arg18[%multiple_of3A, %dma_wait3A_247] : memref<10000x128xf32, #tpu.memory_space<vmem_shared>> -> memref<80x128xf32, #tpu.memory_space<vmem_shared>>
        %dma_wait3A_249 = arith.constant 0 : i32
        %dma_wait3A_250 = tpu.memref_slice %arg18[%multiple_of3A, %dma_wait3A_249] : memref<10000x128xf32, #tpu.memory_space<vmem_shared>> -> memref<80x128xf32, #tpu.memory_space<vmem_shared>>
        %dma_wait3A_251 = arith.constant 0 : i32
        %dma_wait3A_252 = arith.constant 0 : i32
        %dma_wait3A_253 = tpu.memref_slice %arg16[%dma_wait3A_251, %dma_wait3A_252] : memref<128x128xf32, #tpu.memory_space<vmem>> -> memref<80x128xf32, #tpu.memory_space<vmem>>
        tpu.wait_dma2 semaphore(%run_scoped3A : memref<!tpu.dma_semaphore, #tpu.memory_space<semaphore_mem>>) src(%dma_wait3A_253 : memref<80x128xf32, #tpu.memory_space<vmem>>) dst(%dma_wait3A_250 : memref<80x128xf32, #tpu.memory_space<vmem_shared>>)
        tpu.yield
      }) : () -> ()
    } else {
    }
    %add3A_150 = arith.constant 80 : i32
    %add3A_151 = arith.addi %add3A_150, %arg1 : i32
    %lt3A_152 = arith.constant 125 : i32
    %lt3A_153 = arith.cmpi slt, %add3A_151, %lt3A_152 : i32
    %convert_element_type3A_154 = arith.extui %lt3A_153 : i1 to i32
    %cond3A_155 = arith.constant 0 : i32
    %cond3A_156 = arith.cmpi ne, %convert_element_type3A_154, %cond3A_155 : i32
    scf.if %cond3A_156 {
      %mul3A = arith.constant 80 : i32
      %mul3A_235 = arith.muli %add3A_151, %mul3A : i32
      %multiple_of3A = tpu.assume_multiple %mul3A_235, 80 : i32
      "tpu.region"() ({
        %run_scoped3A = tpu.sem_alloc : memref<!tpu.dma_semaphore, #tpu.memory_space<semaphore_mem>>
        %dma_start3A = arith.constant 0 : i32
        %dma_start3A_236 = arith.constant 0 : i32
        %dma_start3A_237 = tpu.memref_slice %arg16[%dma_start3A, %dma_start3A_236] : memref<128x128xf32, #tpu.memory_space<vmem>> -> memref<80x128xf32, #tpu.memory_space<vmem>>
        %dma_start3A_238 = arith.constant 0 : i32
        %dma_start3A_239 = tpu.memref_slice %arg18[%multiple_of3A, %dma_start3A_238] : memref<10000x128xf32, #tpu.memory_space<vmem_shared>> -> memref<80x128xf32, #tpu.memory_space<vmem_shared>>
        %dma_start3A_240 = arith.constant 0 : i32
        %dma_start3A_241 = tpu.memref_slice %arg18[%multiple_of3A, %dma_start3A_240] : memref<10000x128xf32, #tpu.memory_space<vmem_shared>> -> memref<80x128xf32, #tpu.memory_space<vmem_shared>>
        %dma_start3A_242 = arith.constant 0 : i32
        %dma_start3A_243 = arith.constant 0 : i32
        %dma_start3A_244 = tpu.memref_slice %arg16[%dma_start3A_242, %dma_start3A_243] : memref<128x128xf32, #tpu.memory_space<vmem>> -> memref<80x128xf32, #tpu.memory_space<vmem>>
        tpu.enqueue_dma source(%dma_start3A_244 : memref<80x128xf32, #tpu.memory_space<vmem>>) target(%dma_start3A_241 : memref<80x128xf32, #tpu.memory_space<vmem_shared>>) target_semaphore(%run_scoped3A : memref<!tpu.dma_semaphore, #tpu.memory_space<semaphore_mem>>)
        %dma_wait3A = arith.constant 0 : i32
        %dma_wait3A_245 = arith.constant 0 : i32
        %dma_wait3A_246 = tpu.memref_slice %arg16[%dma_wait3A, %dma_wait3A_245] : memref<128x128xf32, #tpu.memory_space<vmem>> -> memref<80x128xf32, #tpu.memory_space<vmem>>
        %dma_wait3A_247 = arith.constant 0 : i32
        %dma_wait3A_248 = tpu.memref_slice %arg18[%multiple_of3A, %dma_wait3A_247] : memref<10000x128xf32, #tpu.memory_space<vmem_shared>> -> memref<80x128xf32, #tpu.memory_space<vmem_shared>>
        %dma_wait3A_249 = arith.constant 0 : i32
        %dma_wait3A_250 = tpu.memref_slice %arg18[%multiple_of3A, %dma_wait3A_249] : memref<10000x128xf32, #tpu.memory_space<vmem_shared>> -> memref<80x128xf32, #tpu.memory_space<vmem_shared>>
        %dma_wait3A_251 = arith.constant 0 : i32
        %dma_wait3A_252 = arith.constant 0 : i32
        %dma_wait3A_253 = tpu.memref_slice %arg16[%dma_wait3A_251, %dma_wait3A_252] : memref<128x128xf32, #tpu.memory_space<vmem>> -> memref<80x128xf32, #tpu.memory_space<vmem>>
        tpu.wait_dma2 semaphore(%run_scoped3A : memref<!tpu.dma_semaphore, #tpu.memory_space<semaphore_mem>>) src(%dma_wait3A_253 : memref<80x128xf32, #tpu.memory_space<vmem>>) dst(%dma_wait3A_250 : memref<80x128xf32, #tpu.memory_space<vmem_shared>>)
        tpu.yield
      }) : () -> ()
    } else {
    }
    %add3A_157 = arith.constant 96 : i32
    %add3A_158 = arith.addi %add3A_157, %arg1 : i32
    %lt3A_159 = arith.constant 125 : i32
    %lt3A_160 = arith.cmpi slt, %add3A_158, %lt3A_159 : i32
    %convert_element_type3A_161 = arith.extui %lt3A_160 : i1 to i32
    %cond3A_162 = arith.constant 0 : i32
    %cond3A_163 = arith.cmpi ne, %convert_element_type3A_161, %cond3A_162 : i32
    scf.if %cond3A_163 {
      %mul3A = arith.constant 80 : i32
      %mul3A_235 = arith.muli %add3A_158, %mul3A : i32
      %multiple_of3A = tpu.assume_multiple %mul3A_235, 80 : i32
      "tpu.region"() ({
        %run_scoped3A = tpu.sem_alloc : memref<!tpu.dma_semaphore, #tpu.memory_space<semaphore_mem>>
        %dma_start3A = arith.constant 0 : i32
        %dma_start3A_236 = arith.constant 0 : i32
        %dma_start3A_237 = tpu.memref_slice %arg16[%dma_start3A, %dma_start3A_236] : memref<128x128xf32, #tpu.memory_space<vmem>> -> memref<80x128xf32, #tpu.memory_space<vmem>>
        %dma_start3A_238 = arith.constant 0 : i32
        %dma_start3A_239 = tpu.memref_slice %arg18[%multiple_of3A, %dma_start3A_238] : memref<10000x128xf32, #tpu.memory_space<vmem_shared>> -> memref<80x128xf32, #tpu.memory_space<vmem_shared>>
        %dma_start3A_240 = arith.constant 0 : i32
        %dma_start3A_241 = tpu.memref_slice %arg18[%multiple_of3A, %dma_start3A_240] : memref<10000x128xf32, #tpu.memory_space<vmem_shared>> -> memref<80x128xf32, #tpu.memory_space<vmem_shared>>
        %dma_start3A_242 = arith.constant 0 : i32
        %dma_start3A_243 = arith.constant 0 : i32
        %dma_start3A_244 = tpu.memref_slice %arg16[%dma_start3A_242, %dma_start3A_243] : memref<128x128xf32, #tpu.memory_space<vmem>> -> memref<80x128xf32, #tpu.memory_space<vmem>>
        tpu.enqueue_dma source(%dma_start3A_244 : memref<80x128xf32, #tpu.memory_space<vmem>>) target(%dma_start3A_241 : memref<80x128xf32, #tpu.memory_space<vmem_shared>>) target_semaphore(%run_scoped3A : memref<!tpu.dma_semaphore, #tpu.memory_space<semaphore_mem>>)
        %dma_wait3A = arith.constant 0 : i32
        %dma_wait3A_245 = arith.constant 0 : i32
        %dma_wait3A_246 = tpu.memref_slice %arg16[%dma_wait3A, %dma_wait3A_245] : memref<128x128xf32, #tpu.memory_space<vmem>> -> memref<80x128xf32, #tpu.memory_space<vmem>>
        %dma_wait3A_247 = arith.constant 0 : i32
        %dma_wait3A_248 = tpu.memref_slice %arg18[%multiple_of3A, %dma_wait3A_247] : memref<10000x128xf32, #tpu.memory_space<vmem_shared>> -> memref<80x128xf32, #tpu.memory_space<vmem_shared>>
        %dma_wait3A_249 = arith.constant 0 : i32
        %dma_wait3A_250 = tpu.memref_slice %arg18[%multiple_of3A, %dma_wait3A_249] : memref<10000x128xf32, #tpu.memory_space<vmem_shared>> -> memref<80x128xf32, #tpu.memory_space<vmem_shared>>
        %dma_wait3A_251 = arith.constant 0 : i32
        %dma_wait3A_252 = arith.constant 0 : i32
        %dma_wait3A_253 = tpu.memref_slice %arg16[%dma_wait3A_251, %dma_wait3A_252] : memref<128x128xf32, #tpu.memory_space<vmem>> -> memref<80x128xf32, #tpu.memory_space<vmem>>
        tpu.wait_dma2 semaphore(%run_scoped3A : memref<!tpu.dma_semaphore, #tpu.memory_space<semaphore_mem>>) src(%dma_wait3A_253 : memref<80x128xf32, #tpu.memory_space<vmem>>) dst(%dma_wait3A_250 : memref<80x128xf32, #tpu.memory_space<vmem_shared>>)
        tpu.yield
      }) : () -> ()
    } else {
    }
    %add3A_164 = arith.constant 112 : i32
    %add3A_165 = arith.addi %add3A_164, %arg1 : i32
    %lt3A_166 = arith.constant 125 : i32
    %lt3A_167 = arith.cmpi slt, %add3A_165, %lt3A_166 : i32
    %convert_element_type3A_168 = arith.extui %lt3A_167 : i1 to i32
    %cond3A_169 = arith.constant 0 : i32
    %cond3A_170 = arith.cmpi ne, %convert_element_type3A_168, %cond3A_169 : i32
    scf.if %cond3A_170 {
      %mul3A = arith.constant 80 : i32
      %mul3A_235 = arith.muli %add3A_165, %mul3A : i32
      %multiple_of3A = tpu.assume_multiple %mul3A_235, 80 : i32
      "tpu.region"() ({
        %run_scoped3A = tpu.sem_alloc : memref<!tpu.dma_semaphore, #tpu.memory_space<semaphore_mem>>
        %dma_start3A = arith.constant 0 : i32
        %dma_start3A_236 = arith.constant 0 : i32
        %dma_start3A_237 = tpu.memref_slice %arg16[%dma_start3A, %dma_start3A_236] : memref<128x128xf32, #tpu.memory_space<vmem>> -> memref<80x128xf32, #tpu.memory_space<vmem>>
        %dma_start3A_238 = arith.constant 0 : i32
        %dma_start3A_239 = tpu.memref_slice %arg18[%multiple_of3A, %dma_start3A_238] : memref<10000x128xf32, #tpu.memory_space<vmem_shared>> -> memref<80x128xf32, #tpu.memory_space<vmem_shared>>
        %dma_start3A_240 = arith.constant 0 : i32
        %dma_start3A_241 = tpu.memref_slice %arg18[%multiple_of3A, %dma_start3A_240] : memref<10000x128xf32, #tpu.memory_space<vmem_shared>> -> memref<80x128xf32, #tpu.memory_space<vmem_shared>>
        %dma_start3A_242 = arith.constant 0 : i32
        %dma_start3A_243 = arith.constant 0 : i32
        %dma_start3A_244 = tpu.memref_slice %arg16[%dma_start3A_242, %dma_start3A_243] : memref<128x128xf32, #tpu.memory_space<vmem>> -> memref<80x128xf32, #tpu.memory_space<vmem>>
        tpu.enqueue_dma source(%dma_start3A_244 : memref<80x128xf32, #tpu.memory_space<vmem>>) target(%dma_start3A_241 : memref<80x128xf32, #tpu.memory_space<vmem_shared>>) target_semaphore(%run_scoped3A : memref<!tpu.dma_semaphore, #tpu.memory_space<semaphore_mem>>)
        %dma_wait3A = arith.constant 0 : i32
        %dma_wait3A_245 = arith.constant 0 : i32
        %dma_wait3A_246 = tpu.memref_slice %arg16[%dma_wait3A, %dma_wait3A_245] : memref<128x128xf32, #tpu.memory_space<vmem>> -> memref<80x128xf32, #tpu.memory_space<vmem>>
        %dma_wait3A_247 = arith.constant 0 : i32
        %dma_wait3A_248 = tpu.memref_slice %arg18[%multiple_of3A, %dma_wait3A_247] : memref<10000x128xf32, #tpu.memory_space<vmem_shared>> -> memref<80x128xf32, #tpu.memory_space<vmem_shared>>
        %dma_wait3A_249 = arith.constant 0 : i32
        %dma_wait3A_250 = tpu.memref_slice %arg18[%multiple_of3A, %dma_wait3A_249] : memref<10000x128xf32, #tpu.memory_space<vmem_shared>> -> memref<80x128xf32, #tpu.memory_space<vmem_shared>>
        %dma_wait3A_251 = arith.constant 0 : i32
        %dma_wait3A_252 = arith.constant 0 : i32
        %dma_wait3A_253 = tpu.memref_slice %arg16[%dma_wait3A_251, %dma_wait3A_252] : memref<128x128xf32, #tpu.memory_space<vmem>> -> memref<80x128xf32, #tpu.memory_space<vmem>>
        tpu.wait_dma2 semaphore(%run_scoped3A : memref<!tpu.dma_semaphore, #tpu.memory_space<semaphore_mem>>) src(%dma_wait3A_253 : memref<80x128xf32, #tpu.memory_space<vmem>>) dst(%dma_wait3A_250 : memref<80x128xf32, #tpu.memory_space<vmem_shared>>)
        tpu.yield
      }) : () -> ()
    } else {
    }
    %barrier3A_171 = arith.constant 0 : index
    tpu.barrier barrier_id(%barrier3A_171)
    "tpu.region"() ({
      %run_scoped3A = tpu.sem_alloc : memref<!tpu.dma_semaphore, #tpu.memory_space<semaphore_mem>>
      tpu.enqueue_dma source(%arg7 : memref<128x128xf32, #tpu.memory_space<hbm>>) target(%arg16 : memref<128x128xf32, #tpu.memory_space<vmem>>) target_semaphore(%run_scoped3A : memref<!tpu.dma_semaphore, #tpu.memory_space<semaphore_mem>>)
      tpu.wait_dma2 semaphore(%run_scoped3A : memref<!tpu.dma_semaphore, #tpu.memory_space<semaphore_mem>>) src(%arg7 : memref<128x128xf32, #tpu.memory_space<hbm>>) dst(%arg16 : memref<128x128xf32, #tpu.memory_space<vmem>>)
      tpu.yield
    }) : () -> ()
    %scan3A_172 = arith.constant 0 : i32
    %scan3A_173 = arith.constant 0 : i32
    %scan3A_174 = arith.constant 20 : i32
    %scan3A_175 = arith.addi %scan3A_173, %scan3A_174 : i32
    %scan3A_176 = arith.constant 1 : i32
    scf.for %scan3A_235 = %scan3A_173 to %scan3A_175 step %scan3A_176  : i32 {
      %mul3A = arith.constant 2 : i32
      %mul3A_236 = arith.muli %scan3A_235, %mul3A : i32
      %mul3A_237 = arith.constant 16 : i32
      %mul3A_238 = arith.muli %mul3A_236, %mul3A_237 : i32
      %mul3A_239 = arith.constant 16 : i32
      %mul3A_240 = arith.muli %arg0, %mul3A_239 : i32
      %add3A_241 = arith.addi %mul3A_238, %mul3A_240 : i32
      %add3A_242 = arith.addi %add3A_241, %arg1 : i32
      %lt3A_243 = arith.constant 625 : i32
      %lt3A_244 = arith.cmpi slt, %add3A_242, %lt3A_243 : i32
      %convert_element_type3A_245 = arith.extui %lt3A_244 : i1 to i32
      %cond3A_246 = arith.constant 0 : i32
      %cond3A_247 = arith.cmpi ne, %convert_element_type3A_245, %cond3A_246 : i32
      scf.if %cond3A_247 {
        %mul3A_248 = arith.constant 2 : i32
        %mul3A_249 = arith.muli %mul3A_248, %add3A_242 : i32
        %mul3A_250 = arith.constant 128 : i32
        %mul3A_251 = arith.muli %mul3A_249, %mul3A_250 : i32
        %multiple_of3A = tpu.assume_multiple %mul3A_251, 128 : i32
        %mul3A_252 = arith.constant 2 : i32
        %mul3A_253 = arith.muli %mul3A_252, %add3A_242 : i32
        %add3A_254 = arith.constant 1 : i32
        %add3A_255 = arith.addi %mul3A_253, %add3A_254 : i32
        %mul3A_256 = arith.constant 128 : i32
        %mul3A_257 = arith.muli %add3A_255, %mul3A_256 : i32
        %multiple_of3A_258 = tpu.assume_multiple %mul3A_257, 128 : i32
        "tpu.region"() ({
          %run_scoped3A = tpu.sem_alloc : memref<!tpu.dma_semaphore, #tpu.memory_space<semaphore_mem>>
          %dma_start3A_269 = tpu.memref_slice %arg5[%multiple_of3A] : memref<160000xi32, #tpu.memory_space<hbm>> -> memref<128xi32, #tpu.memory_space<hbm>>
          %dma_start3A_270 = tpu.memref_slice %arg5[%multiple_of3A] : memref<160000xi32, #tpu.memory_space<hbm>> -> memref<128xi32, #tpu.memory_space<hbm>>
          tpu.enqueue_dma source(%dma_start3A_270 : memref<128xi32, #tpu.memory_space<hbm>>) target(%arg14 : memref<128xi32, #tpu.memory_space<vmem>>) target_semaphore(%run_scoped3A : memref<!tpu.dma_semaphore, #tpu.memory_space<semaphore_mem>>)
          %dma_wait3A_271 = tpu.memref_slice %arg5[%multiple_of3A] : memref<160000xi32, #tpu.memory_space<hbm>> -> memref<128xi32, #tpu.memory_space<hbm>>
          %dma_wait3A_272 = tpu.memref_slice %arg5[%multiple_of3A] : memref<160000xi32, #tpu.memory_space<hbm>> -> memref<128xi32, #tpu.memory_space<hbm>>
          tpu.wait_dma2 semaphore(%run_scoped3A : memref<!tpu.dma_semaphore, #tpu.memory_space<semaphore_mem>>) src(%dma_wait3A_272 : memref<128xi32, #tpu.memory_space<hbm>>) dst(%arg14 : memref<128xi32, #tpu.memory_space<vmem>>)
          tpu.yield
        }) : () -> ()
        "tpu.region"() ({
          %run_scoped3A = tpu.sem_alloc : memref<!tpu.dma_semaphore, #tpu.memory_space<semaphore_mem>>
          %dma_start3A_269 = tpu.memref_slice %arg5[%multiple_of3A_258] : memref<160000xi32, #tpu.memory_space<hbm>> -> memref<128xi32, #tpu.memory_space<hbm>>
          %dma_start3A_270 = tpu.memref_slice %arg5[%multiple_of3A_258] : memref<160000xi32, #tpu.memory_space<hbm>> -> memref<128xi32, #tpu.memory_space<hbm>>
          tpu.enqueue_dma source(%dma_start3A_270 : memref<128xi32, #tpu.memory_space<hbm>>) target(%arg15 : memref<128xi32, #tpu.memory_space<vmem>>) target_semaphore(%run_scoped3A : memref<!tpu.dma_semaphore, #tpu.memory_space<semaphore_mem>>)
          %dma_wait3A_271 = tpu.memref_slice %arg5[%multiple_of3A_258] : memref<160000xi32, #tpu.memory_space<hbm>> -> memref<128xi32, #tpu.memory_space<hbm>>
          %dma_wait3A_272 = tpu.memref_slice %arg5[%multiple_of3A_258] : memref<160000xi32, #tpu.memory_space<hbm>> -> memref<128xi32, #tpu.memory_space<hbm>>
          tpu.wait_dma2 semaphore(%run_scoped3A : memref<!tpu.dma_semaphore, #tpu.memory_space<semaphore_mem>>) src(%dma_wait3A_272 : memref<128xi32, #tpu.memory_space<hbm>>) dst(%arg15 : memref<128xi32, #tpu.memory_space<vmem>>)
          tpu.yield
        }) : () -> ()
        %dma_start3A = arith.constant 0 : i32
        %dma_start3A_259 = arith.constant 0 : i32
        %dma_start3A_260 = tpu.memref_slice %arg18[%dma_start3A, %dma_start3A_259] : memref<10000x128xf32, #tpu.memory_space<vmem_shared>> -> memref<10000x128xf32, #tpu.memory_space<vmem_shared>>
        tpu.enqueue_indirect_dma source(%arg16 : memref<128x128xf32, #tpu.memory_space<vmem>>) target(%dma_start3A_260 : memref<10000x128xf32, #tpu.memory_space<vmem_shared>>) offsets(%arg14 : memref<128xi32, #tpu.memory_space<vmem>>) semaphore(%arg21 : memref<!tpu.dma_semaphore, #tpu.memory_space<semaphore_mem>>) {add = true}
        %dma_start3A_261 = arith.constant 0 : i32
        %dma_start3A_262 = arith.constant 0 : i32
        %dma_start3A_263 = tpu.memref_slice %arg18[%dma_start3A_261, %dma_start3A_262] : memref<10000x128xf32, #tpu.memory_space<vmem_shared>> -> memref<10000x128xf32, #tpu.memory_space<vmem_shared>>
        tpu.enqueue_indirect_dma source(%arg16 : memref<128x128xf32, #tpu.memory_space<vmem>>) target(%dma_start3A_263 : memref<10000x128xf32, #tpu.memory_space<vmem_shared>>) offsets(%arg15 : memref<128xi32, #tpu.memory_space<vmem>>) semaphore(%arg22 : memref<!tpu.dma_semaphore, #tpu.memory_space<semaphore_mem>>) {add = true}
        %dma_wait3A = arith.constant 0 : i32
        %dma_wait3A_264 = arith.constant 0 : i32
        %dma_wait3A_265 = tpu.memref_slice %arg18[%dma_wait3A, %dma_wait3A_264] : memref<10000x128xf32, #tpu.memory_space<vmem_shared>> -> memref<10000x128xf32, #tpu.memory_space<vmem_shared>>
        tpu.wait_indirect_dma semaphore(%arg21 : memref<!tpu.dma_semaphore, #tpu.memory_space<semaphore_mem>>) src(%arg16 : memref<128x128xf32, #tpu.memory_space<vmem>>) dst(%dma_wait3A_265 : memref<10000x128xf32, #tpu.memory_space<vmem_shared>>)
        %dma_wait3A_266 = arith.constant 0 : i32
        %dma_wait3A_267 = arith.constant 0 : i32
        %dma_wait3A_268 = tpu.memref_slice %arg18[%dma_wait3A_266, %dma_wait3A_267] : memref<10000x128xf32, #tpu.memory_space<vmem_shared>> -> memref<10000x128xf32, #tpu.memory_space<vmem_shared>>
        tpu.wait_indirect_dma semaphore(%arg22 : memref<!tpu.dma_semaphore, #tpu.memory_space<semaphore_mem>>) src(%arg16 : memref<128x128xf32, #tpu.memory_space<vmem>>) dst(%dma_wait3A_268 : memref<10000x128xf32, #tpu.memory_space<vmem_shared>>)
      } else {
      }
    }
    %scan3A_177 = arith.constant 20 : i32
    %barrier3A_178 = arith.constant 0 : index
    tpu.barrier barrier_id(%barrier3A_178)
    %add3A_179 = arith.constant 0 : i32
    %add3A_180 = arith.addi %add3A_179, %arg1 : i32
    %lt3A_181 = arith.constant 125 : i32
    %lt3A_182 = arith.cmpi slt, %add3A_180, %lt3A_181 : i32
    %convert_element_type3A_183 = arith.extui %lt3A_182 : i1 to i32
    %cond3A_184 = arith.constant 0 : i32
    %cond3A_185 = arith.cmpi ne, %convert_element_type3A_183, %cond3A_184 : i32
    scf.if %cond3A_185 {
      %mul3A = arith.constant 80 : i32
      %mul3A_235 = arith.muli %add3A_180, %mul3A : i32
      %multiple_of3A = tpu.assume_multiple %mul3A_235, 80 : i32
      "tpu.region"() ({
        %run_scoped3A = tpu.sem_alloc : memref<!tpu.dma_semaphore, #tpu.memory_space<semaphore_mem>>
        %dma_start3A = arith.constant 0 : i32
        %dma_start3A_245 = arith.constant 0 : i32
        %dma_start3A_246 = tpu.memref_slice %arg16[%dma_start3A, %dma_start3A_245] : memref<128x128xf32, #tpu.memory_space<vmem>> -> memref<80x128xf32, #tpu.memory_space<vmem>>
        %dma_start3A_247 = arith.constant 0 : i32
        %dma_start3A_248 = tpu.memref_slice %arg18[%multiple_of3A, %dma_start3A_247] : memref<10000x128xf32, #tpu.memory_space<vmem_shared>> -> memref<80x128xf32, #tpu.memory_space<vmem_shared>>
        %dma_start3A_249 = arith.constant 0 : i32
        %dma_start3A_250 = arith.constant 0 : i32
        %dma_start3A_251 = tpu.memref_slice %arg16[%dma_start3A_249, %dma_start3A_250] : memref<128x128xf32, #tpu.memory_space<vmem>> -> memref<80x128xf32, #tpu.memory_space<vmem>>
        %dma_start3A_252 = arith.constant 0 : i32
        %dma_start3A_253 = tpu.memref_slice %arg18[%multiple_of3A, %dma_start3A_252] : memref<10000x128xf32, #tpu.memory_space<vmem_shared>> -> memref<80x128xf32, #tpu.memory_space<vmem_shared>>
        tpu.enqueue_dma source(%dma_start3A_253 : memref<80x128xf32, #tpu.memory_space<vmem_shared>>) target(%dma_start3A_251 : memref<80x128xf32, #tpu.memory_space<vmem>>) target_semaphore(%run_scoped3A : memref<!tpu.dma_semaphore, #tpu.memory_space<semaphore_mem>>)
        %dma_wait3A = arith.constant 0 : i32
        %dma_wait3A_254 = arith.constant 0 : i32
        %dma_wait3A_255 = tpu.memref_slice %arg16[%dma_wait3A, %dma_wait3A_254] : memref<128x128xf32, #tpu.memory_space<vmem>> -> memref<80x128xf32, #tpu.memory_space<vmem>>
        %dma_wait3A_256 = arith.constant 0 : i32
        %dma_wait3A_257 = tpu.memref_slice %arg18[%multiple_of3A, %dma_wait3A_256] : memref<10000x128xf32, #tpu.memory_space<vmem_shared>> -> memref<80x128xf32, #tpu.memory_space<vmem_shared>>
        %dma_wait3A_258 = arith.constant 0 : i32
        %dma_wait3A_259 = arith.constant 0 : i32
        %dma_wait3A_260 = tpu.memref_slice %arg16[%dma_wait3A_258, %dma_wait3A_259] : memref<128x128xf32, #tpu.memory_space<vmem>> -> memref<80x128xf32, #tpu.memory_space<vmem>>
        %dma_wait3A_261 = arith.constant 0 : i32
        %dma_wait3A_262 = tpu.memref_slice %arg18[%multiple_of3A, %dma_wait3A_261] : memref<10000x128xf32, #tpu.memory_space<vmem_shared>> -> memref<80x128xf32, #tpu.memory_space<vmem_shared>>
        tpu.wait_dma2 semaphore(%run_scoped3A : memref<!tpu.dma_semaphore, #tpu.memory_space<semaphore_mem>>) src(%dma_wait3A_262 : memref<80x128xf32, #tpu.memory_space<vmem_shared>>) dst(%dma_wait3A_260 : memref<80x128xf32, #tpu.memory_space<vmem>>)
        tpu.yield
      }) : () -> ()
      %eq3A = arith.constant 0 : i32
      %eq3A_236 = arith.cmpi eq, %arg0, %eq3A : i32
      %convert_element_type3A_237 = arith.extui %eq3A_236 : i1 to i32
      %cond3A_238 = arith.constant 0 : i32
      %cond3A_239 = arith.cmpi ne, %convert_element_type3A_237, %cond3A_238 : i32
      scf.if %cond3A_239 {
        "tpu.region"() ({
          %run_scoped3A = tpu.sem_alloc : memref<!tpu.dma_semaphore, #tpu.memory_space<semaphore_mem>>
          %dma_start3A = arith.constant 0 : i32
          %dma_start3A_245 = arith.constant 0 : i32
          %dma_start3A_246 = tpu.memref_slice %arg16[%dma_start3A, %dma_start3A_245] : memref<128x128xf32, #tpu.memory_space<vmem>> -> memref<80x128xf32, #tpu.memory_space<vmem>>
          %dma_start3A_247 = arith.constant 0 : i32
          %dma_start3A_248 = tpu.memref_slice %arg10[%multiple_of3A, %dma_start3A_247] : memref<10000x128xf32, #tpu.memory_space<hbm>> -> memref<80x128xf32, #tpu.memory_space<hbm>>
          %dma_start3A_249 = arith.constant 0 : i32
          %dma_start3A_250 = tpu.memref_slice %arg10[%multiple_of3A, %dma_start3A_249] : memref<10000x128xf32, #tpu.memory_space<hbm>> -> memref<80x128xf32, #tpu.memory_space<hbm>>
          %dma_start3A_251 = arith.constant 0 : i32
          %dma_start3A_252 = arith.constant 0 : i32
          %dma_start3A_253 = tpu.memref_slice %arg16[%dma_start3A_251, %dma_start3A_252] : memref<128x128xf32, #tpu.memory_space<vmem>> -> memref<80x128xf32, #tpu.memory_space<vmem>>
          tpu.enqueue_dma source(%dma_start3A_253 : memref<80x128xf32, #tpu.memory_space<vmem>>) target(%dma_start3A_250 : memref<80x128xf32, #tpu.memory_space<hbm>>) target_semaphore(%run_scoped3A : memref<!tpu.dma_semaphore, #tpu.memory_space<semaphore_mem>>)
          %dma_wait3A = arith.constant 0 : i32
          %dma_wait3A_254 = arith.constant 0 : i32
          %dma_wait3A_255 = tpu.memref_slice %arg16[%dma_wait3A, %dma_wait3A_254] : memref<128x128xf32, #tpu.memory_space<vmem>> -> memref<80x128xf32, #tpu.memory_space<vmem>>
          %dma_wait3A_256 = arith.constant 0 : i32
          %dma_wait3A_257 = tpu.memref_slice %arg10[%multiple_of3A, %dma_wait3A_256] : memref<10000x128xf32, #tpu.memory_space<hbm>> -> memref<80x128xf32, #tpu.memory_space<hbm>>
          %dma_wait3A_258 = arith.constant 0 : i32
          %dma_wait3A_259 = tpu.memref_slice %arg10[%multiple_of3A, %dma_wait3A_258] : memref<10000x128xf32, #tpu.memory_space<hbm>> -> memref<80x128xf32, #tpu.memory_space<hbm>>
          %dma_wait3A_260 = arith.constant 0 : i32
          %dma_wait3A_261 = arith.constant 0 : i32
          %dma_wait3A_262 = tpu.memref_slice %arg16[%dma_wait3A_260, %dma_wait3A_261] : memref<128x128xf32, #tpu.memory_space<vmem>> -> memref<80x128xf32, #tpu.memory_space<vmem>>
          tpu.wait_dma2 semaphore(%run_scoped3A : memref<!tpu.dma_semaphore, #tpu.memory_space<semaphore_mem>>) src(%dma_wait3A_262 : memref<80x128xf32, #tpu.memory_space<vmem>>) dst(%dma_wait3A_259 : memref<80x128xf32, #tpu.memory_space<hbm>>)
          tpu.yield
        }) : () -> ()
      } else {
      }
      %eq3A_240 = arith.constant 1 : i32
      %eq3A_241 = arith.cmpi eq, %arg0, %eq3A_240 : i32
      %convert_element_type3A_242 = arith.extui %eq3A_241 : i1 to i32
      %cond3A_243 = arith.constant 0 : i32
      %cond3A_244 = arith.cmpi ne, %convert_element_type3A_242, %cond3A_243 : i32
      scf.if %cond3A_244 {
        "tpu.region"() ({
          %run_scoped3A = tpu.sem_alloc : memref<!tpu.dma_semaphore, #tpu.memory_space<semaphore_mem>>
          %dma_start3A = arith.constant 0 : i32
          %dma_start3A_245 = arith.constant 0 : i32
          %dma_start3A_246 = tpu.memref_slice %arg16[%dma_start3A, %dma_start3A_245] : memref<128x128xf32, #tpu.memory_space<vmem>> -> memref<80x128xf32, #tpu.memory_space<vmem>>
          %dma_start3A_247 = arith.constant 0 : i32
          %dma_start3A_248 = tpu.memref_slice %arg11[%multiple_of3A, %dma_start3A_247] : memref<10000x128xf32, #tpu.memory_space<hbm>> -> memref<80x128xf32, #tpu.memory_space<hbm>>
          %dma_start3A_249 = arith.constant 0 : i32
          %dma_start3A_250 = tpu.memref_slice %arg11[%multiple_of3A, %dma_start3A_249] : memref<10000x128xf32, #tpu.memory_space<hbm>> -> memref<80x128xf32, #tpu.memory_space<hbm>>
          %dma_start3A_251 = arith.constant 0 : i32
          %dma_start3A_252 = arith.constant 0 : i32
          %dma_start3A_253 = tpu.memref_slice %arg16[%dma_start3A_251, %dma_start3A_252] : memref<128x128xf32, #tpu.memory_space<vmem>> -> memref<80x128xf32, #tpu.memory_space<vmem>>
          tpu.enqueue_dma source(%dma_start3A_253 : memref<80x128xf32, #tpu.memory_space<vmem>>) target(%dma_start3A_250 : memref<80x128xf32, #tpu.memory_space<hbm>>) target_semaphore(%run_scoped3A : memref<!tpu.dma_semaphore, #tpu.memory_space<semaphore_mem>>)
          %dma_wait3A = arith.constant 0 : i32
          %dma_wait3A_254 = arith.constant 0 : i32
          %dma_wait3A_255 = tpu.memref_slice %arg16[%dma_wait3A, %dma_wait3A_254] : memref<128x128xf32, #tpu.memory_space<vmem>> -> memref<80x128xf32, #tpu.memory_space<vmem>>
          %dma_wait3A_256 = arith.constant 0 : i32
          %dma_wait3A_257 = tpu.memref_slice %arg11[%multiple_of3A, %dma_wait3A_256] : memref<10000x128xf32, #tpu.memory_space<hbm>> -> memref<80x128xf32, #tpu.memory_space<hbm>>
          %dma_wait3A_258 = arith.constant 0 : i32
          %dma_wait3A_259 = tpu.memref_slice %arg11[%multiple_of3A, %dma_wait3A_258] : memref<10000x128xf32, #tpu.memory_space<hbm>> -> memref<80x128xf32, #tpu.memory_space<hbm>>
          %dma_wait3A_260 = arith.constant 0 : i32
          %dma_wait3A_261 = arith.constant 0 : i32
          %dma_wait3A_262 = tpu.memref_slice %arg16[%dma_wait3A_260, %dma_wait3A_261] : memref<128x128xf32, #tpu.memory_space<vmem>> -> memref<80x128xf32, #tpu.memory_space<vmem>>
          tpu.wait_dma2 semaphore(%run_scoped3A : memref<!tpu.dma_semaphore, #tpu.memory_space<semaphore_mem>>) src(%dma_wait3A_262 : memref<80x128xf32, #tpu.memory_space<vmem>>) dst(%dma_wait3A_259 : memref<80x128xf32, #tpu.memory_space<hbm>>)
          tpu.yield
        }) : () -> ()
      } else {
      }
    } else {
    }
    %add3A_186 = arith.constant 16 : i32
    %add3A_187 = arith.addi %add3A_186, %arg1 : i32
    %lt3A_188 = arith.constant 125 : i32
    %lt3A_189 = arith.cmpi slt, %add3A_187, %lt3A_188 : i32
    %convert_element_type3A_190 = arith.extui %lt3A_189 : i1 to i32
    %cond3A_191 = arith.constant 0 : i32
    %cond3A_192 = arith.cmpi ne, %convert_element_type3A_190, %cond3A_191 : i32
    scf.if %cond3A_192 {
      %mul3A = arith.constant 80 : i32
      %mul3A_235 = arith.muli %add3A_187, %mul3A : i32
      %multiple_of3A = tpu.assume_multiple %mul3A_235, 80 : i32
      "tpu.region"() ({
        %run_scoped3A = tpu.sem_alloc : memref<!tpu.dma_semaphore, #tpu.memory_space<semaphore_mem>>
        %dma_start3A = arith.constant 0 : i32
        %dma_start3A_245 = arith.constant 0 : i32
        %dma_start3A_246 = tpu.memref_slice %arg16[%dma_start3A, %dma_start3A_245] : memref<128x128xf32, #tpu.memory_space<vmem>> -> memref<80x128xf32, #tpu.memory_space<vmem>>
        %dma_start3A_247 = arith.constant 0 : i32
        %dma_start3A_248 = tpu.memref_slice %arg18[%multiple_of3A, %dma_start3A_247] : memref<10000x128xf32, #tpu.memory_space<vmem_shared>> -> memref<80x128xf32, #tpu.memory_space<vmem_shared>>
        %dma_start3A_249 = arith.constant 0 : i32
        %dma_start3A_250 = arith.constant 0 : i32
        %dma_start3A_251 = tpu.memref_slice %arg16[%dma_start3A_249, %dma_start3A_250] : memref<128x128xf32, #tpu.memory_space<vmem>> -> memref<80x128xf32, #tpu.memory_space<vmem>>
        %dma_start3A_252 = arith.constant 0 : i32
        %dma_start3A_253 = tpu.memref_slice %arg18[%multiple_of3A, %dma_start3A_252] : memref<10000x128xf32, #tpu.memory_space<vmem_shared>> -> memref<80x128xf32, #tpu.memory_space<vmem_shared>>
        tpu.enqueue_dma source(%dma_start3A_253 : memref<80x128xf32, #tpu.memory_space<vmem_shared>>) target(%dma_start3A_251 : memref<80x128xf32, #tpu.memory_space<vmem>>) target_semaphore(%run_scoped3A : memref<!tpu.dma_semaphore, #tpu.memory_space<semaphore_mem>>)
        %dma_wait3A = arith.constant 0 : i32
        %dma_wait3A_254 = arith.constant 0 : i32
        %dma_wait3A_255 = tpu.memref_slice %arg16[%dma_wait3A, %dma_wait3A_254] : memref<128x128xf32, #tpu.memory_space<vmem>> -> memref<80x128xf32, #tpu.memory_space<vmem>>
        %dma_wait3A_256 = arith.constant 0 : i32
        %dma_wait3A_257 = tpu.memref_slice %arg18[%multiple_of3A, %dma_wait3A_256] : memref<10000x128xf32, #tpu.memory_space<vmem_shared>> -> memref<80x128xf32, #tpu.memory_space<vmem_shared>>
        %dma_wait3A_258 = arith.constant 0 : i32
        %dma_wait3A_259 = arith.constant 0 : i32
        %dma_wait3A_260 = tpu.memref_slice %arg16[%dma_wait3A_258, %dma_wait3A_259] : memref<128x128xf32, #tpu.memory_space<vmem>> -> memref<80x128xf32, #tpu.memory_space<vmem>>
        %dma_wait3A_261 = arith.constant 0 : i32
        %dma_wait3A_262 = tpu.memref_slice %arg18[%multiple_of3A, %dma_wait3A_261] : memref<10000x128xf32, #tpu.memory_space<vmem_shared>> -> memref<80x128xf32, #tpu.memory_space<vmem_shared>>
        tpu.wait_dma2 semaphore(%run_scoped3A : memref<!tpu.dma_semaphore, #tpu.memory_space<semaphore_mem>>) src(%dma_wait3A_262 : memref<80x128xf32, #tpu.memory_space<vmem_shared>>) dst(%dma_wait3A_260 : memref<80x128xf32, #tpu.memory_space<vmem>>)
        tpu.yield
      }) : () -> ()
      %eq3A = arith.constant 0 : i32
      %eq3A_236 = arith.cmpi eq, %arg0, %eq3A : i32
      %convert_element_type3A_237 = arith.extui %eq3A_236 : i1 to i32
      %cond3A_238 = arith.constant 0 : i32
      %cond3A_239 = arith.cmpi ne, %convert_element_type3A_237, %cond3A_238 : i32
      scf.if %cond3A_239 {
        "tpu.region"() ({
          %run_scoped3A = tpu.sem_alloc : memref<!tpu.dma_semaphore, #tpu.memory_space<semaphore_mem>>
          %dma_start3A = arith.constant 0 : i32
          %dma_start3A_245 = arith.constant 0 : i32
          %dma_start3A_246 = tpu.memref_slice %arg16[%dma_start3A, %dma_start3A_245] : memref<128x128xf32, #tpu.memory_space<vmem>> -> memref<80x128xf32, #tpu.memory_space<vmem>>
          %dma_start3A_247 = arith.constant 0 : i32
          %dma_start3A_248 = tpu.memref_slice %arg10[%multiple_of3A, %dma_start3A_247] : memref<10000x128xf32, #tpu.memory_space<hbm>> -> memref<80x128xf32, #tpu.memory_space<hbm>>
          %dma_start3A_249 = arith.constant 0 : i32
          %dma_start3A_250 = tpu.memref_slice %arg10[%multiple_of3A, %dma_start3A_249] : memref<10000x128xf32, #tpu.memory_space<hbm>> -> memref<80x128xf32, #tpu.memory_space<hbm>>
          %dma_start3A_251 = arith.constant 0 : i32
          %dma_start3A_252 = arith.constant 0 : i32
          %dma_start3A_253 = tpu.memref_slice %arg16[%dma_start3A_251, %dma_start3A_252] : memref<128x128xf32, #tpu.memory_space<vmem>> -> memref<80x128xf32, #tpu.memory_space<vmem>>
          tpu.enqueue_dma source(%dma_start3A_253 : memref<80x128xf32, #tpu.memory_space<vmem>>) target(%dma_start3A_250 : memref<80x128xf32, #tpu.memory_space<hbm>>) target_semaphore(%run_scoped3A : memref<!tpu.dma_semaphore, #tpu.memory_space<semaphore_mem>>)
          %dma_wait3A = arith.constant 0 : i32
          %dma_wait3A_254 = arith.constant 0 : i32
          %dma_wait3A_255 = tpu.memref_slice %arg16[%dma_wait3A, %dma_wait3A_254] : memref<128x128xf32, #tpu.memory_space<vmem>> -> memref<80x128xf32, #tpu.memory_space<vmem>>
          %dma_wait3A_256 = arith.constant 0 : i32
          %dma_wait3A_257 = tpu.memref_slice %arg10[%multiple_of3A, %dma_wait3A_256] : memref<10000x128xf32, #tpu.memory_space<hbm>> -> memref<80x128xf32, #tpu.memory_space<hbm>>
          %dma_wait3A_258 = arith.constant 0 : i32
          %dma_wait3A_259 = tpu.memref_slice %arg10[%multiple_of3A, %dma_wait3A_258] : memref<10000x128xf32, #tpu.memory_space<hbm>> -> memref<80x128xf32, #tpu.memory_space<hbm>>
          %dma_wait3A_260 = arith.constant 0 : i32
          %dma_wait3A_261 = arith.constant 0 : i32
          %dma_wait3A_262 = tpu.memref_slice %arg16[%dma_wait3A_260, %dma_wait3A_261] : memref<128x128xf32, #tpu.memory_space<vmem>> -> memref<80x128xf32, #tpu.memory_space<vmem>>
          tpu.wait_dma2 semaphore(%run_scoped3A : memref<!tpu.dma_semaphore, #tpu.memory_space<semaphore_mem>>) src(%dma_wait3A_262 : memref<80x128xf32, #tpu.memory_space<vmem>>) dst(%dma_wait3A_259 : memref<80x128xf32, #tpu.memory_space<hbm>>)
          tpu.yield
        }) : () -> ()
      } else {
      }
      %eq3A_240 = arith.constant 1 : i32
      %eq3A_241 = arith.cmpi eq, %arg0, %eq3A_240 : i32
      %convert_element_type3A_242 = arith.extui %eq3A_241 : i1 to i32
      %cond3A_243 = arith.constant 0 : i32
      %cond3A_244 = arith.cmpi ne, %convert_element_type3A_242, %cond3A_243 : i32
      scf.if %cond3A_244 {
        "tpu.region"() ({
          %run_scoped3A = tpu.sem_alloc : memref<!tpu.dma_semaphore, #tpu.memory_space<semaphore_mem>>
          %dma_start3A = arith.constant 0 : i32
          %dma_start3A_245 = arith.constant 0 : i32
          %dma_start3A_246 = tpu.memref_slice %arg16[%dma_start3A, %dma_start3A_245] : memref<128x128xf32, #tpu.memory_space<vmem>> -> memref<80x128xf32, #tpu.memory_space<vmem>>
          %dma_start3A_247 = arith.constant 0 : i32
          %dma_start3A_248 = tpu.memref_slice %arg11[%multiple_of3A, %dma_start3A_247] : memref<10000x128xf32, #tpu.memory_space<hbm>> -> memref<80x128xf32, #tpu.memory_space<hbm>>
          %dma_start3A_249 = arith.constant 0 : i32
          %dma_start3A_250 = tpu.memref_slice %arg11[%multiple_of3A, %dma_start3A_249] : memref<10000x128xf32, #tpu.memory_space<hbm>> -> memref<80x128xf32, #tpu.memory_space<hbm>>
          %dma_start3A_251 = arith.constant 0 : i32
          %dma_start3A_252 = arith.constant 0 : i32
          %dma_start3A_253 = tpu.memref_slice %arg16[%dma_start3A_251, %dma_start3A_252] : memref<128x128xf32, #tpu.memory_space<vmem>> -> memref<80x128xf32, #tpu.memory_space<vmem>>
          tpu.enqueue_dma source(%dma_start3A_253 : memref<80x128xf32, #tpu.memory_space<vmem>>) target(%dma_start3A_250 : memref<80x128xf32, #tpu.memory_space<hbm>>) target_semaphore(%run_scoped3A : memref<!tpu.dma_semaphore, #tpu.memory_space<semaphore_mem>>)
          %dma_wait3A = arith.constant 0 : i32
          %dma_wait3A_254 = arith.constant 0 : i32
          %dma_wait3A_255 = tpu.memref_slice %arg16[%dma_wait3A, %dma_wait3A_254] : memref<128x128xf32, #tpu.memory_space<vmem>> -> memref<80x128xf32, #tpu.memory_space<vmem>>
          %dma_wait3A_256 = arith.constant 0 : i32
          %dma_wait3A_257 = tpu.memref_slice %arg11[%multiple_of3A, %dma_wait3A_256] : memref<10000x128xf32, #tpu.memory_space<hbm>> -> memref<80x128xf32, #tpu.memory_space<hbm>>
          %dma_wait3A_258 = arith.constant 0 : i32
          %dma_wait3A_259 = tpu.memref_slice %arg11[%multiple_of3A, %dma_wait3A_258] : memref<10000x128xf32, #tpu.memory_space<hbm>> -> memref<80x128xf32, #tpu.memory_space<hbm>>
          %dma_wait3A_260 = arith.constant 0 : i32
          %dma_wait3A_261 = arith.constant 0 : i32
          %dma_wait3A_262 = tpu.memref_slice %arg16[%dma_wait3A_260, %dma_wait3A_261] : memref<128x128xf32, #tpu.memory_space<vmem>> -> memref<80x128xf32, #tpu.memory_space<vmem>>
          tpu.wait_dma2 semaphore(%run_scoped3A : memref<!tpu.dma_semaphore, #tpu.memory_space<semaphore_mem>>) src(%dma_wait3A_262 : memref<80x128xf32, #tpu.memory_space<vmem>>) dst(%dma_wait3A_259 : memref<80x128xf32, #tpu.memory_space<hbm>>)
          tpu.yield
        }) : () -> ()
      } else {
      }
    } else {
    }
    %add3A_193 = arith.constant 32 : i32
    %add3A_194 = arith.addi %add3A_193, %arg1 : i32
    %lt3A_195 = arith.constant 125 : i32
    %lt3A_196 = arith.cmpi slt, %add3A_194, %lt3A_195 : i32
    %convert_element_type3A_197 = arith.extui %lt3A_196 : i1 to i32
    %cond3A_198 = arith.constant 0 : i32
    %cond3A_199 = arith.cmpi ne, %convert_element_type3A_197, %cond3A_198 : i32
    scf.if %cond3A_199 {
      %mul3A = arith.constant 80 : i32
      %mul3A_235 = arith.muli %add3A_194, %mul3A : i32
      %multiple_of3A = tpu.assume_multiple %mul3A_235, 80 : i32
      "tpu.region"() ({
        %run_scoped3A = tpu.sem_alloc : memref<!tpu.dma_semaphore, #tpu.memory_space<semaphore_mem>>
        %dma_start3A = arith.constant 0 : i32
        %dma_start3A_245 = arith.constant 0 : i32
        %dma_start3A_246 = tpu.memref_slice %arg16[%dma_start3A, %dma_start3A_245] : memref<128x128xf32, #tpu.memory_space<vmem>> -> memref<80x128xf32, #tpu.memory_space<vmem>>
        %dma_start3A_247 = arith.constant 0 : i32
        %dma_start3A_248 = tpu.memref_slice %arg18[%multiple_of3A, %dma_start3A_247] : memref<10000x128xf32, #tpu.memory_space<vmem_shared>> -> memref<80x128xf32, #tpu.memory_space<vmem_shared>>
        %dma_start3A_249 = arith.constant 0 : i32
        %dma_start3A_250 = arith.constant 0 : i32
        %dma_start3A_251 = tpu.memref_slice %arg16[%dma_start3A_249, %dma_start3A_250] : memref<128x128xf32, #tpu.memory_space<vmem>> -> memref<80x128xf32, #tpu.memory_space<vmem>>
        %dma_start3A_252 = arith.constant 0 : i32
        %dma_start3A_253 = tpu.memref_slice %arg18[%multiple_of3A, %dma_start3A_252] : memref<10000x128xf32, #tpu.memory_space<vmem_shared>> -> memref<80x128xf32, #tpu.memory_space<vmem_shared>>
        tpu.enqueue_dma source(%dma_start3A_253 : memref<80x128xf32, #tpu.memory_space<vmem_shared>>) target(%dma_start3A_251 : memref<80x128xf32, #tpu.memory_space<vmem>>) target_semaphore(%run_scoped3A : memref<!tpu.dma_semaphore, #tpu.memory_space<semaphore_mem>>)
        %dma_wait3A = arith.constant 0 : i32
        %dma_wait3A_254 = arith.constant 0 : i32
        %dma_wait3A_255 = tpu.memref_slice %arg16[%dma_wait3A, %dma_wait3A_254] : memref<128x128xf32, #tpu.memory_space<vmem>> -> memref<80x128xf32, #tpu.memory_space<vmem>>
        %dma_wait3A_256 = arith.constant 0 : i32
        %dma_wait3A_257 = tpu.memref_slice %arg18[%multiple_of3A, %dma_wait3A_256] : memref<10000x128xf32, #tpu.memory_space<vmem_shared>> -> memref<80x128xf32, #tpu.memory_space<vmem_shared>>
        %dma_wait3A_258 = arith.constant 0 : i32
        %dma_wait3A_259 = arith.constant 0 : i32
        %dma_wait3A_260 = tpu.memref_slice %arg16[%dma_wait3A_258, %dma_wait3A_259] : memref<128x128xf32, #tpu.memory_space<vmem>> -> memref<80x128xf32, #tpu.memory_space<vmem>>
        %dma_wait3A_261 = arith.constant 0 : i32
        %dma_wait3A_262 = tpu.memref_slice %arg18[%multiple_of3A, %dma_wait3A_261] : memref<10000x128xf32, #tpu.memory_space<vmem_shared>> -> memref<80x128xf32, #tpu.memory_space<vmem_shared>>
        tpu.wait_dma2 semaphore(%run_scoped3A : memref<!tpu.dma_semaphore, #tpu.memory_space<semaphore_mem>>) src(%dma_wait3A_262 : memref<80x128xf32, #tpu.memory_space<vmem_shared>>) dst(%dma_wait3A_260 : memref<80x128xf32, #tpu.memory_space<vmem>>)
        tpu.yield
      }) : () -> ()
      %eq3A = arith.constant 0 : i32
      %eq3A_236 = arith.cmpi eq, %arg0, %eq3A : i32
      %convert_element_type3A_237 = arith.extui %eq3A_236 : i1 to i32
      %cond3A_238 = arith.constant 0 : i32
      %cond3A_239 = arith.cmpi ne, %convert_element_type3A_237, %cond3A_238 : i32
      scf.if %cond3A_239 {
        "tpu.region"() ({
          %run_scoped3A = tpu.sem_alloc : memref<!tpu.dma_semaphore, #tpu.memory_space<semaphore_mem>>
          %dma_start3A = arith.constant 0 : i32
          %dma_start3A_245 = arith.constant 0 : i32
          %dma_start3A_246 = tpu.memref_slice %arg16[%dma_start3A, %dma_start3A_245] : memref<128x128xf32, #tpu.memory_space<vmem>> -> memref<80x128xf32, #tpu.memory_space<vmem>>
          %dma_start3A_247 = arith.constant 0 : i32
          %dma_start3A_248 = tpu.memref_slice %arg10[%multiple_of3A, %dma_start3A_247] : memref<10000x128xf32, #tpu.memory_space<hbm>> -> memref<80x128xf32, #tpu.memory_space<hbm>>
          %dma_start3A_249 = arith.constant 0 : i32
          %dma_start3A_250 = tpu.memref_slice %arg10[%multiple_of3A, %dma_start3A_249] : memref<10000x128xf32, #tpu.memory_space<hbm>> -> memref<80x128xf32, #tpu.memory_space<hbm>>
          %dma_start3A_251 = arith.constant 0 : i32
          %dma_start3A_252 = arith.constant 0 : i32
          %dma_start3A_253 = tpu.memref_slice %arg16[%dma_start3A_251, %dma_start3A_252] : memref<128x128xf32, #tpu.memory_space<vmem>> -> memref<80x128xf32, #tpu.memory_space<vmem>>
          tpu.enqueue_dma source(%dma_start3A_253 : memref<80x128xf32, #tpu.memory_space<vmem>>) target(%dma_start3A_250 : memref<80x128xf32, #tpu.memory_space<hbm>>) target_semaphore(%run_scoped3A : memref<!tpu.dma_semaphore, #tpu.memory_space<semaphore_mem>>)
          %dma_wait3A = arith.constant 0 : i32
          %dma_wait3A_254 = arith.constant 0 : i32
          %dma_wait3A_255 = tpu.memref_slice %arg16[%dma_wait3A, %dma_wait3A_254] : memref<128x128xf32, #tpu.memory_space<vmem>> -> memref<80x128xf32, #tpu.memory_space<vmem>>
          %dma_wait3A_256 = arith.constant 0 : i32
          %dma_wait3A_257 = tpu.memref_slice %arg10[%multiple_of3A, %dma_wait3A_256] : memref<10000x128xf32, #tpu.memory_space<hbm>> -> memref<80x128xf32, #tpu.memory_space<hbm>>
          %dma_wait3A_258 = arith.constant 0 : i32
          %dma_wait3A_259 = tpu.memref_slice %arg10[%multiple_of3A, %dma_wait3A_258] : memref<10000x128xf32, #tpu.memory_space<hbm>> -> memref<80x128xf32, #tpu.memory_space<hbm>>
          %dma_wait3A_260 = arith.constant 0 : i32
          %dma_wait3A_261 = arith.constant 0 : i32
          %dma_wait3A_262 = tpu.memref_slice %arg16[%dma_wait3A_260, %dma_wait3A_261] : memref<128x128xf32, #tpu.memory_space<vmem>> -> memref<80x128xf32, #tpu.memory_space<vmem>>
          tpu.wait_dma2 semaphore(%run_scoped3A : memref<!tpu.dma_semaphore, #tpu.memory_space<semaphore_mem>>) src(%dma_wait3A_262 : memref<80x128xf32, #tpu.memory_space<vmem>>) dst(%dma_wait3A_259 : memref<80x128xf32, #tpu.memory_space<hbm>>)
          tpu.yield
        }) : () -> ()
      } else {
      }
      %eq3A_240 = arith.constant 1 : i32
      %eq3A_241 = arith.cmpi eq, %arg0, %eq3A_240 : i32
      %convert_element_type3A_242 = arith.extui %eq3A_241 : i1 to i32
      %cond3A_243 = arith.constant 0 : i32
      %cond3A_244 = arith.cmpi ne, %convert_element_type3A_242, %cond3A_243 : i32
      scf.if %cond3A_244 {
        "tpu.region"() ({
          %run_scoped3A = tpu.sem_alloc : memref<!tpu.dma_semaphore, #tpu.memory_space<semaphore_mem>>
          %dma_start3A = arith.constant 0 : i32
          %dma_start3A_245 = arith.constant 0 : i32
          %dma_start3A_246 = tpu.memref_slice %arg16[%dma_start3A, %dma_start3A_245] : memref<128x128xf32, #tpu.memory_space<vmem>> -> memref<80x128xf32, #tpu.memory_space<vmem>>
          %dma_start3A_247 = arith.constant 0 : i32
          %dma_start3A_248 = tpu.memref_slice %arg11[%multiple_of3A, %dma_start3A_247] : memref<10000x128xf32, #tpu.memory_space<hbm>> -> memref<80x128xf32, #tpu.memory_space<hbm>>
          %dma_start3A_249 = arith.constant 0 : i32
          %dma_start3A_250 = tpu.memref_slice %arg11[%multiple_of3A, %dma_start3A_249] : memref<10000x128xf32, #tpu.memory_space<hbm>> -> memref<80x128xf32, #tpu.memory_space<hbm>>
          %dma_start3A_251 = arith.constant 0 : i32
          %dma_start3A_252 = arith.constant 0 : i32
          %dma_start3A_253 = tpu.memref_slice %arg16[%dma_start3A_251, %dma_start3A_252] : memref<128x128xf32, #tpu.memory_space<vmem>> -> memref<80x128xf32, #tpu.memory_space<vmem>>
          tpu.enqueue_dma source(%dma_start3A_253 : memref<80x128xf32, #tpu.memory_space<vmem>>) target(%dma_start3A_250 : memref<80x128xf32, #tpu.memory_space<hbm>>) target_semaphore(%run_scoped3A : memref<!tpu.dma_semaphore, #tpu.memory_space<semaphore_mem>>)
          %dma_wait3A = arith.constant 0 : i32
          %dma_wait3A_254 = arith.constant 0 : i32
          %dma_wait3A_255 = tpu.memref_slice %arg16[%dma_wait3A, %dma_wait3A_254] : memref<128x128xf32, #tpu.memory_space<vmem>> -> memref<80x128xf32, #tpu.memory_space<vmem>>
          %dma_wait3A_256 = arith.constant 0 : i32
          %dma_wait3A_257 = tpu.memref_slice %arg11[%multiple_of3A, %dma_wait3A_256] : memref<10000x128xf32, #tpu.memory_space<hbm>> -> memref<80x128xf32, #tpu.memory_space<hbm>>
          %dma_wait3A_258 = arith.constant 0 : i32
          %dma_wait3A_259 = tpu.memref_slice %arg11[%multiple_of3A, %dma_wait3A_258] : memref<10000x128xf32, #tpu.memory_space<hbm>> -> memref<80x128xf32, #tpu.memory_space<hbm>>
          %dma_wait3A_260 = arith.constant 0 : i32
          %dma_wait3A_261 = arith.constant 0 : i32
          %dma_wait3A_262 = tpu.memref_slice %arg16[%dma_wait3A_260, %dma_wait3A_261] : memref<128x128xf32, #tpu.memory_space<vmem>> -> memref<80x128xf32, #tpu.memory_space<vmem>>
          tpu.wait_dma2 semaphore(%run_scoped3A : memref<!tpu.dma_semaphore, #tpu.memory_space<semaphore_mem>>) src(%dma_wait3A_262 : memref<80x128xf32, #tpu.memory_space<vmem>>) dst(%dma_wait3A_259 : memref<80x128xf32, #tpu.memory_space<hbm>>)
          tpu.yield
        }) : () -> ()
      } else {
      }
    } else {
    }
    %add3A_200 = arith.constant 48 : i32
    %add3A_201 = arith.addi %add3A_200, %arg1 : i32
    %lt3A_202 = arith.constant 125 : i32
    %lt3A_203 = arith.cmpi slt, %add3A_201, %lt3A_202 : i32
    %convert_element_type3A_204 = arith.extui %lt3A_203 : i1 to i32
    %cond3A_205 = arith.constant 0 : i32
    %cond3A_206 = arith.cmpi ne, %convert_element_type3A_204, %cond3A_205 : i32
    scf.if %cond3A_206 {
      %mul3A = arith.constant 80 : i32
      %mul3A_235 = arith.muli %add3A_201, %mul3A : i32
      %multiple_of3A = tpu.assume_multiple %mul3A_235, 80 : i32
      "tpu.region"() ({
        %run_scoped3A = tpu.sem_alloc : memref<!tpu.dma_semaphore, #tpu.memory_space<semaphore_mem>>
        %dma_start3A = arith.constant 0 : i32
        %dma_start3A_245 = arith.constant 0 : i32
        %dma_start3A_246 = tpu.memref_slice %arg16[%dma_start3A, %dma_start3A_245] : memref<128x128xf32, #tpu.memory_space<vmem>> -> memref<80x128xf32, #tpu.memory_space<vmem>>
        %dma_start3A_247 = arith.constant 0 : i32
        %dma_start3A_248 = tpu.memref_slice %arg18[%multiple_of3A, %dma_start3A_247] : memref<10000x128xf32, #tpu.memory_space<vmem_shared>> -> memref<80x128xf32, #tpu.memory_space<vmem_shared>>
        %dma_start3A_249 = arith.constant 0 : i32
        %dma_start3A_250 = arith.constant 0 : i32
        %dma_start3A_251 = tpu.memref_slice %arg16[%dma_start3A_249, %dma_start3A_250] : memref<128x128xf32, #tpu.memory_space<vmem>> -> memref<80x128xf32, #tpu.memory_space<vmem>>
        %dma_start3A_252 = arith.constant 0 : i32
        %dma_start3A_253 = tpu.memref_slice %arg18[%multiple_of3A, %dma_start3A_252] : memref<10000x128xf32, #tpu.memory_space<vmem_shared>> -> memref<80x128xf32, #tpu.memory_space<vmem_shared>>
        tpu.enqueue_dma source(%dma_start3A_253 : memref<80x128xf32, #tpu.memory_space<vmem_shared>>) target(%dma_start3A_251 : memref<80x128xf32, #tpu.memory_space<vmem>>) target_semaphore(%run_scoped3A : memref<!tpu.dma_semaphore, #tpu.memory_space<semaphore_mem>>)
        %dma_wait3A = arith.constant 0 : i32
        %dma_wait3A_254 = arith.constant 0 : i32
        %dma_wait3A_255 = tpu.memref_slice %arg16[%dma_wait3A, %dma_wait3A_254] : memref<128x128xf32, #tpu.memory_space<vmem>> -> memref<80x128xf32, #tpu.memory_space<vmem>>
        %dma_wait3A_256 = arith.constant 0 : i32
        %dma_wait3A_257 = tpu.memref_slice %arg18[%multiple_of3A, %dma_wait3A_256] : memref<10000x128xf32, #tpu.memory_space<vmem_shared>> -> memref<80x128xf32, #tpu.memory_space<vmem_shared>>
        %dma_wait3A_258 = arith.constant 0 : i32
        %dma_wait3A_259 = arith.constant 0 : i32
        %dma_wait3A_260 = tpu.memref_slice %arg16[%dma_wait3A_258, %dma_wait3A_259] : memref<128x128xf32, #tpu.memory_space<vmem>> -> memref<80x128xf32, #tpu.memory_space<vmem>>
        %dma_wait3A_261 = arith.constant 0 : i32
        %dma_wait3A_262 = tpu.memref_slice %arg18[%multiple_of3A, %dma_wait3A_261] : memref<10000x128xf32, #tpu.memory_space<vmem_shared>> -> memref<80x128xf32, #tpu.memory_space<vmem_shared>>
        tpu.wait_dma2 semaphore(%run_scoped3A : memref<!tpu.dma_semaphore, #tpu.memory_space<semaphore_mem>>) src(%dma_wait3A_262 : memref<80x128xf32, #tpu.memory_space<vmem_shared>>) dst(%dma_wait3A_260 : memref<80x128xf32, #tpu.memory_space<vmem>>)
        tpu.yield
      }) : () -> ()
      %eq3A = arith.constant 0 : i32
      %eq3A_236 = arith.cmpi eq, %arg0, %eq3A : i32
      %convert_element_type3A_237 = arith.extui %eq3A_236 : i1 to i32
      %cond3A_238 = arith.constant 0 : i32
      %cond3A_239 = arith.cmpi ne, %convert_element_type3A_237, %cond3A_238 : i32
      scf.if %cond3A_239 {
        "tpu.region"() ({
          %run_scoped3A = tpu.sem_alloc : memref<!tpu.dma_semaphore, #tpu.memory_space<semaphore_mem>>
          %dma_start3A = arith.constant 0 : i32
          %dma_start3A_245 = arith.constant 0 : i32
          %dma_start3A_246 = tpu.memref_slice %arg16[%dma_start3A, %dma_start3A_245] : memref<128x128xf32, #tpu.memory_space<vmem>> -> memref<80x128xf32, #tpu.memory_space<vmem>>
          %dma_start3A_247 = arith.constant 0 : i32
          %dma_start3A_248 = tpu.memref_slice %arg10[%multiple_of3A, %dma_start3A_247] : memref<10000x128xf32, #tpu.memory_space<hbm>> -> memref<80x128xf32, #tpu.memory_space<hbm>>
          %dma_start3A_249 = arith.constant 0 : i32
          %dma_start3A_250 = tpu.memref_slice %arg10[%multiple_of3A, %dma_start3A_249] : memref<10000x128xf32, #tpu.memory_space<hbm>> -> memref<80x128xf32, #tpu.memory_space<hbm>>
          %dma_start3A_251 = arith.constant 0 : i32
          %dma_start3A_252 = arith.constant 0 : i32
          %dma_start3A_253 = tpu.memref_slice %arg16[%dma_start3A_251, %dma_start3A_252] : memref<128x128xf32, #tpu.memory_space<vmem>> -> memref<80x128xf32, #tpu.memory_space<vmem>>
          tpu.enqueue_dma source(%dma_start3A_253 : memref<80x128xf32, #tpu.memory_space<vmem>>) target(%dma_start3A_250 : memref<80x128xf32, #tpu.memory_space<hbm>>) target_semaphore(%run_scoped3A : memref<!tpu.dma_semaphore, #tpu.memory_space<semaphore_mem>>)
          %dma_wait3A = arith.constant 0 : i32
          %dma_wait3A_254 = arith.constant 0 : i32
          %dma_wait3A_255 = tpu.memref_slice %arg16[%dma_wait3A, %dma_wait3A_254] : memref<128x128xf32, #tpu.memory_space<vmem>> -> memref<80x128xf32, #tpu.memory_space<vmem>>
          %dma_wait3A_256 = arith.constant 0 : i32
          %dma_wait3A_257 = tpu.memref_slice %arg10[%multiple_of3A, %dma_wait3A_256] : memref<10000x128xf32, #tpu.memory_space<hbm>> -> memref<80x128xf32, #tpu.memory_space<hbm>>
          %dma_wait3A_258 = arith.constant 0 : i32
          %dma_wait3A_259 = tpu.memref_slice %arg10[%multiple_of3A, %dma_wait3A_258] : memref<10000x128xf32, #tpu.memory_space<hbm>> -> memref<80x128xf32, #tpu.memory_space<hbm>>
          %dma_wait3A_260 = arith.constant 0 : i32
          %dma_wait3A_261 = arith.constant 0 : i32
          %dma_wait3A_262 = tpu.memref_slice %arg16[%dma_wait3A_260, %dma_wait3A_261] : memref<128x128xf32, #tpu.memory_space<vmem>> -> memref<80x128xf32, #tpu.memory_space<vmem>>
          tpu.wait_dma2 semaphore(%run_scoped3A : memref<!tpu.dma_semaphore, #tpu.memory_space<semaphore_mem>>) src(%dma_wait3A_262 : memref<80x128xf32, #tpu.memory_space<vmem>>) dst(%dma_wait3A_259 : memref<80x128xf32, #tpu.memory_space<hbm>>)
          tpu.yield
        }) : () -> ()
      } else {
      }
      %eq3A_240 = arith.constant 1 : i32
      %eq3A_241 = arith.cmpi eq, %arg0, %eq3A_240 : i32
      %convert_element_type3A_242 = arith.extui %eq3A_241 : i1 to i32
      %cond3A_243 = arith.constant 0 : i32
      %cond3A_244 = arith.cmpi ne, %convert_element_type3A_242, %cond3A_243 : i32
      scf.if %cond3A_244 {
        "tpu.region"() ({
          %run_scoped3A = tpu.sem_alloc : memref<!tpu.dma_semaphore, #tpu.memory_space<semaphore_mem>>
          %dma_start3A = arith.constant 0 : i32
          %dma_start3A_245 = arith.constant 0 : i32
          %dma_start3A_246 = tpu.memref_slice %arg16[%dma_start3A, %dma_start3A_245] : memref<128x128xf32, #tpu.memory_space<vmem>> -> memref<80x128xf32, #tpu.memory_space<vmem>>
          %dma_start3A_247 = arith.constant 0 : i32
          %dma_start3A_248 = tpu.memref_slice %arg11[%multiple_of3A, %dma_start3A_247] : memref<10000x128xf32, #tpu.memory_space<hbm>> -> memref<80x128xf32, #tpu.memory_space<hbm>>
          %dma_start3A_249 = arith.constant 0 : i32
          %dma_start3A_250 = tpu.memref_slice %arg11[%multiple_of3A, %dma_start3A_249] : memref<10000x128xf32, #tpu.memory_space<hbm>> -> memref<80x128xf32, #tpu.memory_space<hbm>>
          %dma_start3A_251 = arith.constant 0 : i32
          %dma_start3A_252 = arith.constant 0 : i32
          %dma_start3A_253 = tpu.memref_slice %arg16[%dma_start3A_251, %dma_start3A_252] : memref<128x128xf32, #tpu.memory_space<vmem>> -> memref<80x128xf32, #tpu.memory_space<vmem>>
          tpu.enqueue_dma source(%dma_start3A_253 : memref<80x128xf32, #tpu.memory_space<vmem>>) target(%dma_start3A_250 : memref<80x128xf32, #tpu.memory_space<hbm>>) target_semaphore(%run_scoped3A : memref<!tpu.dma_semaphore, #tpu.memory_space<semaphore_mem>>)
          %dma_wait3A = arith.constant 0 : i32
          %dma_wait3A_254 = arith.constant 0 : i32
          %dma_wait3A_255 = tpu.memref_slice %arg16[%dma_wait3A, %dma_wait3A_254] : memref<128x128xf32, #tpu.memory_space<vmem>> -> memref<80x128xf32, #tpu.memory_space<vmem>>
          %dma_wait3A_256 = arith.constant 0 : i32
          %dma_wait3A_257 = tpu.memref_slice %arg11[%multiple_of3A, %dma_wait3A_256] : memref<10000x128xf32, #tpu.memory_space<hbm>> -> memref<80x128xf32, #tpu.memory_space<hbm>>
          %dma_wait3A_258 = arith.constant 0 : i32
          %dma_wait3A_259 = tpu.memref_slice %arg11[%multiple_of3A, %dma_wait3A_258] : memref<10000x128xf32, #tpu.memory_space<hbm>> -> memref<80x128xf32, #tpu.memory_space<hbm>>
          %dma_wait3A_260 = arith.constant 0 : i32
          %dma_wait3A_261 = arith.constant 0 : i32
          %dma_wait3A_262 = tpu.memref_slice %arg16[%dma_wait3A_260, %dma_wait3A_261] : memref<128x128xf32, #tpu.memory_space<vmem>> -> memref<80x128xf32, #tpu.memory_space<vmem>>
          tpu.wait_dma2 semaphore(%run_scoped3A : memref<!tpu.dma_semaphore, #tpu.memory_space<semaphore_mem>>) src(%dma_wait3A_262 : memref<80x128xf32, #tpu.memory_space<vmem>>) dst(%dma_wait3A_259 : memref<80x128xf32, #tpu.memory_space<hbm>>)
          tpu.yield
        }) : () -> ()
      } else {
      }
    } else {
    }
    %add3A_207 = arith.constant 64 : i32
    %add3A_208 = arith.addi %add3A_207, %arg1 : i32
    %lt3A_209 = arith.constant 125 : i32
    %lt3A_210 = arith.cmpi slt, %add3A_208, %lt3A_209 : i32
    %convert_element_type3A_211 = arith.extui %lt3A_210 : i1 to i32
    %cond3A_212 = arith.constant 0 : i32
    %cond3A_213 = arith.cmpi ne, %convert_element_type3A_211, %cond3A_212 : i32
    scf.if %cond3A_213 {
      %mul3A = arith.constant 80 : i32
      %mul3A_235 = arith.muli %add3A_208, %mul3A : i32
      %multiple_of3A = tpu.assume_multiple %mul3A_235, 80 : i32
      "tpu.region"() ({
        %run_scoped3A = tpu.sem_alloc : memref<!tpu.dma_semaphore, #tpu.memory_space<semaphore_mem>>
        %dma_start3A = arith.constant 0 : i32
        %dma_start3A_245 = arith.constant 0 : i32
        %dma_start3A_246 = tpu.memref_slice %arg16[%dma_start3A, %dma_start3A_245] : memref<128x128xf32, #tpu.memory_space<vmem>> -> memref<80x128xf32, #tpu.memory_space<vmem>>
        %dma_start3A_247 = arith.constant 0 : i32
        %dma_start3A_248 = tpu.memref_slice %arg18[%multiple_of3A, %dma_start3A_247] : memref<10000x128xf32, #tpu.memory_space<vmem_shared>> -> memref<80x128xf32, #tpu.memory_space<vmem_shared>>
        %dma_start3A_249 = arith.constant 0 : i32
        %dma_start3A_250 = arith.constant 0 : i32
        %dma_start3A_251 = tpu.memref_slice %arg16[%dma_start3A_249, %dma_start3A_250] : memref<128x128xf32, #tpu.memory_space<vmem>> -> memref<80x128xf32, #tpu.memory_space<vmem>>
        %dma_start3A_252 = arith.constant 0 : i32
        %dma_start3A_253 = tpu.memref_slice %arg18[%multiple_of3A, %dma_start3A_252] : memref<10000x128xf32, #tpu.memory_space<vmem_shared>> -> memref<80x128xf32, #tpu.memory_space<vmem_shared>>
        tpu.enqueue_dma source(%dma_start3A_253 : memref<80x128xf32, #tpu.memory_space<vmem_shared>>) target(%dma_start3A_251 : memref<80x128xf32, #tpu.memory_space<vmem>>) target_semaphore(%run_scoped3A : memref<!tpu.dma_semaphore, #tpu.memory_space<semaphore_mem>>)
        %dma_wait3A = arith.constant 0 : i32
        %dma_wait3A_254 = arith.constant 0 : i32
        %dma_wait3A_255 = tpu.memref_slice %arg16[%dma_wait3A, %dma_wait3A_254] : memref<128x128xf32, #tpu.memory_space<vmem>> -> memref<80x128xf32, #tpu.memory_space<vmem>>
        %dma_wait3A_256 = arith.constant 0 : i32
        %dma_wait3A_257 = tpu.memref_slice %arg18[%multiple_of3A, %dma_wait3A_256] : memref<10000x128xf32, #tpu.memory_space<vmem_shared>> -> memref<80x128xf32, #tpu.memory_space<vmem_shared>>
        %dma_wait3A_258 = arith.constant 0 : i32
        %dma_wait3A_259 = arith.constant 0 : i32
        %dma_wait3A_260 = tpu.memref_slice %arg16[%dma_wait3A_258, %dma_wait3A_259] : memref<128x128xf32, #tpu.memory_space<vmem>> -> memref<80x128xf32, #tpu.memory_space<vmem>>
        %dma_wait3A_261 = arith.constant 0 : i32
        %dma_wait3A_262 = tpu.memref_slice %arg18[%multiple_of3A, %dma_wait3A_261] : memref<10000x128xf32, #tpu.memory_space<vmem_shared>> -> memref<80x128xf32, #tpu.memory_space<vmem_shared>>
        tpu.wait_dma2 semaphore(%run_scoped3A : memref<!tpu.dma_semaphore, #tpu.memory_space<semaphore_mem>>) src(%dma_wait3A_262 : memref<80x128xf32, #tpu.memory_space<vmem_shared>>) dst(%dma_wait3A_260 : memref<80x128xf32, #tpu.memory_space<vmem>>)
        tpu.yield
      }) : () -> ()
      %eq3A = arith.constant 0 : i32
      %eq3A_236 = arith.cmpi eq, %arg0, %eq3A : i32
      %convert_element_type3A_237 = arith.extui %eq3A_236 : i1 to i32
      %cond3A_238 = arith.constant 0 : i32
      %cond3A_239 = arith.cmpi ne, %convert_element_type3A_237, %cond3A_238 : i32
      scf.if %cond3A_239 {
        "tpu.region"() ({
          %run_scoped3A = tpu.sem_alloc : memref<!tpu.dma_semaphore, #tpu.memory_space<semaphore_mem>>
          %dma_start3A = arith.constant 0 : i32
          %dma_start3A_245 = arith.constant 0 : i32
          %dma_start3A_246 = tpu.memref_slice %arg16[%dma_start3A, %dma_start3A_245] : memref<128x128xf32, #tpu.memory_space<vmem>> -> memref<80x128xf32, #tpu.memory_space<vmem>>
          %dma_start3A_247 = arith.constant 0 : i32
          %dma_start3A_248 = tpu.memref_slice %arg10[%multiple_of3A, %dma_start3A_247] : memref<10000x128xf32, #tpu.memory_space<hbm>> -> memref<80x128xf32, #tpu.memory_space<hbm>>
          %dma_start3A_249 = arith.constant 0 : i32
          %dma_start3A_250 = tpu.memref_slice %arg10[%multiple_of3A, %dma_start3A_249] : memref<10000x128xf32, #tpu.memory_space<hbm>> -> memref<80x128xf32, #tpu.memory_space<hbm>>
          %dma_start3A_251 = arith.constant 0 : i32
          %dma_start3A_252 = arith.constant 0 : i32
          %dma_start3A_253 = tpu.memref_slice %arg16[%dma_start3A_251, %dma_start3A_252] : memref<128x128xf32, #tpu.memory_space<vmem>> -> memref<80x128xf32, #tpu.memory_space<vmem>>
          tpu.enqueue_dma source(%dma_start3A_253 : memref<80x128xf32, #tpu.memory_space<vmem>>) target(%dma_start3A_250 : memref<80x128xf32, #tpu.memory_space<hbm>>) target_semaphore(%run_scoped3A : memref<!tpu.dma_semaphore, #tpu.memory_space<semaphore_mem>>)
          %dma_wait3A = arith.constant 0 : i32
          %dma_wait3A_254 = arith.constant 0 : i32
          %dma_wait3A_255 = tpu.memref_slice %arg16[%dma_wait3A, %dma_wait3A_254] : memref<128x128xf32, #tpu.memory_space<vmem>> -> memref<80x128xf32, #tpu.memory_space<vmem>>
          %dma_wait3A_256 = arith.constant 0 : i32
          %dma_wait3A_257 = tpu.memref_slice %arg10[%multiple_of3A, %dma_wait3A_256] : memref<10000x128xf32, #tpu.memory_space<hbm>> -> memref<80x128xf32, #tpu.memory_space<hbm>>
          %dma_wait3A_258 = arith.constant 0 : i32
          %dma_wait3A_259 = tpu.memref_slice %arg10[%multiple_of3A, %dma_wait3A_258] : memref<10000x128xf32, #tpu.memory_space<hbm>> -> memref<80x128xf32, #tpu.memory_space<hbm>>
          %dma_wait3A_260 = arith.constant 0 : i32
          %dma_wait3A_261 = arith.constant 0 : i32
          %dma_wait3A_262 = tpu.memref_slice %arg16[%dma_wait3A_260, %dma_wait3A_261] : memref<128x128xf32, #tpu.memory_space<vmem>> -> memref<80x128xf32, #tpu.memory_space<vmem>>
          tpu.wait_dma2 semaphore(%run_scoped3A : memref<!tpu.dma_semaphore, #tpu.memory_space<semaphore_mem>>) src(%dma_wait3A_262 : memref<80x128xf32, #tpu.memory_space<vmem>>) dst(%dma_wait3A_259 : memref<80x128xf32, #tpu.memory_space<hbm>>)
          tpu.yield
        }) : () -> ()
      } else {
      }
      %eq3A_240 = arith.constant 1 : i32
      %eq3A_241 = arith.cmpi eq, %arg0, %eq3A_240 : i32
      %convert_element_type3A_242 = arith.extui %eq3A_241 : i1 to i32
      %cond3A_243 = arith.constant 0 : i32
      %cond3A_244 = arith.cmpi ne, %convert_element_type3A_242, %cond3A_243 : i32
      scf.if %cond3A_244 {
        "tpu.region"() ({
          %run_scoped3A = tpu.sem_alloc : memref<!tpu.dma_semaphore, #tpu.memory_space<semaphore_mem>>
          %dma_start3A = arith.constant 0 : i32
          %dma_start3A_245 = arith.constant 0 : i32
          %dma_start3A_246 = tpu.memref_slice %arg16[%dma_start3A, %dma_start3A_245] : memref<128x128xf32, #tpu.memory_space<vmem>> -> memref<80x128xf32, #tpu.memory_space<vmem>>
          %dma_start3A_247 = arith.constant 0 : i32
          %dma_start3A_248 = tpu.memref_slice %arg11[%multiple_of3A, %dma_start3A_247] : memref<10000x128xf32, #tpu.memory_space<hbm>> -> memref<80x128xf32, #tpu.memory_space<hbm>>
          %dma_start3A_249 = arith.constant 0 : i32
          %dma_start3A_250 = tpu.memref_slice %arg11[%multiple_of3A, %dma_start3A_249] : memref<10000x128xf32, #tpu.memory_space<hbm>> -> memref<80x128xf32, #tpu.memory_space<hbm>>
          %dma_start3A_251 = arith.constant 0 : i32
          %dma_start3A_252 = arith.constant 0 : i32
          %dma_start3A_253 = tpu.memref_slice %arg16[%dma_start3A_251, %dma_start3A_252] : memref<128x128xf32, #tpu.memory_space<vmem>> -> memref<80x128xf32, #tpu.memory_space<vmem>>
          tpu.enqueue_dma source(%dma_start3A_253 : memref<80x128xf32, #tpu.memory_space<vmem>>) target(%dma_start3A_250 : memref<80x128xf32, #tpu.memory_space<hbm>>) target_semaphore(%run_scoped3A : memref<!tpu.dma_semaphore, #tpu.memory_space<semaphore_mem>>)
          %dma_wait3A = arith.constant 0 : i32
          %dma_wait3A_254 = arith.constant 0 : i32
          %dma_wait3A_255 = tpu.memref_slice %arg16[%dma_wait3A, %dma_wait3A_254] : memref<128x128xf32, #tpu.memory_space<vmem>> -> memref<80x128xf32, #tpu.memory_space<vmem>>
          %dma_wait3A_256 = arith.constant 0 : i32
          %dma_wait3A_257 = tpu.memref_slice %arg11[%multiple_of3A, %dma_wait3A_256] : memref<10000x128xf32, #tpu.memory_space<hbm>> -> memref<80x128xf32, #tpu.memory_space<hbm>>
          %dma_wait3A_258 = arith.constant 0 : i32
          %dma_wait3A_259 = tpu.memref_slice %arg11[%multiple_of3A, %dma_wait3A_258] : memref<10000x128xf32, #tpu.memory_space<hbm>> -> memref<80x128xf32, #tpu.memory_space<hbm>>
          %dma_wait3A_260 = arith.constant 0 : i32
          %dma_wait3A_261 = arith.constant 0 : i32
          %dma_wait3A_262 = tpu.memref_slice %arg16[%dma_wait3A_260, %dma_wait3A_261] : memref<128x128xf32, #tpu.memory_space<vmem>> -> memref<80x128xf32, #tpu.memory_space<vmem>>
          tpu.wait_dma2 semaphore(%run_scoped3A : memref<!tpu.dma_semaphore, #tpu.memory_space<semaphore_mem>>) src(%dma_wait3A_262 : memref<80x128xf32, #tpu.memory_space<vmem>>) dst(%dma_wait3A_259 : memref<80x128xf32, #tpu.memory_space<hbm>>)
          tpu.yield
        }) : () -> ()
      } else {
      }
    } else {
    }
    %add3A_214 = arith.constant 80 : i32
    %add3A_215 = arith.addi %add3A_214, %arg1 : i32
    %lt3A_216 = arith.constant 125 : i32
    %lt3A_217 = arith.cmpi slt, %add3A_215, %lt3A_216 : i32
    %convert_element_type3A_218 = arith.extui %lt3A_217 : i1 to i32
    %cond3A_219 = arith.constant 0 : i32
    %cond3A_220 = arith.cmpi ne, %convert_element_type3A_218, %cond3A_219 : i32
    scf.if %cond3A_220 {
      %mul3A = arith.constant 80 : i32
      %mul3A_235 = arith.muli %add3A_215, %mul3A : i32
      %multiple_of3A = tpu.assume_multiple %mul3A_235, 80 : i32
      "tpu.region"() ({
        %run_scoped3A = tpu.sem_alloc : memref<!tpu.dma_semaphore, #tpu.memory_space<semaphore_mem>>
        %dma_start3A = arith.constant 0 : i32
        %dma_start3A_245 = arith.constant 0 : i32
        %dma_start3A_246 = tpu.memref_slice %arg16[%dma_start3A, %dma_start3A_245] : memref<128x128xf32, #tpu.memory_space<vmem>> -> memref<80x128xf32, #tpu.memory_space<vmem>>
        %dma_start3A_247 = arith.constant 0 : i32
        %dma_start3A_248 = tpu.memref_slice %arg18[%multiple_of3A, %dma_start3A_247] : memref<10000x128xf32, #tpu.memory_space<vmem_shared>> -> memref<80x128xf32, #tpu.memory_space<vmem_shared>>
        %dma_start3A_249 = arith.constant 0 : i32
        %dma_start3A_250 = arith.constant 0 : i32
        %dma_start3A_251 = tpu.memref_slice %arg16[%dma_start3A_249, %dma_start3A_250] : memref<128x128xf32, #tpu.memory_space<vmem>> -> memref<80x128xf32, #tpu.memory_space<vmem>>
        %dma_start3A_252 = arith.constant 0 : i32
        %dma_start3A_253 = tpu.memref_slice %arg18[%multiple_of3A, %dma_start3A_252] : memref<10000x128xf32, #tpu.memory_space<vmem_shared>> -> memref<80x128xf32, #tpu.memory_space<vmem_shared>>
        tpu.enqueue_dma source(%dma_start3A_253 : memref<80x128xf32, #tpu.memory_space<vmem_shared>>) target(%dma_start3A_251 : memref<80x128xf32, #tpu.memory_space<vmem>>) target_semaphore(%run_scoped3A : memref<!tpu.dma_semaphore, #tpu.memory_space<semaphore_mem>>)
        %dma_wait3A = arith.constant 0 : i32
        %dma_wait3A_254 = arith.constant 0 : i32
        %dma_wait3A_255 = tpu.memref_slice %arg16[%dma_wait3A, %dma_wait3A_254] : memref<128x128xf32, #tpu.memory_space<vmem>> -> memref<80x128xf32, #tpu.memory_space<vmem>>
        %dma_wait3A_256 = arith.constant 0 : i32
        %dma_wait3A_257 = tpu.memref_slice %arg18[%multiple_of3A, %dma_wait3A_256] : memref<10000x128xf32, #tpu.memory_space<vmem_shared>> -> memref<80x128xf32, #tpu.memory_space<vmem_shared>>
        %dma_wait3A_258 = arith.constant 0 : i32
        %dma_wait3A_259 = arith.constant 0 : i32
        %dma_wait3A_260 = tpu.memref_slice %arg16[%dma_wait3A_258, %dma_wait3A_259] : memref<128x128xf32, #tpu.memory_space<vmem>> -> memref<80x128xf32, #tpu.memory_space<vmem>>
        %dma_wait3A_261 = arith.constant 0 : i32
        %dma_wait3A_262 = tpu.memref_slice %arg18[%multiple_of3A, %dma_wait3A_261] : memref<10000x128xf32, #tpu.memory_space<vmem_shared>> -> memref<80x128xf32, #tpu.memory_space<vmem_shared>>
        tpu.wait_dma2 semaphore(%run_scoped3A : memref<!tpu.dma_semaphore, #tpu.memory_space<semaphore_mem>>) src(%dma_wait3A_262 : memref<80x128xf32, #tpu.memory_space<vmem_shared>>) dst(%dma_wait3A_260 : memref<80x128xf32, #tpu.memory_space<vmem>>)
        tpu.yield
      }) : () -> ()
      %eq3A = arith.constant 0 : i32
      %eq3A_236 = arith.cmpi eq, %arg0, %eq3A : i32
      %convert_element_type3A_237 = arith.extui %eq3A_236 : i1 to i32
      %cond3A_238 = arith.constant 0 : i32
      %cond3A_239 = arith.cmpi ne, %convert_element_type3A_237, %cond3A_238 : i32
      scf.if %cond3A_239 {
        "tpu.region"() ({
          %run_scoped3A = tpu.sem_alloc : memref<!tpu.dma_semaphore, #tpu.memory_space<semaphore_mem>>
          %dma_start3A = arith.constant 0 : i32
          %dma_start3A_245 = arith.constant 0 : i32
          %dma_start3A_246 = tpu.memref_slice %arg16[%dma_start3A, %dma_start3A_245] : memref<128x128xf32, #tpu.memory_space<vmem>> -> memref<80x128xf32, #tpu.memory_space<vmem>>
          %dma_start3A_247 = arith.constant 0 : i32
          %dma_start3A_248 = tpu.memref_slice %arg10[%multiple_of3A, %dma_start3A_247] : memref<10000x128xf32, #tpu.memory_space<hbm>> -> memref<80x128xf32, #tpu.memory_space<hbm>>
          %dma_start3A_249 = arith.constant 0 : i32
          %dma_start3A_250 = tpu.memref_slice %arg10[%multiple_of3A, %dma_start3A_249] : memref<10000x128xf32, #tpu.memory_space<hbm>> -> memref<80x128xf32, #tpu.memory_space<hbm>>
          %dma_start3A_251 = arith.constant 0 : i32
          %dma_start3A_252 = arith.constant 0 : i32
          %dma_start3A_253 = tpu.memref_slice %arg16[%dma_start3A_251, %dma_start3A_252] : memref<128x128xf32, #tpu.memory_space<vmem>> -> memref<80x128xf32, #tpu.memory_space<vmem>>
          tpu.enqueue_dma source(%dma_start3A_253 : memref<80x128xf32, #tpu.memory_space<vmem>>) target(%dma_start3A_250 : memref<80x128xf32, #tpu.memory_space<hbm>>) target_semaphore(%run_scoped3A : memref<!tpu.dma_semaphore, #tpu.memory_space<semaphore_mem>>)
          %dma_wait3A = arith.constant 0 : i32
          %dma_wait3A_254 = arith.constant 0 : i32
          %dma_wait3A_255 = tpu.memref_slice %arg16[%dma_wait3A, %dma_wait3A_254] : memref<128x128xf32, #tpu.memory_space<vmem>> -> memref<80x128xf32, #tpu.memory_space<vmem>>
          %dma_wait3A_256 = arith.constant 0 : i32
          %dma_wait3A_257 = tpu.memref_slice %arg10[%multiple_of3A, %dma_wait3A_256] : memref<10000x128xf32, #tpu.memory_space<hbm>> -> memref<80x128xf32, #tpu.memory_space<hbm>>
          %dma_wait3A_258 = arith.constant 0 : i32
          %dma_wait3A_259 = tpu.memref_slice %arg10[%multiple_of3A, %dma_wait3A_258] : memref<10000x128xf32, #tpu.memory_space<hbm>> -> memref<80x128xf32, #tpu.memory_space<hbm>>
          %dma_wait3A_260 = arith.constant 0 : i32
          %dma_wait3A_261 = arith.constant 0 : i32
          %dma_wait3A_262 = tpu.memref_slice %arg16[%dma_wait3A_260, %dma_wait3A_261] : memref<128x128xf32, #tpu.memory_space<vmem>> -> memref<80x128xf32, #tpu.memory_space<vmem>>
          tpu.wait_dma2 semaphore(%run_scoped3A : memref<!tpu.dma_semaphore, #tpu.memory_space<semaphore_mem>>) src(%dma_wait3A_262 : memref<80x128xf32, #tpu.memory_space<vmem>>) dst(%dma_wait3A_259 : memref<80x128xf32, #tpu.memory_space<hbm>>)
          tpu.yield
        }) : () -> ()
      } else {
      }
      %eq3A_240 = arith.constant 1 : i32
      %eq3A_241 = arith.cmpi eq, %arg0, %eq3A_240 : i32
      %convert_element_type3A_242 = arith.extui %eq3A_241 : i1 to i32
      %cond3A_243 = arith.constant 0 : i32
      %cond3A_244 = arith.cmpi ne, %convert_element_type3A_242, %cond3A_243 : i32
      scf.if %cond3A_244 {
        "tpu.region"() ({
          %run_scoped3A = tpu.sem_alloc : memref<!tpu.dma_semaphore, #tpu.memory_space<semaphore_mem>>
          %dma_start3A = arith.constant 0 : i32
          %dma_start3A_245 = arith.constant 0 : i32
          %dma_start3A_246 = tpu.memref_slice %arg16[%dma_start3A, %dma_start3A_245] : memref<128x128xf32, #tpu.memory_space<vmem>> -> memref<80x128xf32, #tpu.memory_space<vmem>>
          %dma_start3A_247 = arith.constant 0 : i32
          %dma_start3A_248 = tpu.memref_slice %arg11[%multiple_of3A, %dma_start3A_247] : memref<10000x128xf32, #tpu.memory_space<hbm>> -> memref<80x128xf32, #tpu.memory_space<hbm>>
          %dma_start3A_249 = arith.constant 0 : i32
          %dma_start3A_250 = tpu.memref_slice %arg11[%multiple_of3A, %dma_start3A_249] : memref<10000x128xf32, #tpu.memory_space<hbm>> -> memref<80x128xf32, #tpu.memory_space<hbm>>
          %dma_start3A_251 = arith.constant 0 : i32
          %dma_start3A_252 = arith.constant 0 : i32
          %dma_start3A_253 = tpu.memref_slice %arg16[%dma_start3A_251, %dma_start3A_252] : memref<128x128xf32, #tpu.memory_space<vmem>> -> memref<80x128xf32, #tpu.memory_space<vmem>>
          tpu.enqueue_dma source(%dma_start3A_253 : memref<80x128xf32, #tpu.memory_space<vmem>>) target(%dma_start3A_250 : memref<80x128xf32, #tpu.memory_space<hbm>>) target_semaphore(%run_scoped3A : memref<!tpu.dma_semaphore, #tpu.memory_space<semaphore_mem>>)
          %dma_wait3A = arith.constant 0 : i32
          %dma_wait3A_254 = arith.constant 0 : i32
          %dma_wait3A_255 = tpu.memref_slice %arg16[%dma_wait3A, %dma_wait3A_254] : memref<128x128xf32, #tpu.memory_space<vmem>> -> memref<80x128xf32, #tpu.memory_space<vmem>>
          %dma_wait3A_256 = arith.constant 0 : i32
          %dma_wait3A_257 = tpu.memref_slice %arg11[%multiple_of3A, %dma_wait3A_256] : memref<10000x128xf32, #tpu.memory_space<hbm>> -> memref<80x128xf32, #tpu.memory_space<hbm>>
          %dma_wait3A_258 = arith.constant 0 : i32
          %dma_wait3A_259 = tpu.memref_slice %arg11[%multiple_of3A, %dma_wait3A_258] : memref<10000x128xf32, #tpu.memory_space<hbm>> -> memref<80x128xf32, #tpu.memory_space<hbm>>
          %dma_wait3A_260 = arith.constant 0 : i32
          %dma_wait3A_261 = arith.constant 0 : i32
          %dma_wait3A_262 = tpu.memref_slice %arg16[%dma_wait3A_260, %dma_wait3A_261] : memref<128x128xf32, #tpu.memory_space<vmem>> -> memref<80x128xf32, #tpu.memory_space<vmem>>
          tpu.wait_dma2 semaphore(%run_scoped3A : memref<!tpu.dma_semaphore, #tpu.memory_space<semaphore_mem>>) src(%dma_wait3A_262 : memref<80x128xf32, #tpu.memory_space<vmem>>) dst(%dma_wait3A_259 : memref<80x128xf32, #tpu.memory_space<hbm>>)
          tpu.yield
        }) : () -> ()
      } else {
      }
    } else {
    }
    %add3A_221 = arith.constant 96 : i32
    %add3A_222 = arith.addi %add3A_221, %arg1 : i32
    %lt3A_223 = arith.constant 125 : i32
    %lt3A_224 = arith.cmpi slt, %add3A_222, %lt3A_223 : i32
    %convert_element_type3A_225 = arith.extui %lt3A_224 : i1 to i32
    %cond3A_226 = arith.constant 0 : i32
    %cond3A_227 = arith.cmpi ne, %convert_element_type3A_225, %cond3A_226 : i32
    scf.if %cond3A_227 {
      %mul3A = arith.constant 80 : i32
      %mul3A_235 = arith.muli %add3A_222, %mul3A : i32
      %multiple_of3A = tpu.assume_multiple %mul3A_235, 80 : i32
      "tpu.region"() ({
        %run_scoped3A = tpu.sem_alloc : memref<!tpu.dma_semaphore, #tpu.memory_space<semaphore_mem>>
        %dma_start3A = arith.constant 0 : i32
        %dma_start3A_245 = arith.constant 0 : i32
        %dma_start3A_246 = tpu.memref_slice %arg16[%dma_start3A, %dma_start3A_245] : memref<128x128xf32, #tpu.memory_space<vmem>> -> memref<80x128xf32, #tpu.memory_space<vmem>>
        %dma_start3A_247 = arith.constant 0 : i32
        %dma_start3A_248 = tpu.memref_slice %arg18[%multiple_of3A, %dma_start3A_247] : memref<10000x128xf32, #tpu.memory_space<vmem_shared>> -> memref<80x128xf32, #tpu.memory_space<vmem_shared>>
        %dma_start3A_249 = arith.constant 0 : i32
        %dma_start3A_250 = arith.constant 0 : i32
        %dma_start3A_251 = tpu.memref_slice %arg16[%dma_start3A_249, %dma_start3A_250] : memref<128x128xf32, #tpu.memory_space<vmem>> -> memref<80x128xf32, #tpu.memory_space<vmem>>
        %dma_start3A_252 = arith.constant 0 : i32
        %dma_start3A_253 = tpu.memref_slice %arg18[%multiple_of3A, %dma_start3A_252] : memref<10000x128xf32, #tpu.memory_space<vmem_shared>> -> memref<80x128xf32, #tpu.memory_space<vmem_shared>>
        tpu.enqueue_dma source(%dma_start3A_253 : memref<80x128xf32, #tpu.memory_space<vmem_shared>>) target(%dma_start3A_251 : memref<80x128xf32, #tpu.memory_space<vmem>>) target_semaphore(%run_scoped3A : memref<!tpu.dma_semaphore, #tpu.memory_space<semaphore_mem>>)
        %dma_wait3A = arith.constant 0 : i32
        %dma_wait3A_254 = arith.constant 0 : i32
        %dma_wait3A_255 = tpu.memref_slice %arg16[%dma_wait3A, %dma_wait3A_254] : memref<128x128xf32, #tpu.memory_space<vmem>> -> memref<80x128xf32, #tpu.memory_space<vmem>>
        %dma_wait3A_256 = arith.constant 0 : i32
        %dma_wait3A_257 = tpu.memref_slice %arg18[%multiple_of3A, %dma_wait3A_256] : memref<10000x128xf32, #tpu.memory_space<vmem_shared>> -> memref<80x128xf32, #tpu.memory_space<vmem_shared>>
        %dma_wait3A_258 = arith.constant 0 : i32
        %dma_wait3A_259 = arith.constant 0 : i32
        %dma_wait3A_260 = tpu.memref_slice %arg16[%dma_wait3A_258, %dma_wait3A_259] : memref<128x128xf32, #tpu.memory_space<vmem>> -> memref<80x128xf32, #tpu.memory_space<vmem>>
        %dma_wait3A_261 = arith.constant 0 : i32
        %dma_wait3A_262 = tpu.memref_slice %arg18[%multiple_of3A, %dma_wait3A_261] : memref<10000x128xf32, #tpu.memory_space<vmem_shared>> -> memref<80x128xf32, #tpu.memory_space<vmem_shared>>
        tpu.wait_dma2 semaphore(%run_scoped3A : memref<!tpu.dma_semaphore, #tpu.memory_space<semaphore_mem>>) src(%dma_wait3A_262 : memref<80x128xf32, #tpu.memory_space<vmem_shared>>) dst(%dma_wait3A_260 : memref<80x128xf32, #tpu.memory_space<vmem>>)
        tpu.yield
      }) : () -> ()
      %eq3A = arith.constant 0 : i32
      %eq3A_236 = arith.cmpi eq, %arg0, %eq3A : i32
      %convert_element_type3A_237 = arith.extui %eq3A_236 : i1 to i32
      %cond3A_238 = arith.constant 0 : i32
      %cond3A_239 = arith.cmpi ne, %convert_element_type3A_237, %cond3A_238 : i32
      scf.if %cond3A_239 {
        "tpu.region"() ({
          %run_scoped3A = tpu.sem_alloc : memref<!tpu.dma_semaphore, #tpu.memory_space<semaphore_mem>>
          %dma_start3A = arith.constant 0 : i32
          %dma_start3A_245 = arith.constant 0 : i32
          %dma_start3A_246 = tpu.memref_slice %arg16[%dma_start3A, %dma_start3A_245] : memref<128x128xf32, #tpu.memory_space<vmem>> -> memref<80x128xf32, #tpu.memory_space<vmem>>
          %dma_start3A_247 = arith.constant 0 : i32
          %dma_start3A_248 = tpu.memref_slice %arg10[%multiple_of3A, %dma_start3A_247] : memref<10000x128xf32, #tpu.memory_space<hbm>> -> memref<80x128xf32, #tpu.memory_space<hbm>>
          %dma_start3A_249 = arith.constant 0 : i32
          %dma_start3A_250 = tpu.memref_slice %arg10[%multiple_of3A, %dma_start3A_249] : memref<10000x128xf32, #tpu.memory_space<hbm>> -> memref<80x128xf32, #tpu.memory_space<hbm>>
          %dma_start3A_251 = arith.constant 0 : i32
          %dma_start3A_252 = arith.constant 0 : i32
          %dma_start3A_253 = tpu.memref_slice %arg16[%dma_start3A_251, %dma_start3A_252] : memref<128x128xf32, #tpu.memory_space<vmem>> -> memref<80x128xf32, #tpu.memory_space<vmem>>
          tpu.enqueue_dma source(%dma_start3A_253 : memref<80x128xf32, #tpu.memory_space<vmem>>) target(%dma_start3A_250 : memref<80x128xf32, #tpu.memory_space<hbm>>) target_semaphore(%run_scoped3A : memref<!tpu.dma_semaphore, #tpu.memory_space<semaphore_mem>>)
          %dma_wait3A = arith.constant 0 : i32
          %dma_wait3A_254 = arith.constant 0 : i32
          %dma_wait3A_255 = tpu.memref_slice %arg16[%dma_wait3A, %dma_wait3A_254] : memref<128x128xf32, #tpu.memory_space<vmem>> -> memref<80x128xf32, #tpu.memory_space<vmem>>
          %dma_wait3A_256 = arith.constant 0 : i32
          %dma_wait3A_257 = tpu.memref_slice %arg10[%multiple_of3A, %dma_wait3A_256] : memref<10000x128xf32, #tpu.memory_space<hbm>> -> memref<80x128xf32, #tpu.memory_space<hbm>>
          %dma_wait3A_258 = arith.constant 0 : i32
          %dma_wait3A_259 = tpu.memref_slice %arg10[%multiple_of3A, %dma_wait3A_258] : memref<10000x128xf32, #tpu.memory_space<hbm>> -> memref<80x128xf32, #tpu.memory_space<hbm>>
          %dma_wait3A_260 = arith.constant 0 : i32
          %dma_wait3A_261 = arith.constant 0 : i32
          %dma_wait3A_262 = tpu.memref_slice %arg16[%dma_wait3A_260, %dma_wait3A_261] : memref<128x128xf32, #tpu.memory_space<vmem>> -> memref<80x128xf32, #tpu.memory_space<vmem>>
          tpu.wait_dma2 semaphore(%run_scoped3A : memref<!tpu.dma_semaphore, #tpu.memory_space<semaphore_mem>>) src(%dma_wait3A_262 : memref<80x128xf32, #tpu.memory_space<vmem>>) dst(%dma_wait3A_259 : memref<80x128xf32, #tpu.memory_space<hbm>>)
          tpu.yield
        }) : () -> ()
      } else {
      }
      %eq3A_240 = arith.constant 1 : i32
      %eq3A_241 = arith.cmpi eq, %arg0, %eq3A_240 : i32
      %convert_element_type3A_242 = arith.extui %eq3A_241 : i1 to i32
      %cond3A_243 = arith.constant 0 : i32
      %cond3A_244 = arith.cmpi ne, %convert_element_type3A_242, %cond3A_243 : i32
      scf.if %cond3A_244 {
        "tpu.region"() ({
          %run_scoped3A = tpu.sem_alloc : memref<!tpu.dma_semaphore, #tpu.memory_space<semaphore_mem>>
          %dma_start3A = arith.constant 0 : i32
          %dma_start3A_245 = arith.constant 0 : i32
          %dma_start3A_246 = tpu.memref_slice %arg16[%dma_start3A, %dma_start3A_245] : memref<128x128xf32, #tpu.memory_space<vmem>> -> memref<80x128xf32, #tpu.memory_space<vmem>>
          %dma_start3A_247 = arith.constant 0 : i32
          %dma_start3A_248 = tpu.memref_slice %arg11[%multiple_of3A, %dma_start3A_247] : memref<10000x128xf32, #tpu.memory_space<hbm>> -> memref<80x128xf32, #tpu.memory_space<hbm>>
          %dma_start3A_249 = arith.constant 0 : i32
          %dma_start3A_250 = tpu.memref_slice %arg11[%multiple_of3A, %dma_start3A_249] : memref<10000x128xf32, #tpu.memory_space<hbm>> -> memref<80x128xf32, #tpu.memory_space<hbm>>
          %dma_start3A_251 = arith.constant 0 : i32
          %dma_start3A_252 = arith.constant 0 : i32
          %dma_start3A_253 = tpu.memref_slice %arg16[%dma_start3A_251, %dma_start3A_252] : memref<128x128xf32, #tpu.memory_space<vmem>> -> memref<80x128xf32, #tpu.memory_space<vmem>>
          tpu.enqueue_dma source(%dma_start3A_253 : memref<80x128xf32, #tpu.memory_space<vmem>>) target(%dma_start3A_250 : memref<80x128xf32, #tpu.memory_space<hbm>>) target_semaphore(%run_scoped3A : memref<!tpu.dma_semaphore, #tpu.memory_space<semaphore_mem>>)
          %dma_wait3A = arith.constant 0 : i32
          %dma_wait3A_254 = arith.constant 0 : i32
          %dma_wait3A_255 = tpu.memref_slice %arg16[%dma_wait3A, %dma_wait3A_254] : memref<128x128xf32, #tpu.memory_space<vmem>> -> memref<80x128xf32, #tpu.memory_space<vmem>>
          %dma_wait3A_256 = arith.constant 0 : i32
          %dma_wait3A_257 = tpu.memref_slice %arg11[%multiple_of3A, %dma_wait3A_256] : memref<10000x128xf32, #tpu.memory_space<hbm>> -> memref<80x128xf32, #tpu.memory_space<hbm>>
          %dma_wait3A_258 = arith.constant 0 : i32
          %dma_wait3A_259 = tpu.memref_slice %arg11[%multiple_of3A, %dma_wait3A_258] : memref<10000x128xf32, #tpu.memory_space<hbm>> -> memref<80x128xf32, #tpu.memory_space<hbm>>
          %dma_wait3A_260 = arith.constant 0 : i32
          %dma_wait3A_261 = arith.constant 0 : i32
          %dma_wait3A_262 = tpu.memref_slice %arg16[%dma_wait3A_260, %dma_wait3A_261] : memref<128x128xf32, #tpu.memory_space<vmem>> -> memref<80x128xf32, #tpu.memory_space<vmem>>
          tpu.wait_dma2 semaphore(%run_scoped3A : memref<!tpu.dma_semaphore, #tpu.memory_space<semaphore_mem>>) src(%dma_wait3A_262 : memref<80x128xf32, #tpu.memory_space<vmem>>) dst(%dma_wait3A_259 : memref<80x128xf32, #tpu.memory_space<hbm>>)
          tpu.yield
        }) : () -> ()
      } else {
      }
    } else {
    }
    %add3A_228 = arith.constant 112 : i32
    %add3A_229 = arith.addi %add3A_228, %arg1 : i32
    %lt3A_230 = arith.constant 125 : i32
    %lt3A_231 = arith.cmpi slt, %add3A_229, %lt3A_230 : i32
    %convert_element_type3A_232 = arith.extui %lt3A_231 : i1 to i32
    %cond3A_233 = arith.constant 0 : i32
    %cond3A_234 = arith.cmpi ne, %convert_element_type3A_232, %cond3A_233 : i32
    scf.if %cond3A_234 {
      %mul3A = arith.constant 80 : i32
      %mul3A_235 = arith.muli %add3A_229, %mul3A : i32
      %multiple_of3A = tpu.assume_multiple %mul3A_235, 80 : i32
      "tpu.region"() ({
        %run_scoped3A = tpu.sem_alloc : memref<!tpu.dma_semaphore, #tpu.memory_space<semaphore_mem>>
        %dma_start3A = arith.constant 0 : i32
        %dma_start3A_245 = arith.constant 0 : i32
        %dma_start3A_246 = tpu.memref_slice %arg16[%dma_start3A, %dma_start3A_245] : memref<128x128xf32, #tpu.memory_space<vmem>> -> memref<80x128xf32, #tpu.memory_space<vmem>>
        %dma_start3A_247 = arith.constant 0 : i32
        %dma_start3A_248 = tpu.memref_slice %arg18[%multiple_of3A, %dma_start3A_247] : memref<10000x128xf32, #tpu.memory_space<vmem_shared>> -> memref<80x128xf32, #tpu.memory_space<vmem_shared>>
        %dma_start3A_249 = arith.constant 0 : i32
        %dma_start3A_250 = arith.constant 0 : i32
        %dma_start3A_251 = tpu.memref_slice %arg16[%dma_start3A_249, %dma_start3A_250] : memref<128x128xf32, #tpu.memory_space<vmem>> -> memref<80x128xf32, #tpu.memory_space<vmem>>
        %dma_start3A_252 = arith.constant 0 : i32
        %dma_start3A_253 = tpu.memref_slice %arg18[%multiple_of3A, %dma_start3A_252] : memref<10000x128xf32, #tpu.memory_space<vmem_shared>> -> memref<80x128xf32, #tpu.memory_space<vmem_shared>>
        tpu.enqueue_dma source(%dma_start3A_253 : memref<80x128xf32, #tpu.memory_space<vmem_shared>>) target(%dma_start3A_251 : memref<80x128xf32, #tpu.memory_space<vmem>>) target_semaphore(%run_scoped3A : memref<!tpu.dma_semaphore, #tpu.memory_space<semaphore_mem>>)
        %dma_wait3A = arith.constant 0 : i32
        %dma_wait3A_254 = arith.constant 0 : i32
        %dma_wait3A_255 = tpu.memref_slice %arg16[%dma_wait3A, %dma_wait3A_254] : memref<128x128xf32, #tpu.memory_space<vmem>> -> memref<80x128xf32, #tpu.memory_space<vmem>>
        %dma_wait3A_256 = arith.constant 0 : i32
        %dma_wait3A_257 = tpu.memref_slice %arg18[%multiple_of3A, %dma_wait3A_256] : memref<10000x128xf32, #tpu.memory_space<vmem_shared>> -> memref<80x128xf32, #tpu.memory_space<vmem_shared>>
        %dma_wait3A_258 = arith.constant 0 : i32
        %dma_wait3A_259 = arith.constant 0 : i32
        %dma_wait3A_260 = tpu.memref_slice %arg16[%dma_wait3A_258, %dma_wait3A_259] : memref<128x128xf32, #tpu.memory_space<vmem>> -> memref<80x128xf32, #tpu.memory_space<vmem>>
        %dma_wait3A_261 = arith.constant 0 : i32
        %dma_wait3A_262 = tpu.memref_slice %arg18[%multiple_of3A, %dma_wait3A_261] : memref<10000x128xf32, #tpu.memory_space<vmem_shared>> -> memref<80x128xf32, #tpu.memory_space<vmem_shared>>
        tpu.wait_dma2 semaphore(%run_scoped3A : memref<!tpu.dma_semaphore, #tpu.memory_space<semaphore_mem>>) src(%dma_wait3A_262 : memref<80x128xf32, #tpu.memory_space<vmem_shared>>) dst(%dma_wait3A_260 : memref<80x128xf32, #tpu.memory_space<vmem>>)
        tpu.yield
      }) : () -> ()
      %eq3A = arith.constant 0 : i32
      %eq3A_236 = arith.cmpi eq, %arg0, %eq3A : i32
      %convert_element_type3A_237 = arith.extui %eq3A_236 : i1 to i32
      %cond3A_238 = arith.constant 0 : i32
      %cond3A_239 = arith.cmpi ne, %convert_element_type3A_237, %cond3A_238 : i32
      scf.if %cond3A_239 {
        "tpu.region"() ({
          %run_scoped3A = tpu.sem_alloc : memref<!tpu.dma_semaphore, #tpu.memory_space<semaphore_mem>>
          %dma_start3A = arith.constant 0 : i32
          %dma_start3A_245 = arith.constant 0 : i32
          %dma_start3A_246 = tpu.memref_slice %arg16[%dma_start3A, %dma_start3A_245] : memref<128x128xf32, #tpu.memory_space<vmem>> -> memref<80x128xf32, #tpu.memory_space<vmem>>
          %dma_start3A_247 = arith.constant 0 : i32
          %dma_start3A_248 = tpu.memref_slice %arg10[%multiple_of3A, %dma_start3A_247] : memref<10000x128xf32, #tpu.memory_space<hbm>> -> memref<80x128xf32, #tpu.memory_space<hbm>>
          %dma_start3A_249 = arith.constant 0 : i32
          %dma_start3A_250 = tpu.memref_slice %arg10[%multiple_of3A, %dma_start3A_249] : memref<10000x128xf32, #tpu.memory_space<hbm>> -> memref<80x128xf32, #tpu.memory_space<hbm>>
          %dma_start3A_251 = arith.constant 0 : i32
          %dma_start3A_252 = arith.constant 0 : i32
          %dma_start3A_253 = tpu.memref_slice %arg16[%dma_start3A_251, %dma_start3A_252] : memref<128x128xf32, #tpu.memory_space<vmem>> -> memref<80x128xf32, #tpu.memory_space<vmem>>
          tpu.enqueue_dma source(%dma_start3A_253 : memref<80x128xf32, #tpu.memory_space<vmem>>) target(%dma_start3A_250 : memref<80x128xf32, #tpu.memory_space<hbm>>) target_semaphore(%run_scoped3A : memref<!tpu.dma_semaphore, #tpu.memory_space<semaphore_mem>>)
          %dma_wait3A = arith.constant 0 : i32
          %dma_wait3A_254 = arith.constant 0 : i32
          %dma_wait3A_255 = tpu.memref_slice %arg16[%dma_wait3A, %dma_wait3A_254] : memref<128x128xf32, #tpu.memory_space<vmem>> -> memref<80x128xf32, #tpu.memory_space<vmem>>
          %dma_wait3A_256 = arith.constant 0 : i32
          %dma_wait3A_257 = tpu.memref_slice %arg10[%multiple_of3A, %dma_wait3A_256] : memref<10000x128xf32, #tpu.memory_space<hbm>> -> memref<80x128xf32, #tpu.memory_space<hbm>>
          %dma_wait3A_258 = arith.constant 0 : i32
          %dma_wait3A_259 = tpu.memref_slice %arg10[%multiple_of3A, %dma_wait3A_258] : memref<10000x128xf32, #tpu.memory_space<hbm>> -> memref<80x128xf32, #tpu.memory_space<hbm>>
          %dma_wait3A_260 = arith.constant 0 : i32
          %dma_wait3A_261 = arith.constant 0 : i32
          %dma_wait3A_262 = tpu.memref_slice %arg16[%dma_wait3A_260, %dma_wait3A_261] : memref<128x128xf32, #tpu.memory_space<vmem>> -> memref<80x128xf32, #tpu.memory_space<vmem>>
          tpu.wait_dma2 semaphore(%run_scoped3A : memref<!tpu.dma_semaphore, #tpu.memory_space<semaphore_mem>>) src(%dma_wait3A_262 : memref<80x128xf32, #tpu.memory_space<vmem>>) dst(%dma_wait3A_259 : memref<80x128xf32, #tpu.memory_space<hbm>>)
          tpu.yield
        }) : () -> ()
      } else {
      }
      %eq3A_240 = arith.constant 1 : i32
      %eq3A_241 = arith.cmpi eq, %arg0, %eq3A_240 : i32
      %convert_element_type3A_242 = arith.extui %eq3A_241 : i1 to i32
      %cond3A_243 = arith.constant 0 : i32
      %cond3A_244 = arith.cmpi ne, %convert_element_type3A_242, %cond3A_243 : i32
      scf.if %cond3A_244 {
        "tpu.region"() ({
          %run_scoped3A = tpu.sem_alloc : memref<!tpu.dma_semaphore, #tpu.memory_space<semaphore_mem>>
          %dma_start3A = arith.constant 0 : i32
          %dma_start3A_245 = arith.constant 0 : i32
          %dma_start3A_246 = tpu.memref_slice %arg16[%dma_start3A, %dma_start3A_245] : memref<128x128xf32, #tpu.memory_space<vmem>> -> memref<80x128xf32, #tpu.memory_space<vmem>>
          %dma_start3A_247 = arith.constant 0 : i32
          %dma_start3A_248 = tpu.memref_slice %arg11[%multiple_of3A, %dma_start3A_247] : memref<10000x128xf32, #tpu.memory_space<hbm>> -> memref<80x128xf32, #tpu.memory_space<hbm>>
          %dma_start3A_249 = arith.constant 0 : i32
          %dma_start3A_250 = tpu.memref_slice %arg11[%multiple_of3A, %dma_start3A_249] : memref<10000x128xf32, #tpu.memory_space<hbm>> -> memref<80x128xf32, #tpu.memory_space<hbm>>
          %dma_start3A_251 = arith.constant 0 : i32
          %dma_start3A_252 = arith.constant 0 : i32
          %dma_start3A_253 = tpu.memref_slice %arg16[%dma_start3A_251, %dma_start3A_252] : memref<128x128xf32, #tpu.memory_space<vmem>> -> memref<80x128xf32, #tpu.memory_space<vmem>>
          tpu.enqueue_dma source(%dma_start3A_253 : memref<80x128xf32, #tpu.memory_space<vmem>>) target(%dma_start3A_250 : memref<80x128xf32, #tpu.memory_space<hbm>>) target_semaphore(%run_scoped3A : memref<!tpu.dma_semaphore, #tpu.memory_space<semaphore_mem>>)
          %dma_wait3A = arith.constant 0 : i32
          %dma_wait3A_254 = arith.constant 0 : i32
          %dma_wait3A_255 = tpu.memref_slice %arg16[%dma_wait3A, %dma_wait3A_254] : memref<128x128xf32, #tpu.memory_space<vmem>> -> memref<80x128xf32, #tpu.memory_space<vmem>>
          %dma_wait3A_256 = arith.constant 0 : i32
          %dma_wait3A_257 = tpu.memref_slice %arg11[%multiple_of3A, %dma_wait3A_256] : memref<10000x128xf32, #tpu.memory_space<hbm>> -> memref<80x128xf32, #tpu.memory_space<hbm>>
          %dma_wait3A_258 = arith.constant 0 : i32
          %dma_wait3A_259 = tpu.memref_slice %arg11[%multiple_of3A, %dma_wait3A_258] : memref<10000x128xf32, #tpu.memory_space<hbm>> -> memref<80x128xf32, #tpu.memory_space<hbm>>
          %dma_wait3A_260 = arith.constant 0 : i32
          %dma_wait3A_261 = arith.constant 0 : i32
          %dma_wait3A_262 = tpu.memref_slice %arg16[%dma_wait3A_260, %dma_wait3A_261] : memref<128x128xf32, #tpu.memory_space<vmem>> -> memref<80x128xf32, #tpu.memory_space<vmem>>
          tpu.wait_dma2 semaphore(%run_scoped3A : memref<!tpu.dma_semaphore, #tpu.memory_space<semaphore_mem>>) src(%dma_wait3A_262 : memref<80x128xf32, #tpu.memory_space<vmem>>) dst(%dma_wait3A_259 : memref<80x128xf32, #tpu.memory_space<hbm>>)
          tpu.yield
        }) : () -> ()
      } else {
      }
    } else {
    }
    return
  }
}

module attributes {stable_mosaic.version = 14 : i64} {
  func.func @body(%arg0: i32, %arg1: memref<1000x128xf32, #tpu.memory_space<vmem>>, %arg2: memref<1000x128xf32, #tpu.memory_space<vmem>>, %arg3: memref<1000x128xf32, #tpu.memory_space<vmem>>, %arg4: memref<1000x128xf32, #tpu.memory_space<vmem>>, %arg5: memref<1000x256xf32, #tpu.memory_space<vmem>>, %arg6: memref<256x256xf32, #tpu.memory_space<vmem>>, %arg7: memref<1x256xf32, #tpu.memory_space<vmem>>, %arg8: memref<256x256xf32, #tpu.memory_space<vmem>>, %arg9: memref<1x256xf32, #tpu.memory_space<vmem>>, %arg10: memref<1x256xf32, #tpu.memory_space<vmem>>, %arg11: memref<1000x256xf32, #tpu.memory_space<vmem>>) attributes {dimension_semantics = [#tpu.dimension_semantics<arbitrary>], iteration_bounds = array<i64: 10>, scalar_prefetch = 0 : i64, scratch_operands = 0 : i64, tpu.core_type = #tpu.core_type<tc>, window_params = [{transform_indices = @transform_0, window_bounds = array<i64: 1000, 128>}, {transform_indices = @transform_1, window_bounds = array<i64: 1000, 128>}, {transform_indices = @transform_2, window_bounds = array<i64: 1000, 128>}, {transform_indices = @transform_3, window_bounds = array<i64: 1000, 128>}, {transform_indices = @transform_4, window_bounds = array<i64: 1000, 256>}, {pipeline_mode = #tpu.pipeline_mode<synchronous>, transform_indices = @transform_5, window_bounds = array<i64: 256, 256>}, {pipeline_mode = #tpu.pipeline_mode<synchronous>, transform_indices = @transform_6, window_bounds = array<i64: 1, 256>}, {pipeline_mode = #tpu.pipeline_mode<synchronous>, transform_indices = @transform_7, window_bounds = array<i64: 256, 256>}, {pipeline_mode = #tpu.pipeline_mode<synchronous>, transform_indices = @transform_8, window_bounds = array<i64: 1, 256>}, {pipeline_mode = #tpu.pipeline_mode<synchronous>, transform_indices = @transform_9, window_bounds = array<i64: 1, 256>}, {transform_indices = @transform_10, window_bounds = array<i64: 1000, 256>}]} {
    %get3A = arith.constant 0 : index
    %get3A_0 = arith.constant 0 : index
    %get3A_1 = vector.load %arg1[%get3A, %get3A_0] : memref<1000x128xf32, #tpu.memory_space<vmem>>, vector<1000x128xf32>
    %get3A_2 = arith.constant 0 : index
    %get3A_3 = arith.constant 0 : index
    %get3A_4 = vector.load %arg2[%get3A_2, %get3A_3] : memref<1000x128xf32, #tpu.memory_space<vmem>>, vector<1000x128xf32>
    %concatenate3A = tpu.concatenate %get3A_1, %get3A_4 in 1 : vector<1000x128xf32>, vector<1000x128xf32> -> vector<1000x256xf32>
    %get3A_5 = arith.constant 0 : index
    %get3A_6 = arith.constant 0 : index
    %get3A_7 = vector.load %arg3[%get3A_5, %get3A_6] : memref<1000x128xf32, #tpu.memory_space<vmem>>, vector<1000x128xf32>
    %slice3A = vector.extract_strided_slice %get3A_7 {offsets = [0, 0], sizes = [1000, 1], strides = [1, 1]} : vector<1000x128xf32> to vector<1000x1xf32>
    %get3A_8 = arith.constant 0 : index
    %get3A_9 = arith.constant 0 : index
    %get3A_10 = vector.load %arg4[%get3A_8, %get3A_9] : memref<1000x128xf32, #tpu.memory_space<vmem>>, vector<1000x128xf32>
    %slice3A_11 = vector.extract_strided_slice %get3A_10 {offsets = [0, 0], sizes = [1000, 1], strides = [1, 1]} : vector<1000x128xf32> to vector<1000x1xf32>
    %add3A = arith.addf %slice3A, %slice3A_11 : vector<1000x1xf32>
    %max3A = arith.constant 1.000000e+00 : f32
    %max3A_12 = vector.broadcast %max3A : f32 to vector<1000x1xf32>
    %max3A_13 = arith.maximumf %add3A, %max3A_12 : vector<1000x1xf32>
    %div3A = vector.broadcast %max3A_13 : vector<1000x1xf32> to vector<1000x256xf32>
    %div3A_14 = arith.divf %concatenate3A, %div3A : vector<1000x256xf32>
    %get3A_15 = arith.constant 0 : index
    %get3A_16 = arith.constant 0 : index
    %get3A_17 = vector.load %arg6[%get3A_15, %get3A_16] : memref<256x256xf32, #tpu.memory_space<vmem>>, vector<256x256xf32>
    %dot_general3A = arith.constant dense<0.000000e+00> : vector<1000x256xf32>
    %dot_general3A_18 = tpu.matmul %div3A_14, %get3A_17, %dot_general3A {dimension_numbers = #tpu.dot_dimension_numbers<[1], [1], [0], [0], [0, 0, 1, 0], [], []>, transpose_lhs_hint = false} : vector<1000x256xf32>, vector<256x256xf32>, vector<1000x256xf32> -> vector<1000x256xf32>
    %get3A_19 = arith.constant 0 : index
    %get3A_20 = arith.constant 0 : index
    %get3A_21 = vector.load %arg5[%get3A_19, %get3A_20] : memref<1000x256xf32, #tpu.memory_space<vmem>>, vector<1000x256xf32>
    %get3A_22 = arith.constant 0 : index
    %get3A_23 = arith.constant 0 : index
    %get3A_24 = vector.load %arg8[%get3A_22, %get3A_23] : memref<256x256xf32, #tpu.memory_space<vmem>>, vector<256x256xf32>
    %dot_general3A_25 = arith.constant dense<0.000000e+00> : vector<1000x256xf32>
    %dot_general3A_26 = tpu.matmul %get3A_21, %get3A_24, %dot_general3A_25 {dimension_numbers = #tpu.dot_dimension_numbers<[1], [1], [0], [0], [0, 0, 1, 0], [], []>, transpose_lhs_hint = false} : vector<1000x256xf32>, vector<256x256xf32>, vector<1000x256xf32> -> vector<1000x256xf32>
    %add3A_27 = arith.addf %dot_general3A_18, %dot_general3A_26 : vector<1000x256xf32>
    %get3A_28 = arith.constant 0 : index
    %get3A_29 = arith.constant 0 : index
    %get3A_30 = vector.load %arg7[%get3A_28, %get3A_29] : memref<1x256xf32, #tpu.memory_space<vmem>>, vector<1x256xf32>
    %add3A_31 = vector.broadcast %get3A_30 : vector<1x256xf32> to vector<1000x256xf32>
    %add3A_32 = arith.addf %add3A_27, %add3A_31 : vector<1000x256xf32>
    %reduce_sum3A = arith.constant dense<0.000000e+00> : vector<1000xf32>
    %reduce_sum3A_33 = vector.multi_reduction <add>, %add3A_32, %reduce_sum3A [1] : vector<1000x256xf32> to vector<1000xf32>
    %broadcast_in_dim3A = vector.shape_cast %reduce_sum3A_33 : vector<1000xf32> to vector<1000x1xf32>
    %div3A_34 = arith.constant 2.560000e+02 : f32
    %div3A_35 = vector.broadcast %div3A_34 : f32 to vector<1000x1xf32>
    %div3A_36 = arith.divf %broadcast_in_dim3A, %div3A_35 : vector<1000x1xf32>
    %sub3A = vector.broadcast %div3A_36 : vector<1000x1xf32> to vector<1000x256xf32>
    %sub3A_37 = arith.subf %add3A_32, %sub3A : vector<1000x256xf32>
    %mul3A = arith.mulf %sub3A_37, %sub3A_37 : vector<1000x256xf32>
    %reduce_sum3A_38 = arith.constant dense<0.000000e+00> : vector<1000xf32>
    %reduce_sum3A_39 = vector.multi_reduction <add>, %mul3A, %reduce_sum3A_38 [1] : vector<1000x256xf32> to vector<1000xf32>
    %broadcast_in_dim3A_40 = vector.shape_cast %reduce_sum3A_39 : vector<1000xf32> to vector<1000x1xf32>
    %div3A_41 = arith.constant 2.560000e+02 : f32
    %div3A_42 = vector.broadcast %div3A_41 : f32 to vector<1000x1xf32>
    %div3A_43 = arith.divf %broadcast_in_dim3A_40, %div3A_42 : vector<1000x1xf32>
    %add3A_44 = arith.constant 9.99999974E-6 : f32
    %add3A_45 = vector.broadcast %add3A_44 : f32 to vector<1000x1xf32>
    %add3A_46 = arith.addf %div3A_43, %add3A_45 : vector<1000x1xf32>
    %rsqrt3A = math.rsqrt %add3A_46 : vector<1000x1xf32>
    %mul3A_47 = vector.broadcast %rsqrt3A : vector<1000x1xf32> to vector<1000x256xf32>
    %mul3A_48 = arith.mulf %sub3A_37, %mul3A_47 : vector<1000x256xf32>
    %get3A_49 = arith.constant 0 : index
    %get3A_50 = arith.constant 0 : index
    %get3A_51 = vector.load %arg9[%get3A_49, %get3A_50] : memref<1x256xf32, #tpu.memory_space<vmem>>, vector<1x256xf32>
    %mul3A_52 = vector.broadcast %get3A_51 : vector<1x256xf32> to vector<1000x256xf32>
    %mul3A_53 = arith.mulf %mul3A_48, %mul3A_52 : vector<1000x256xf32>
    %get3A_54 = arith.constant 0 : index
    %get3A_55 = arith.constant 0 : index
    %get3A_56 = vector.load %arg10[%get3A_54, %get3A_55] : memref<1x256xf32, #tpu.memory_space<vmem>>, vector<1x256xf32>
    %add3A_57 = vector.broadcast %get3A_56 : vector<1x256xf32> to vector<1000x256xf32>
    %add3A_58 = arith.addf %mul3A_53, %add3A_57 : vector<1000x256xf32>
    %max3A_59 = arith.constant 0.000000e+00 : f32
    %max3A_60 = vector.broadcast %max3A_59 : f32 to vector<1000x256xf32>
    %max3A_61 = arith.maximumf %add3A_58, %max3A_60 : vector<1000x256xf32>
    %swap3A = arith.constant 0 : index
    %swap3A_62 = arith.constant 0 : index
    %swap3A_63 = vector.load %arg11[%swap3A, %swap3A_62] : memref<1000x256xf32, #tpu.memory_space<vmem>>, vector<1000x256xf32>
    tpu.vector_store %arg11[%swap3A, %swap3A_62], %max3A_61 {strides = array<i32>} : memref<1000x256xf32, #tpu.memory_space<vmem>>, vector<1000x256xf32>,
    return
  }
  func.func @transform_0(%arg0: i32) -> (i32, i32) {
    %c0_i32 = arith.constant 0 : i32
    %c0_i32_0 = arith.constant 0 : i32
    return %arg0, %c0_i32 : i32, i32
  }
  func.func @transform_1(%arg0: i32) -> (i32, i32) {
    %c0_i32 = arith.constant 0 : i32
    %c0_i32_0 = arith.constant 0 : i32
    return %arg0, %c0_i32 : i32, i32
  }
  func.func @transform_2(%arg0: i32) -> (i32, i32) {
    %c0_i32 = arith.constant 0 : i32
    %c0_i32_0 = arith.constant 0 : i32
    return %arg0, %c0_i32 : i32, i32
  }
  func.func @transform_3(%arg0: i32) -> (i32, i32) {
    %c0_i32 = arith.constant 0 : i32
    %c0_i32_0 = arith.constant 0 : i32
    return %arg0, %c0_i32 : i32, i32
  }
  func.func @transform_4(%arg0: i32) -> (i32, i32) {
    %c0_i32 = arith.constant 0 : i32
    %c0_i32_0 = arith.constant 0 : i32
    return %arg0, %c0_i32 : i32, i32
  }
  func.func @transform_5(%arg0: i32) -> (i32, i32) {
    %c0_i32 = arith.constant 0 : i32
    %c0_i32_0 = arith.constant 0 : i32
    %c0_i32_1 = arith.constant 0 : i32
    return %c0_i32, %c0_i32_0 : i32, i32
  }
  func.func @transform_6(%arg0: i32) -> (i32, i32) {
    %c0_i32 = arith.constant 0 : i32
    %c0_i32_0 = arith.constant 0 : i32
    %c0_i32_1 = arith.constant 0 : i32
    return %c0_i32, %c0_i32_0 : i32, i32
  }
  func.func @transform_7(%arg0: i32) -> (i32, i32) {
    %c0_i32 = arith.constant 0 : i32
    %c0_i32_0 = arith.constant 0 : i32
    %c0_i32_1 = arith.constant 0 : i32
    return %c0_i32, %c0_i32_0 : i32, i32
  }
  func.func @transform_8(%arg0: i32) -> (i32, i32) {
    %c0_i32 = arith.constant 0 : i32
    %c0_i32_0 = arith.constant 0 : i32
    %c0_i32_1 = arith.constant 0 : i32
    return %c0_i32, %c0_i32_0 : i32, i32
  }
  func.func @transform_9(%arg0: i32) -> (i32, i32) {
    %c0_i32 = arith.constant 0 : i32
    %c0_i32_0 = arith.constant 0 : i32
    %c0_i32_1 = arith.constant 0 : i32
    return %c0_i32, %c0_i32_0 : i32, i32
  }
  func.func @transform_10(%arg0: i32) -> (i32, i32) {
    %c0_i32 = arith.constant 0 : i32
    %c0_i32_0 = arith.constant 0 : i32
    return %arg0, %c0_i32 : i32, i32
  }
}

</mosaic_0001>

<sc_bundles>
// kernel: kernel.4.cloned.1.call-start
scs
__scs_entry_jumppad:
0x0: {  	(pc) =	sbr.rel $0x88, $3  }
0x1: {  	(tag) =	ssettag $0x0;
	lr =	simm.s32 $0x1  }
0x2: {  	[smem:$0x3F9A] =	sst lr;
	_ =	strace $0xD0000000  }
0x3: {  	_ = 	snop  }
0x4: {  	_ = 	snop  }
0x5: {  	_ = 	snop  }
0x6: {  	_ = 	snop  }
0x7: {  	_ = 	snop  }
__scs_overlays_trampoline_lowered:
0x8: {  	[smem:$0x3FA9] =	sst s0  }
0x9: {  	[smem:$0x3FAA] =	sst s1  }
0xa: {  	[smem:$0x3FAB] =	sst s2  }
0xb: {  	[smem:$0x3FAC] =	sst s3  }
0xc: {  	[smem:$0x3FAD] =	sst s4  }
0xd: {  	[smem:$0x3FAE] =	sst s5  }
0xe: {  	[smem:$0x3FAF] =	sst s6  }
0xf: {  	[smem:$0x3FB0] =	sst s7  }
0x10: {  	[smem:$0x3FB1] =	sst s8  }
0x11: {  	[smem:$0x3FB2] =	sst s9;
	s0 =	simm.s32 @!p0 $0x0  }
0x12: {  	s1 =	sld [smem:$0x3F98];
	s0 =	simm.s32 @p0 $0x1  }
0x13: {  	[smem:$0x3FB3] =	sst s0;
	s0 =	simm.s32 @!p1 $0x0  }
0x14: {  	s2 =	sld [smem:$0x3F97];
	s0 =	simm.s32 @p1 $0x1  }
0x15: {  	[smem:$0x3FB4] =	sst s0;
	s0 =	simm.s32 @!p2 $0x0  }
0x16: {  	s3 =	sld [smem:$0x3FDB];
	s0 =	simm.s32 @p2 $0x1  }
0x17: {  	s4 =	simm.s32 $0x1BF5;
	[smem:$0x3FB6] =	sst s0  }
0x18: {  	s0 =	sld [smem:$0x3F99];
	_ =	swait.ge [sflag:s4], $0x0  }
0x19: {  	s7 =	sld [smem:$0x3F9A]  }
0x1a: {  	s8 =	sadd.s32 $0xFFFFE003, lr  }
0x1b: {  	s9 =	sadd.s32 $0xFFFFFEF7, lr;
	s5 =	simm.s32 $0xFFFFFFFF;
	p2 =	slt.u32 s8, $0xFFFFF086  }
0x1c: {  	p1 =	slt.u32 s9, $0xF7A;
	s5 =	simm.s32 @!p2 $0x0  }
0x1d: {  	s5 =	simm.s32 @p1 $0x1;
	p0 =	seq.s32 s7, s2  }
0x1e: {  	s7 =	smul.u32 @!p0 $0xF7A, s2;
	p2 =	seq.s32 @!p0 s5, $0x0  }
0x1f: {  	s9 =	smul.u32 $0xF7A, s1;
	s8 =	simm.s32 @!p0 $0x1BF5;
	p2 =	por !p2, p0  }
0x20: {  	[sflag:s8] =	ssyncset.s32 @!p0 $0xFFFFF086;
	s6 =	sadd.s32 @!p0 s3, s7;
	s7 =	simm.s32 @!p0 $0x108  }
0x21: {  	s3 =	sadd.s32 s3, s9;
	s6 =	sadd.s32 @!p0 $0x88, s6;
	s7 =	simm.s32 @p2 $0x1082  }
0x22: {  	[simem:s7], [sflag:s8] =	dma.local @!p0 [hbm:s6], $0xF7A  }
0x23: {  	s9 =	sor.u32 $0xD0000000, s2;
	s6 =	simm.s32 $0x108;
	_ =	swait.ge @!p0 [sflag:s8], $0x0  }
0x24: {  	s3 =	sadd.s32 $0x88, s3;
	s6 =	simm.s32 @!p1 $0x1082;
	[sflag:s4] =	ssyncset.s32 $0xFFFFF086  }
0x25: {  	[simem:s6], [sflag:s4] =	dma.local [hbm:s3], $0xF7A  }
0x26: {  	[smem:$0x3F9A] =	sst s1;
	(tag) =	ssettag s2;
	_ =	strace s9  }
0x27: {  	s1 =	sld [smem:$0x3FAA]  }
0x28: {  	s2 =	sld [smem:$0x3FAB]  }
0x29: {  	s4 =	sld [smem:$0x3FAD]  }
0x2a: {  	p0 =	seq.s32 s5, $0x0;
	s5 =	sld [smem:$0x3FAE]  }
0x2b: {  	s6 =	sld [smem:$0x3FAF]  }
0x2c: {  	s7 =	sld [smem:$0x3FB0]  }
0x2d: {  	s3 =	simm.s32 $0x108;
	s8 =	sld [smem:$0x3FB1]  }
0x2e: {  	s3 =	simm.s32 @!p0 $0x1082;
	s9 =	sld [smem:$0x3FB2]  }
0x2f: {  	lr =	sadd.s32 s0, s3;
	s0 =	sld [smem:$0x3FA9]  }
0x30: {  	s3 =	sld [smem:$0x3FAC]  }
0x31: {  	[smem:$0x3FB5] =	sst s10  }
0x32: {  	s10 =	sld [smem:$0x3FB3];
	_ =	sdelay $0x3  }
0x33: {  	p0 =	seq.s32 s10, $0x1;
	s10 =	sld [smem:$0x3FB5];
	_ =	sdelay $0x3  }
0x34: {  	[smem:$0x3FB5] =	sst s10  }
0x35: {  	s10 =	sld [smem:$0x3FB4];
	_ =	sdelay $0x3  }
0x36: {  	p1 =	seq.s32 s10, $0x1;
	s10 =	sld [smem:$0x3FB5];
	_ =	sdelay $0x3  }
0x37: {  	[smem:$0x3FB5] =	sst s10  }
0x38: {  	s10 =	sld [smem:$0x3FB6]  }
0x39: {  	_ = 	snop;
	(pc) =	sbr.ind lr, $3  }
0x3a: {  	_ = 	snop  }
0x3b: {  	_ = 	snop  }
0x3c: {  	p2 =	seq.s32 s10, $0x1;
	s10 =	sld [smem:$0x3FB5]  }
0x3d: {  	_ =	shalt  }
0x3e: {  	_ =	shalt  }
0x3f: {  	_ =	shalt  }
0x40: {  	_ =	shalt  }
0x41: {  	_ =	shalt  }
0x42: {  	_ =	shalt  }
0x43: {  	_ =	shalt  }
0x44: {  	_ =	shalt  }
0x45: {  	_ =	shalt  }
0x46: {  	_ =	shalt  }
0x47: {  	_ =	shalt  }
0x48: {  	_ =	shalt  }
0x49: {  	_ =	shalt  }
0x4a: {  	_ =	shalt  }
0x4b: {  	_ =	shalt  }
0x4c: {  	_ =	shalt  }
0x4d: {  	_ =	shalt  }
0x4e: {  	_ =	shalt  }
0x4f: {  	_ =	shalt  }
0x50: {  	_ =	shalt  }
0x51: {  	_ =	shalt  }
0x52: {  	_ =	shalt  }
0x53: {  	_ =	shalt  }
0x54: {  	_ =	shalt  }
0x55: {  	_ =	shalt  }
0x56: {  	_ =	shalt  }
0x57: {  	_ =	shalt  }
0x58: {  	_ =	shalt  }
0x59: {  	_ =	shalt  }
0x5a: {  	_ =	shalt  }
0x5b: {  	_ =	shalt  }
0x5c: {  	_ =	shalt  }
0x5d: {  	_ =	shalt  }
0x5e: {  	_ =	shalt  }
0x5f: {  	_ =	shalt  }
0x60: {  	_ =	shalt  }
0x61: {  	_ =	shalt  }
0x62: {  	_ =	shalt  }
0x63: {  	_ =	shalt  }
0x64: {  	_ =	shalt  }
0x65: {  	_ =	shalt  }
0x66: {  	_ =	shalt  }
0x67: {  	_ =	shalt  }
0x68: {  	_ =	shalt  }
0x69: {  	_ =	shalt  }
0x6a: {  	_ =	shalt  }
0x6b: {  	_ =	shalt  }
0x6c: {  	_ =	shalt  }
0x6d: {  	_ =	shalt  }
0x6e: {  	_ =	shalt  }
0x6f: {  	_ =	shalt  }
0x70: {  	_ =	shalt  }
0x71: {  	_ =	shalt  }
0x72: {  	_ =	shalt  }
0x73: {  	_ =	shalt  }
0x74: {  	_ =	shalt  }
0x75: {  	_ =	shalt  }
0x76: {  	_ =	shalt  }
0x77: {  	_ =	shalt  }
0x78: {  	_ =	shalt  }
0x79: {  	_ =	shalt  }
0x7a: {  	_ =	shalt  }
0x7b: {  	_ =	shalt  }
0x7c: {  	_ =	shalt  }
0x7d: {  	_ =	shalt  }
0x7e: {  	_ =	shalt  }
0x7f: {  	_ =	shalt  }
0x80: {  	_ =	shalt  }
0x81: {  	_ =	shalt  }
0x82: {  	_ =	shalt  }
0x83: {  	_ =	shalt  }
0x84: {  	_ =	shalt  }
0x85: {  	_ =	shalt  }
0x86: {  	_ =	shalt  }
0x87: {  	_ =	shalt  }
.Lfunc_end0:
.L_simem_size_0:
called_computation_lowered:
.L_overlay_start_0:
0x88: {  	s2 =	sld [smem:$0x3FD9]  }
0x89: {  	s3 =	sld [smem:$0x3FFE];
	_ =	sdelay $0x1  }
0x8a: {  	s1 =	srdreg.scid  }
0x8b: {  	s0 =	sand.u32 $0x1, s1  }
0x8c: {  	s17 =	sshll.u32 s0, $0xA;
	s2 =	sadd.s32 s3, s2  }
0x8d: {  	s2 =	sadd.s32 s2, s17  }
0x8e: {  	[smem:$0x3FC1] =	sst s2  }
0x8f: {  	_ = 	snop  }
0x90: {  	s2 =	sld [smem:$0x3FD0];
	(tm) =	ssettm $0x1  }
0x91: {  	s18 =	sld [smem:$0x3FFB];
	_ =	sdelay $0x3  }
0x92: {  	_ =	strace s18  }
0x93: {  	s3 =	sld [smem:$0x3FFC];
	_ =	sdelay $0x3  }
0x94: {  	_ =	strace s3  }
0x95: {  	s3 =	sld [smem:$0x3FFD];
	_ =	sdelay $0x3  }
0x96: {  	_ =	strace s3  }
0x97: {  	_ =	strace $0x8FFFFFFF  }
0x98: {  	s19 =	sld [smem:$0x3FDB];
	_ =	sdelay $0x1  }
0x99: {  	s4 =	simm.s32 $_scs_section_size  }
0x9a: {  	s5 =	simm.s32 $_size__tile_overlayer_lowered;
	s6 =	simm.s32 $_tile_overlayer_lowered  }
0x9b: {  	s22 =	simm.s32 $0x1BFF;
	s21 =	sshll.u32 s6, $0x1;
	s3 =	sadd.s32 s4, s19  }
0x9c: {  	s7 =	simm.s32 $0x0;
	s20 =	sshll.u32 s5, $0x1;
	s5 =	sadd.s32 s21, s3  }
0x9d: {  	[timem:s7], [sflag:s22] =	dma.local [hbm:s5], s20  }
0x9e: {  	_ =	swait.ge [sflag:s22], s20  }
0x9f: {  	s4 =	ssub.s32 $0x0, s20;
	[sflag:s22] =	ssyncset.done $0x0  }
0xa0: {  	[sflag:s22] =	ssyncadd.s32 s4;
	_ =	sdelay $0x1  }
0xa1: {  	s23 =	simm.s32 $0x1B8B  }
0xa2: {  	_ =	swait.ge [sflag:s23], $0x1  }
0xa3: {  	[sflag:s23] =	ssyncset.done $0x0  }
0xa4: {  	s25 =	simm.s32 $0x1B8E;
	s24 =	sld [smem:$0x3FFE];
	[sflag:s23] =	ssyncadd.s32 $0xFFFFFFFF  }
0xa5: {  	s26 =	simm.s32 $execute0_lowered;
	[smem:$0x3FD2] =	sst s25  }
0xa6: {  	s5 =	sshll.u32 s26, $0x1;
	_ =	strace $0x80000046;
	[dreg:$0x1] =	wrdreg $0xFFFFFFFF  }
0xa7: {  	s28 =	simm.s32 $_size_execute0_lowered;
	s3 =	sadd.s32 s3, s5;
	[dreg:$0x0] =	wrdreg $0x0  }
0xa8: {  	s5 =	sshll.u32 s28, $0x1;
	[dreg:$0x2] =	wrdreg s3  }
0xa9: {  	[dreg:$0x3] =	wrdreg s5  }
0xaa: {  	[dreg:$0x4] =	wrdreg $0xC0  }
0xab: {  	_ =	task [dreg:s7], $0x5FFFF  }
0xac: {  	[dreg:$0x1] =	wrdreg $0xFFFFFFFF  }
0xad: {  	[dreg:$0x0] =	wrdreg $0x60  }
0xae: {  	[dreg:$0x2] =	wrdreg s24  }
0xaf: {  	[dreg:$0x3] =	wrdreg s2  }
0xb0: {  	[dreg:$0x4] =	wrdreg $0x82000  }
0xb1: {  	[dreg:$0x5] =	wrdreg $0x9  }
0xb2: {  	_ =	task.clear_ibuf [dreg:s7], $0x6FFFF;
	_ =	strace $0x90000046  }
0xb3: {  	s29 =	simm.s32 $0x9;
	_ =	strace $0x80000048  }
0xb4: {  	_ =	swait.ge [sflag:s29], $0x1  }
0xb5: {  	[sflag:s29] =	ssyncadd.s32 $0xFFFFFFFF  }
0xb6: {  	_ =	strace $0x90000048  }
0xb7: {  	_ =	sfence  }
0xb8: {  	s30 =	sld [smem:$0x0];
	_ =	sdelay $0x2  }
0xb9: {  	s31 =	sshll.u32 s1, $0xD;
	s1 =	sshrl.u32 s1, $0x2  }
0xba: {  	s3 =	sand.u32 $0x4000, s31;
	s1 =	sadd.s32 s1, s30  }
0xbb: {  	s0 =	sor.u32 s3, s0;
	s1 =	sshll.u32 s1, $0x11  }
0xbc: {  	s0 =	sor.u32 s1, s0  }
0xbd: {  	s0 =	sadd.s32 $0x8F2B, s0  }
0xbe: {  	[sflag:s0] =	ssyncadd.remote.s32 $0x1  }
0xbf: {  	_ =	sfence.sel $0xFFFF  }
0xc0: {  	[dreg:$0x0] =	wrdreg $0xFFFFFFFF;
	(pc) =	sbr.abs _section_cstart, $3  }
0xc1: {  	[dreg:$0x1] =	wrdreg $0xFFFFFFFF  }
0xc2: {  	_ =	task.clear_ibuf [dreg:s7], $0x2FFFF;
	_ =	strace $0x9FFFFFFF  }
0xc3: {  	(tm) =	ssettm $0x7FFFFFFF  }
tec
execute0_lowered:
.L_overlay_start_1:
0x0: {  	(tag) =	ssettag $0x1  }
0x1: {  	s4 =	rddreg [dreg:$0x0]  }
0x2: {  	s22 =	rddreg [dreg:$0x1];
	s1 =	simm.s32 $0x0;
	s0 =	stileid.u32  }
0x3: {  	s18 =	srdreg.scid;
	[smem:$0x7FF] =	sst s1  }
0x4: {  	s3 =	sor.u32 $0x10, s0;
	s2 =	sadd.s32 $0xAE00, s4;
	s6 =	sadd.s32 $0x33000, s4  }
0x5: {  	s8 =	sadd.s32 $0x5A200, s4;
	s9 =	sadd.s32 $0x81400, s4;
	s10 =	smul.u32 $0x500, s0  }
0x6: {  	s11 =	sadd.s32 $0xA8600, s4;
	s12 =	sor.u32 $0x20, s0;
	s15 =	sor.u32 $0x30, s0  }
0x7: {  	s23 =	sor.u32 $0x40, s0;
	s24 =	sor.u32 $0x50, s0;
	s7 =	smul.u32 $0xA000, s3  }
0x8: {  	s25 =	sor.u32 $0x60, s0;
	s13 =	smul.u32 $0x500, s3;
	s3 =	sand.u32 $0x1, s18  }
0x9: {  	s26 =	sor.u32 $0x70, s0;
	s14 =	smul.u32 $0x500, s12;
	p0 =	seq.s32 s3, $0x1  }
0xa: {  	s16 =	smul.u32 $0x500, s15;
	s17 =	ssub.s32 $0x2, s3;
	s6 =	smov.u32 @p0 s8  }
0xb: {  	s18 =	smul.u32 $0x500, s23;
	s19 =	sshrl.u32 s17, $0x1;
	s8 =	sadd.s32 s6, s10  }
0xc: {  	s5 =	ssub.s32 s17, s19;
	s19 =	sadd.s32 s6, s13;
	[dreg:$0x4] =	wrdreg s8  }
0xd: {  	s2 =	smov.u32 @p0 s22;
	s22 =	sadd.s32 s6, s14;
	[dreg:$0x5] =	wrdreg s19  }
0xe: {  	s9 =	smov.u32 @p0 s11;
	s11 =	sadd.s32 s6, s16;
	[dreg:$0x6] =	wrdreg s22  }
0xf: {  	s20 =	smul.u32 $0x500, s24;
	s17 =	sadd.s32 s6, s18;
	[dreg:$0x7] =	wrdreg s11  }
0x10: {  	s21 =	smul.u32 $0x500, s25;
	s13 =	sadd.s32 s9, s13;
	[dreg:$0x8] =	wrdreg s17  }
0x11: {  	s28 =	smul.u32 $0x500, s26;
	s19 =	sadd.s32 s6, s20;
	[dreg:$0xd] =	wrdreg s13  }
0x12: {  	s22 =	sadd.s32 s6, s21;
	[dreg:$0x9] =	wrdreg s19  }
0x13: {  	s6 =	sadd.s32 s6, s28;
	[dreg:$0xa] =	wrdreg s22  }
0x14: {  	s11 =	sadd.s32 s9, s10;
	[dreg:$0xb] =	wrdreg s6  }
0x15: {  	s7 =	sshrl.u32 s7, $0x2;
	s17 =	sadd.s32 s9, s14;
	[dreg:$0xc] =	wrdreg s11  }
0x16: {  	p0 =	sgt.u32 s0, $0xC;
	s8 =	sadd.s32 s9, s20;
	[dreg:$0xe] =	wrdreg s17  }
0x17: {  	s10 =	sadd.s32 s9, s21;
	s13 =	smul.u32 $0xA000, s12;
	[dreg:$0x11] =	wrdreg s8  }
0x18: {  	s14 =	sshll.u32 s0, $0x5;
	s19 =	sadd.s32 s9, s16;
	[dreg:$0x12] =	wrdreg s10  }
0x19: {  	s20 =	smul.u32 $0xA000, s23;
	s22 =	sadd.s32 s9, s18;
	[dreg:$0xf] =	wrdreg s19  }
0x1a: {  	s21 =	sadd.s32 $0x32800, s4;
	s16 =	smul.u32 $0xA000, s0;
	[dreg:$0x10] =	wrdreg s22  }
0x1b: {  	s11 =	sadd.s32 s9, s28;
	s17 =	smul.u32 $0xA000, s15;
	s19 =	rddreg [dreg:$0x2]  }
0x1c: {  	s8 =	sadd.s32 s14, s4;
	s14 =	smul.u32 $0xA000, s26;
	[dreg:$0x13] =	wrdreg s11  }
0x1d: {  	s22 =	sadd.s32 $0x32000, s4;
	s11 =	smul.u32 $0xA000, s24;
	s12 =	sshrl.u32 s13, $0x2  }
0x1e: {  	s13 =	smul.u32 $0xA000, s25;
	s9 =	sshrl.u32 s20, $0x2;
	s4 =	sadd.s32 $0x5E00, s8  }
0x1f: {  	_ =	strace $0x80000047;
	s18 =	sshrl.u32 s16, $0x2;
	s24 =	sadd.s32 s7, s19  }
0x20: {  	s10 =	sshrl.u32 s17, $0x2;
	s25 =	sadd.s32 s12, s19;
	s28 =	sadd.s32 s9, s19  }
0x21: {  	s16 =	sshrl.u32 s14, $0x2;
	s17 =	sshll.u32 s3, $0x4;
	s7 =	simm.s32 $0x200  }
0x22: {  	s9 =	simm.s32 $0x0;
	s23 =	sadd.s32 s18, s19;
	s26 =	sadd.s32 s10, s19  }
0x23: {  	s15 =	sshrl.u32 s11, $0x2;
	s6 =	sshrl.u32 s13, $0x2;
	s31 =	sadd.s32 s16, s19  }
0x24: {  	s18 =	sshll.u32 s3, $0x9;
	s29 =	sadd.s32 s15, s19;
	s15 =	sadd.s32 $0xE00, s8  }
0x25: {  	s3 =	smax.u32 s5, $0x1;
	s30 =	sadd.s32 s6, s19;
	s20 =	sadd.s32 s18, s15  }
0x26: {  	s6 =	sor.u32 s17, s0;
	s8 =	simm.s32 $0x5;
	s5 =	sadd.s32 $0x10, s20  }
.LBB2_1:
0x27: {  	[tilespmem:s7], [sflag:$0x5] =	stream.linear.gather [hbm4b:s21+s1], $0x4000, $0x38;
	[tilespmem:$0x1BA80] =	vst v63  }
0x28: {  	_ =	swait.ge [sflag:s8], $0x4000  }
0x29: {  	[sflag:s8] =	ssyncset.done $0x0  }
0x2a: {  	[sflag:s8] =	ssyncadd.s32 $0xFFFFC000  }
0x2b: {  	[spmem:s23] =	stream.linear.scatter [tilespmem:s7], [sflag:$0x5], $0x2800, $0x38;
	[tilespmem:$0x1BA80] =	vst v63  }
0x2c: {  	_ =	swait.ge [sflag:s8], $0x2800  }
0x2d: {  	[sflag:s8] =	ssyncset.done $0x0  }
0x2e: {  	[sflag:s8] =	ssyncadd.s32 $0xFFFFD800  }
0x2f: {  	[spmem:s24] =	stream.linear.scatter [tilespmem:s7], [sflag:$0x5], $0x2800, $0x38;
	[tilespmem:$0x1BA80] =	vst v63  }
0x30: {  	_ =	swait.ge [sflag:s8], $0x2800  }
0x31: {  	[sflag:s8] =	ssyncset.done $0x0  }
0x32: {  	[sflag:s8] =	ssyncadd.s32 $0xFFFFD800  }
0x33: {  	[spmem:s25] =	stream.linear.scatter [tilespmem:s7], [sflag:$0x5], $0x2800, $0x38;
	[tilespmem:$0x1BA80] =	vst v63  }
0x34: {  	_ =	swait.ge [sflag:s8], $0x2800  }
0x35: {  	[sflag:s8] =	ssyncset.done $0x0  }
0x36: {  	[sflag:s8] =	ssyncadd.s32 $0xFFFFD800  }
0x37: {  	[spmem:s26] =	stream.linear.scatter [tilespmem:s7], [sflag:$0x5], $0x2800, $0x38;
	[tilespmem:$0x1BA80] =	vst v63  }
0x38: {  	_ =	swait.ge [sflag:s8], $0x2800  }
0x39: {  	[sflag:s8] =	ssyncset.done $0x0  }
0x3a: {  	[sflag:s8] =	ssyncadd.s32 $0xFFFFD800  }
0x3b: {  	[spmem:s28] =	stream.linear.scatter [tilespmem:s7], [sflag:$0x5], $0x2800, $0x38;
	[tilespmem:$0x1BA80] =	vst v63  }
0x3c: {  	_ =	swait.ge [sflag:s8], $0x2800  }
0x3d: {  	[sflag:s8] =	ssyncset.done $0x0  }
0x3e: {  	[sflag:s8] =	ssyncadd.s32 $0xFFFFD800  }
0x3f: {  	[spmem:s29] =	stream.linear.scatter [tilespmem:s7], [sflag:$0x5], $0x2800, $0x38;
	[tilespmem:$0x1BA80] =	vst v63  }
0x40: {  	_ =	swait.ge [sflag:s8], $0x2800  }
0x41: {  	[sflag:s8] =	ssyncset.done $0x0  }
0x42: {  	[sflag:s8] =	ssyncadd.s32 $0xFFFFD800  }
0x43: {  	[spmem:s30] =	stream.linear.scatter [tilespmem:s7], [sflag:$0x5], $0x2800, $0x38;
	[tilespmem:$0x1BA80] =	vst v63  }
0x44: {  	_ =	swait.ge [sflag:s8], $0x2800  }
0x45: {  	[sflag:s8] =	ssyncset.done $0x0  }
0x46: {  	s10 =	simm.s32 @!p0 $0x200;
	[sflag:s8] =	ssyncadd.s32 $0xFFFFD800  }
0x47: {  	[spmem:s31] =	stream.linear.scatter @!p0 [tilespmem:s10], [sflag:$0x5], $0x2800, $0x38;
	[tilespmem:$0x1BA80] =	vst v63  }
0x48: {  	s10 =	simm.s32 @!p0 $0x5  }
0x49: {  	_ =	swait.ge @!p0 [sflag:s10], $0x2800  }
0x4a: {  	p1 =	sgt.u32 s0, $0x270;
	[sflag:s10] =	ssyncset.done @!p0 $0x0  }
0x4b: {  	s11 =	simm.s32 @!p1 $0x0;
	[sflag:s10] =	ssyncadd.s32 @!p0 $0xFFFFD800  }
0x4c: {  	s12 =	simm.s32 @!p1 $0x5;
	s10 =	sadd.s32 @!p1 $0x0, s4;
	[bflag:$0x0] =	sbarrier.arrive $0xFFFF  }
0x4d: {  	[tilespmem:s11], [sflag:$0x5] =	stream.linear.gather @!p1 [hbm4b:s10+s11], $0x80, $0x38;
	[tilespmem:$0x1BA80] =	vst v63  }
0x4e: {  	_ =	swait.ge @!p1 [sflag:s12], $0x80  }
0x4f: {  	[sflag:s12] =	ssyncset.done @!p1 $0x0  }
0x50: {  	s13 =	simm.s32 @!p1 $0x80;
	s10 =	sadd.s32 @!p1 $0x10, s10;
	[sflag:s12] =	ssyncadd.s32 @!p1 $0xFFFFFF80  }
0x51: {  	[tilespmem:s13], [sflag:$0x5] =	stream.linear.gather @!p1 [hbm4b:s10+s11], $0x80, $0x38;
	[tilespmem:$0x1BA80] =	vst v63  }
0x52: {  	_ =	swait.ge @!p1 [sflag:s12], $0x80  }
0x53: {  	[sflag:s12] =	ssyncset.done @!p1 $0x0  }
0x54: {  	s14 =	simm.s32 @!p1 $0x100;
	s10 =	sadd.s32 @!p1 $0x0, s15;
	[sflag:s12] =	ssyncadd.s32 @!p1 $0xFFFFFF80  }
0x55: {  	[tilespmem:s14], [sflag:$0x5] =	stream.linear.gather @!p1 [hbm4b:s10+s11], $0x80, $0x38;
	[tilespmem:$0x1BA80] =	vst v63  }
0x56: {  	_ =	swait.ge @!p1 [sflag:s12], $0x80  }
0x57: {  	[sflag:s12] =	ssyncset.done @!p1 $0x0  }
0x58: {  	s16 =	simm.s32 @!p1 $0x180;
	s10 =	sadd.s32 @!p1 $0x10, s10;
	[sflag:s12] =	ssyncadd.s32 @!p1 $0xFFFFFF80  }
0x59: {  	[tilespmem:s16], [sflag:$0x5] =	stream.linear.gather @!p1 [hbm4b:s10+s11], $0x80, $0x38;
	[tilespmem:$0x1BA80] =	vst v63  }
0x5a: {  	_ =	swait.ge @!p1 [sflag:s12], $0x80  }
0x5b: {  	[sflag:s12] =	ssyncset.done @!p1 $0x0  }
0x5c: {  	s10 =	simm.s32 @!p1 $0x200;
	[sflag:s12] =	ssyncadd.s32 @!p1 $0xFFFFFF80  }
0x5d: {  	[tilespmem:s10], [sflag:$0x1] =	stream.indirect.gather @!p1 [hbm4b:s2+s13], $0x80, s11, s13, $0xb8;
	[tilespmem:$0x1BA80] =	vst v63  }
0x5e: {  	s12 =	simm.s32 @!p1 $0x1;
	s11 =	simm.s32 @!p1 $0x4200  }
0x5f: {  	[tilespmem:s11], [sflag:$0x2] =	stream.indirect.gather @!p1 [hbm4b:s2+s13], $0x80, s13, s13, $0xb8;
	[tilespmem:$0x1BA80] =	vst v63  }
0x60: {  	_ =	swait.ge @!p1 [sflag:s12], $0x4000  }
0x61: {  	[sflag:s12] =	ssyncset.done @!p1 $0x0  }
0x62: {  	[sflag:s12] =	ssyncadd.s32 @!p1 $0xFFFFC000;
	s12 =	simm.s32 @!p1 $0x2  }
0x63: {  	[spmem:s19] =	stream.indirect.scatter.add.f32 @!p1 [tilespmem:s10], [sflag:$0x3], $0x80, s14, s13, $0xb8;
	[tilespmem:$0x1BA80] =	vst v63  }
0x64: {  	_ =	swait.ge @!p1 [sflag:s12], $0x4000  }
0x65: {  	[sflag:s12] =	ssyncset.done @!p1 $0x0  }
0x66: {  	s10 =	simm.s32 @!p1 $0x3;
	[sflag:s12] =	ssyncadd.s32 @!p1 $0xFFFFC000  }
0x67: {  	[spmem:s19] =	stream.indirect.scatter.add.f32 @!p1 [tilespmem:s11], [sflag:$0x4], $0x80, s16, s13, $0xb8;
	[tilespmem:$0x1BA80] =	vst v63  }
0x68: {  	_ =	swait.ge @!p1 [sflag:s10], $0x4000  }
0x69: {  	[sflag:s10] =	ssyncset.done @!p1 $0x0  }
0x6a: {  	s13 =	simm.s32 @!p1 $0x4;
	[sflag:s10] =	ssyncadd.s32 @!p1 $0xFFFFC000  }
0x6b: {  	s12 =	sadd.s32 $0x10, s0;
	_ =	swait.ge @!p1 [sflag:s13], $0x4000  }
0x6c: {  	s11 =	simm.s32 $0x400;
	s10 =	simm.s32 $0x200;
	[sflag:s13] =	ssyncset.done @!p1 $0x0  }
.LBB2_2:
0x6d: {  	[sflag:s13] =	ssyncadd.s32 @!p1 $0xFFFFC000  }
0x6e: {  	p1 =	sgt.u32 s12, $0x270;
	s13 =	smov.u32 s11;
	s11 =	sadd.s32 $0x200, s11  }
0x6f: {  	s14 =	sadd.s32 @!p1 s10, s4;
	s16 =	simm.s32 @!p1 $0x0;
	s17 =	simm.s32 @!p1 $0x5  }
0x70: {  	[tilespmem:s16], [sflag:$0x5] =	stream.linear.gather @!p1 [hbm4b:s14+s16], $0x80, $0x38;
	[tilespmem:$0x1BA80] =	vst v63  }
0x71: {  	p2 =	sne.s32 s11, $0x5000;
	s14 =	sadd.s32 @!p1 $0x10, s14;
	_ =	swait.ge @!p1 [sflag:s17], $0x80  }
0x72: {  	[sflag:s17] =	ssyncset.done @!p1 $0x0  }
0x73: {  	s18 =	simm.s32 @!p1 $0x80;
	[sflag:s17] =	ssyncadd.s32 @!p1 $0xFFFFFF80  }
0x74: {  	[tilespmem:s18], [sflag:$0x5] =	stream.linear.gather @!p1 [hbm4b:s14+s16], $0x80, $0x38;
	[tilespmem:$0x1BA80] =	vst v63  }
0x75: {  	_ =	swait.ge @!p1 [sflag:s17], $0x80  }
0x76: {  	[sflag:s17] =	ssyncset.done @!p1 $0x0  }
0x77: {  	s10 =	sadd.s32 @!p1 s10, s15;
	s14 =	simm.s32 @!p1 $0x100;
	[sflag:s17] =	ssyncadd.s32 @!p1 $0xFFFFFF80  }
0x78: {  	[tilespmem:s14], [sflag:$0x5] =	stream.linear.gather @!p1 [hbm4b:s10+s16], $0x80, $0x38;
	[tilespmem:$0x1BA80] =	vst v63  }
0x79: {  	s20 =	sadd.s32 @!p1 $0x10, s10;
	s10 =	smov.u32 s13;
	_ =	swait.ge @!p1 [sflag:s17], $0x80  }
0x7a: {  	[sflag:s17] =	ssyncset.done @!p1 $0x0  }
0x7b: {  	s13 =	simm.s32 @!p1 $0x180;
	[sflag:s17] =	ssyncadd.s32 @!p1 $0xFFFFFF80  }
0x7c: {  	[tilespmem:s13], [sflag:$0x5] =	stream.linear.gather @!p1 [hbm4b:s20+s16], $0x80, $0x38;
	[tilespmem:$0x1BA80] =	vst v63  }
0x7d: {  	_ =	swait.ge @!p1 [sflag:s17], $0x80  }
0x7e: {  	[sflag:s17] =	ssyncset.done @!p1 $0x0  }
0x7f: {  	[sflag:s17] =	ssyncadd.s32 @!p1 $0xFFFFFF80;
	s17 =	simm.s32 @!p1 $0x200  }
0x80: {  	[tilespmem:s17], [sflag:$0x1] =	stream.indirect.gather @!p1 [hbm4b:s2+s18], $0x80, s16, s18, $0xb8;
	[tilespmem:$0x1BA80] =	vst v63  }
0x81: {  	s20 =	simm.s32 @!p1 $0x1;
	s16 =	simm.s32 @!p1 $0x4200  }
0x82: {  	[tilespmem:s16], [sflag:$0x2] =	stream.indirect.gather @!p1 [hbm4b:s2+s18], $0x80, s18, s18, $0xb8;
	[tilespmem:$0x1BA80] =	vst v63  }
0x83: {  	_ =	swait.ge @!p1 [sflag:s20], $0x4000  }
0x84: {  	[sflag:s20] =	ssyncset.done @!p1 $0x0  }
0x85: {  	[sflag:s20] =	ssyncadd.s32 @!p1 $0xFFFFC000;
	s20 =	simm.s32 @!p1 $0x2  }
0x86: {  	[spmem:s19] =	stream.indirect.scatter.add.f32 @!p1 [tilespmem:s17], [sflag:$0x3], $0x80, s14, s18, $0xb8;
	[tilespmem:$0x1BA80] =	vst v63  }
0x87: {  	_ =	swait.ge @!p1 [sflag:s20], $0x4000  }
0x88: {  	[sflag:s20] =	ssyncset.done @!p1 $0x0  }
0x89: {  	s14 =	simm.s32 @!p1 $0x3;
	[sflag:s20] =	ssyncadd.s32 @!p1 $0xFFFFC000  }
0x8a: {  	[spmem:s19] =	stream.indirect.scatter.add.f32 @!p1 [tilespmem:s16], [sflag:$0x4], $0x80, s13, s18, $0xb8;
	[tilespmem:$0x1BA80] =	vst v63  }
.Ltmp0:
0x8b: {  	_ =	swait.ge @!p1 [sflag:s14], $0x4000;
	(pc) =	sbr.rel @p2 .LBB2_2-.Ltmp0, $4  }
0x8c: {  	[sflag:s14] =	ssyncset.done @!p1 $0x0  }
0x8d: {  	s13 =	simm.s32 @!p1 $0x4;
	[sflag:s14] =	ssyncadd.s32 @!p1 $0xFFFFC000  }
0x8e: {  	_ =	swait.ge @!p1 [sflag:s13], $0x4000  }
0x8f: {  	s12 =	sadd.s32 $0x10, s12;
	[sflag:s13] =	ssyncset.done @!p1 $0x0  }
0x90: {  	p2 =	sgt.u32 s12, $0x270;
	[sflag:s13] =	ssyncadd.s32 @!p1 $0xFFFFC000  }
0x91: {  	s11 =	sadd.s32 @!p2 s10, s4;
	s12 =	simm.s32 @!p2 $0x0;
	s13 =	simm.s32 @!p2 $0x5  }
0x92: {  	[tilespmem:s12], [sflag:$0x5] =	stream.linear.gather @!p2 [hbm4b:s11+s12], $0x80, $0x38;
	[tilespmem:$0x1BA80] =	vst v63  }
0x93: {  	_ =	swait.ge @!p2 [sflag:s13], $0x80  }
0x94: {  	[sflag:s13] =	ssyncset.done @!p2 $0x0  }
0x95: {  	s14 =	simm.s32 @!p2 $0x80;
	s11 =	sadd.s32 @!p2 $0x10, s11;
	[sflag:s13] =	ssyncadd.s32 @!p2 $0xFFFFFF80  }
0x96: {  	[tilespmem:s14], [sflag:$0x5] =	stream.linear.gather @!p2 [hbm4b:s11+s12], $0x80, $0x38;
	[tilespmem:$0x1BA80] =	vst v63  }
0x97: {  	_ =	swait.ge @!p2 [sflag:s13], $0x80  }
0x98: {  	[sflag:s13] =	ssyncset.done @!p2 $0x0  }
0x99: {  	s10 =	sadd.s32 @!p2 s10, s15;
	s11 =	simm.s32 @!p2 $0x100;
	[sflag:s13] =	ssyncadd.s32 @!p2 $0xFFFFFF80  }
0x9a: {  	[tilespmem:s11], [sflag:$0x5] =	stream.linear.gather @!p2 [hbm4b:s10+s12], $0x80, $0x38;
	[tilespmem:$0x1BA80] =	vst v63  }
0x9b: {  	_ =	swait.ge @!p2 [sflag:s13], $0x80  }
0x9c: {  	[sflag:s13] =	ssyncset.done @!p2 $0x0  }
0x9d: {  	s16 =	simm.s32 @!p2 $0x180;
	s10 =	sadd.s32 @!p2 $0x10, s10;
	[sflag:s13] =	ssyncadd.s32 @!p2 $0xFFFFFF80  }
0x9e: {  	[tilespmem:s16], [sflag:$0x5] =	stream.linear.gather @!p2 [hbm4b:s10+s12], $0x80, $0x38;
	[tilespmem:$0x1BA80] =	vst v63  }
0x9f: {  	_ =	swait.ge @!p2 [sflag:s13], $0x80  }
0xa0: {  	[sflag:s13] =	ssyncset.done @!p2 $0x0  }
0xa1: {  	s10 =	simm.s32 @!p2 $0x200;
	[sflag:s13] =	ssyncadd.s32 @!p2 $0xFFFFFF80  }
0xa2: {  	[tilespmem:s10], [sflag:$0x1] =	stream.indirect.gather @!p2 [hbm4b:s2+s14], $0x80, s12, s14, $0xb8;
	[tilespmem:$0x1BA80] =	vst v63  }
0xa3: {  	s13 =	simm.s32 @!p2 $0x1;
	s12 =	simm.s32 @!p2 $0x4200  }
0xa4: {  	[tilespmem:s12], [sflag:$0x2] =	stream.indirect.gather @!p2 [hbm4b:s2+s14], $0x80, s14, s14, $0xb8;
	[tilespmem:$0x1BA80] =	vst v63  }
0xa5: {  	_ =	swait.ge @!p2 [sflag:s13], $0x4000  }
0xa6: {  	[sflag:s13] =	ssyncset.done @!p2 $0x0  }
0xa7: {  	[sflag:s13] =	ssyncadd.s32 @!p2 $0xFFFFC000  }
0xa8: {  	[spmem:s19] =	stream.indirect.scatter.add.f32 @!p2 [tilespmem:s10], [sflag:$0x3], $0x80, s11, s14, $0xb8;
	[tilespmem:$0x1BA80] =	vst v63  }
0xa9: {  	s10 =	simm.s32 @!p2 $0x2  }
0xaa: {  	_ =	swait.ge @!p2 [sflag:s10], $0x4000  }
0xab: {  	[sflag:s10] =	ssyncset.done @!p2 $0x0  }
0xac: {  	[sflag:s10] =	ssyncadd.s32 @!p2 $0xFFFFC000;
	s10 =	simm.s32 @!p2 $0x3  }
0xad: {  	[spmem:s19] =	stream.indirect.scatter.add.f32 @!p2 [tilespmem:s12], [sflag:$0x4], $0x80, s16, s14, $0xb8;
	[tilespmem:$0x1BA80] =	vst v63  }
0xae: {  	_ =	swait.ge @!p2 [sflag:s10], $0x4000  }
0xaf: {  	[sflag:s10] =	ssyncset.done @!p2 $0x0  }
0xb0: {  	[sflag:s10] =	ssyncadd.s32 @!p2 $0xFFFFC000;
	s10 =	simm.s32 @!p2 $0x4  }
0xb1: {  	_ =	swait.ge @!p2 [sflag:s10], $0x4000  }
0xb2: {  	[sflag:s10] =	ssyncset.done @!p2 $0x0  }
0xb3: {  	[sflag:s10] =	ssyncadd.s32 @!p2 $0xFFFFC000  }
0xb4: {  	[bflag:$0x0] =	sbarrier.arrive $0xFFFF  }
0xb5: {  	[tilespmem:s7], [sflag:$0x5] =	stream.linear.gather [spmem:s23], $0x2800, $0x38;
	[tilespmem:$0x1BA80] =	vst v63  }
0xb6: {  	_ =	swait.ge [sflag:s8], $0x2800  }
0xb7: {  	[sflag:s8] =	ssyncset.done $0x0  }
0xb8: {  	s20 =	rddreg [dreg:$0x4];
	[sflag:s8] =	ssyncadd.s32 $0xFFFFD800  }
0xb9: {  	[hbm4b:s20+s1] =	stream.linear.scatter [tilespmem:s7], [sflag:$0x5], $0x2800, $0x38;
	[tilespmem:$0x1BA80] =	vst v63  }
0xba: {  	_ =	swait.ge [sflag:s8], $0x2800  }
0xbb: {  	[sflag:s8] =	ssyncset.done $0x0  }
0xbc: {  	[sflag:s8] =	ssyncadd.s32 $0xFFFFD800  }
0xbd: {  	[tilespmem:s7], [sflag:$0x5] =	stream.linear.gather [spmem:s24], $0x2800, $0x38;
	[tilespmem:$0x1BA80] =	vst v63  }
0xbe: {  	_ =	swait.ge [sflag:s8], $0x2800  }
0xbf: {  	[sflag:s8] =	ssyncset.done $0x0  }
0xc0: {  	s11 =	rddreg [dreg:$0x5];
	[sflag:s8] =	ssyncadd.s32 $0xFFFFD800  }
0xc1: {  	[hbm4b:s11+s1] =	stream.linear.scatter [tilespmem:s7], [sflag:$0x5], $0x2800, $0x38;
	[tilespmem:$0x1BA80] =	vst v63  }
0xc2: {  	_ =	swait.ge [sflag:s8], $0x2800  }
0xc3: {  	[sflag:s8] =	ssyncset.done $0x0  }
0xc4: {  	[sflag:s8] =	ssyncadd.s32 $0xFFFFD800  }
0xc5: {  	[tilespmem:s7], [sflag:$0x5] =	stream.linear.gather [spmem:s25], $0x2800, $0x38;
	[tilespmem:$0x1BA80] =	vst v63  }
0xc6: {  	_ =	swait.ge [sflag:s8], $0x2800  }
0xc7: {  	[sflag:s8] =	ssyncset.done $0x0  }
0xc8: {  	s12 =	rddreg [dreg:$0x6];
	[sflag:s8] =	ssyncadd.s32 $0xFFFFD800  }
0xc9: {  	[hbm4b:s12+s1] =	stream.linear.scatter [tilespmem:s7], [sflag:$0x5], $0x2800, $0x38;
	[tilespmem:$0x1BA80] =	vst v63  }
0xca: {  	_ =	swait.ge [sflag:s8], $0x2800  }
0xcb: {  	[sflag:s8] =	ssyncset.done $0x0  }
0xcc: {  	[sflag:s8] =	ssyncadd.s32 $0xFFFFD800  }
0xcd: {  	[tilespmem:s7], [sflag:$0x5] =	stream.linear.gather [spmem:s26], $0x2800, $0x38;
	[tilespmem:$0x1BA80] =	vst v63  }
0xce: {  	_ =	swait.ge [sflag:s8], $0x2800  }
0xcf: {  	[sflag:s8] =	ssyncset.done $0x0  }
0xd0: {  	s13 =	rddreg [dreg:$0x7];
	[sflag:s8] =	ssyncadd.s32 $0xFFFFD800  }
0xd1: {  	[hbm4b:s13+s1] =	stream.linear.scatter [tilespmem:s7], [sflag:$0x5], $0x2800, $0x38;
	[tilespmem:$0x1BA80] =	vst v63  }
0xd2: {  	_ =	swait.ge [sflag:s8], $0x2800  }
0xd3: {  	[sflag:s8] =	ssyncset.done $0x0  }
0xd4: {  	[sflag:s8] =	ssyncadd.s32 $0xFFFFD800  }
0xd5: {  	[tilespmem:s7], [sflag:$0x5] =	stream.linear.gather [spmem:s28], $0x2800, $0x38;
	[tilespmem:$0x1BA80] =	vst v63  }
0xd6: {  	_ =	swait.ge [sflag:s8], $0x2800  }
0xd7: {  	[sflag:s8] =	ssyncset.done $0x0  }
0xd8: {  	s14 =	rddreg [dreg:$0x8];
	[sflag:s8] =	ssyncadd.s32 $0xFFFFD800  }
0xd9: {  	[hbm4b:s14+s1] =	stream.linear.scatter [tilespmem:s7], [sflag:$0x5], $0x2800, $0x38;
	[tilespmem:$0x1BA80] =	vst v63  }
0xda: {  	_ =	swait.ge [sflag:s8], $0x2800  }
0xdb: {  	[sflag:s8] =	ssyncset.done $0x0  }
0xdc: {  	[sflag:s8] =	ssyncadd.s32 $0xFFFFD800  }
0xdd: {  	[tilespmem:s7], [sflag:$0x5] =	stream.linear.gather [spmem:s29], $0x2800, $0x38;
	[tilespmem:$0x1BA80] =	vst v63  }
0xde: {  	_ =	swait.ge [sflag:s8], $0x2800  }
0xdf: {  	[sflag:s8] =	ssyncset.done $0x0  }
0xe0: {  	s16 =	rddreg [dreg:$0x9];
	[sflag:s8] =	ssyncadd.s32 $0xFFFFD800  }
0xe1: {  	[hbm4b:s16+s1] =	stream.linear.scatter [tilespmem:s7], [sflag:$0x5], $0x2800, $0x38;
	[tilespmem:$0x1BA80] =	vst v63  }
0xe2: {  	_ =	swait.ge [sflag:s8], $0x2800  }
0xe3: {  	[sflag:s8] =	ssyncset.done $0x0  }
0xe4: {  	[sflag:s8] =	ssyncadd.s32 $0xFFFFD800  }
0xe5: {  	[tilespmem:s7], [sflag:$0x5] =	stream.linear.gather [spmem:s30], $0x2800, $0x38;
	[tilespmem:$0x1BA80] =	vst v63  }
0xe6: {  	_ =	swait.ge [sflag:s8], $0x2800  }
0xe7: {  	[sflag:s8] =	ssyncset.done $0x0  }
0xe8: {  	s17 =	rddreg [dreg:$0xa];
	[sflag:s8] =	ssyncadd.s32 $0xFFFFD800  }
0xe9: {  	[hbm4b:s17+s1] =	stream.linear.scatter [tilespmem:s7], [sflag:$0x5], $0x2800, $0x38;
	[tilespmem:$0x1BA80] =	vst v63  }
0xea: {  	_ =	swait.ge [sflag:s8], $0x2800  }
0xeb: {  	[sflag:s8] =	ssyncset.done $0x0  }
0xec: {  	s10 =	simm.s32 @!p0 $0x200;
	s11 =	simm.s32 @!p0 $0x5;
	[sflag:s8] =	ssyncadd.s32 $0xFFFFD800  }
0xed: {  	[tilespmem:s10], [sflag:$0x5] =	stream.linear.gather @!p0 [spmem:s31], $0x2800, $0x38;
	[tilespmem:$0x1BA80] =	vst v63  }
0xee: {  	_ =	swait.ge @!p0 [sflag:s11], $0x2800  }
0xef: {  	[sflag:s11] =	ssyncset.done @!p0 $0x0  }
0xf0: {  	s12 =	simm.s32 @!p0 $0x0;
	s13 =	rddreg [dreg:$0xb];
	[sflag:s11] =	ssyncadd.s32 @!p0 $0xFFFFD800  }
0xf1: {  	[hbm4b:s13+s12] =	stream.linear.scatter @!p0 [tilespmem:s10], [sflag:$0x5], $0x2800, $0x38;
	[tilespmem:$0x1BA80] =	vst v63  }
0xf2: {  	_ =	swait.ge @!p0 [sflag:s11], $0x2800  }
0xf3: {  	[sflag:s11] =	ssyncset.done @!p0 $0x0  }
0xf4: {  	[sflag:s11] =	ssyncadd.s32 @!p0 $0xFFFFD800  }
0xf5: {  	[bflag:$0x0] =	sbarrier.arrive $0xFFFF  }
0xf6: {  	[tilespmem:s7], [sflag:$0x5] =	stream.linear.gather [hbm4b:s21+s1], $0x4000, $0x38;
	[tilespmem:$0x1BA80] =	vst v63  }
0xf7: {  	_ =	swait.ge [sflag:s8], $0x4000  }
0xf8: {  	[sflag:s8] =	ssyncset.done $0x0  }
0xf9: {  	[sflag:s8] =	ssyncadd.s32 $0xFFFFC000  }
0xfa: {  	[spmem:s23] =	stream.linear.scatter [tilespmem:s7], [sflag:$0x5], $0x2800, $0x38;
	[tilespmem:$0x1BA80] =	vst v63  }
0xfb: {  	_ =	swait.ge [sflag:s8], $0x2800  }
0xfc: {  	[sflag:s8] =	ssyncset.done $0x0  }
0xfd: {  	[sflag:s8] =	ssyncadd.s32 $0xFFFFD800  }
0xfe: {  	[spmem:s24] =	stream.linear.scatter [tilespmem:s7], [sflag:$0x5], $0x2800, $0x38;
	[tilespmem:$0x1BA80] =	vst v63  }
0xff: {  	_ =	swait.ge [sflag:s8], $0x2800  }
0x100: {  	[sflag:s8] =	ssyncset.done $0x0  }
0x101: {  	[sflag:s8] =	ssyncadd.s32 $0xFFFFD800  }
0x102: {  	[spmem:s25] =	stream.linear.scatter [tilespmem:s7], [sflag:$0x5], $0x2800, $0x38;
	[tilespmem:$0x1BA80] =	vst v63  }
0x103: {  	_ =	swait.ge [sflag:s8], $0x2800  }
0x104: {  	[sflag:s8] =	ssyncset.done $0x0  }
0x105: {  	[sflag:s8] =	ssyncadd.s32 $0xFFFFD800  }
0x106: {  	[spmem:s26] =	stream.linear.scatter [tilespmem:s7], [sflag:$0x5], $0x2800, $0x38;
	[tilespmem:$0x1BA80] =	vst v63  }
0x107: {  	_ =	swait.ge [sflag:s8], $0x2800  }
0x108: {  	[sflag:s8] =	ssyncset.done $0x0  }
0x109: {  	[sflag:s8] =	ssyncadd.s32 $0xFFFFD800  }
0x10a: {  	[spmem:s28] =	stream.linear.scatter [tilespmem:s7], [sflag:$0x5], $0x2800, $0x38;
	[tilespmem:$0x1BA80] =	vst v63  }
0x10b: {  	_ =	swait.ge [sflag:s8], $0x2800  }
0x10c: {  	[sflag:s8] =	ssyncset.done $0x0  }
0x10d: {  	[sflag:s8] =	ssyncadd.s32 $0xFFFFD800  }
0x10e: {  	[spmem:s29] =	stream.linear.scatter [tilespmem:s7], [sflag:$0x5], $0x2800, $0x38;
	[tilespmem:$0x1BA80] =	vst v63  }
0x10f: {  	_ =	swait.ge [sflag:s8], $0x2800  }
0x110: {  	[sflag:s8] =	ssyncset.done $0x0  }
0x111: {  	[sflag:s8] =	ssyncadd.s32 $0xFFFFD800  }
0x112: {  	[spmem:s30] =	stream.linear.scatter [tilespmem:s7], [sflag:$0x5], $0x2800, $0x38;
	[tilespmem:$0x1BA80] =	vst v63  }
0x113: {  	_ =	swait.ge [sflag:s8], $0x2800  }
0x114: {  	[sflag:s8] =	ssyncset.done $0x0  }
0x115: {  	[sflag:s8] =	ssyncadd.s32 $0xFFFFD800  }
0x116: {  	[spmem:s31] =	stream.linear.scatter @!p0 [tilespmem:s10], [sflag:$0x5], $0x2800, $0x38;
	[tilespmem:$0x1BA80] =	vst v63  }
0x117: {  	_ =	swait.ge @!p0 [sflag:s11], $0x2800  }
0x118: {  	[sflag:s11] =	ssyncset.done @!p0 $0x0  }
0x119: {  	[sflag:s11] =	ssyncadd.s32 @!p0 $0xFFFFD800  }
0x11a: {  	s18 =	simm.s32 $0x0;
	s20 =	sadd.s32 $0x0, s6;
	[bflag:$0x0] =	sbarrier.arrive $0xFFFF  }
0x11b: {  	[tilespmem:s7], [sflag:$0x5] =	stream.linear.gather [hbm4b:s22+s18], $0x4000, $0x38;
	[tilespmem:$0x1BA80] =	vst v63  }
0x11c: {  	p1 =	sgt.u32 s20, $0x270;
	_ =	swait.ge [sflag:s8], $0x4000  }
0x11d: {  	s12 =	simm.s32 @!p1 $0x100;
	s13 =	simm.s32 @!p1 $0x5;
	[sflag:s8] =	ssyncset.done $0x0  }
0x11e: {  	s10 =	sadd.s32 @!p1 $0xFFFFFFF0, s5;
	s11 =	simm.s32 @!p1 $0x0;
	[sflag:s8] =	ssyncadd.s32 $0xFFFFC000  }
0x11f: {  	[tilespmem:s12], [sflag:$0x5] =	stream.linear.gather @!p1 [hbm4b:s10+s11], $0x80, $0x38;
	[tilespmem:$0x1BA80] =	vst v63  }
0x120: {  	_ =	swait.ge @!p1 [sflag:s13], $0x80;
	p1 =	por p1, p1  }
0x121: {  	[sflag:s13] =	ssyncset.done @!p1 $0x0  }
0x122: {  	s10 =	simm.s32 @!p1 $0x180;
	[sflag:s13] =	ssyncadd.s32 @!p1 $0xFFFFFF80  }
0x123: {  	[tilespmem:s10], [sflag:$0x5] =	stream.linear.gather @!p1 [hbm4b:s5+s11], $0x80, $0x38;
	[tilespmem:$0x1BA80] =	vst v63  }
0x124: {  	_ =	swait.ge @!p1 [sflag:s13], $0x80  }
0x125: {  	[sflag:s13] =	ssyncset.done @!p1 $0x0  }
0x126: {  	s11 =	simm.s32 @!p1 $0x80;
	[sflag:s13] =	ssyncadd.s32 @!p1 $0xFFFFFF80;
	s13 =	simm.s32 @!p1 $0x200  }
0x127: {  	[spmem:s19] =	stream.indirect.scatter.add.f32 @!p1 [tilespmem:s13], [sflag:$0x3], $0x80, s12, s11, $0xb8;
	[tilespmem:$0x1BA80] =	vst v63  }
0x128: {  	s12 =	simm.s32 @!p1 $0x3  }
0x129: {  	[spmem:s19] =	stream.indirect.scatter.add.f32 @!p1 [tilespmem:s13], [sflag:$0x4], $0x80, s10, s11, $0xb8;
	[tilespmem:$0x1BA80] =	vst v63  }
0x12a: {  	_ =	swait.ge @!p1 [sflag:s12], $0x4000  }
0x12b: {  	[sflag:s12] =	ssyncset.done @!p1 $0x0  }
0x12c: {  	s11 =	simm.s32 $0x40;
	[sflag:s12] =	ssyncadd.s32 @!p1 $0xFFFFC000;
	s12 =	simm.s32 @!p1 $0x4  }
0x12d: {  	s13 =	sadd.s32 $0x20, s6;
	s10 =	sadd.s32 $0x400, s5;
	_ =	swait.ge @!p1 [sflag:s12], $0x4000  }
.LBB2_4:
0x12e: {  	p3 =	sgt.u32 s13, $0x270  }
0x12f: {  	[sflag:s12] =	ssyncset.done @!p1 $0x0;
	s13 =	smov.u32 s11;
	s11 =	sadd.s32 $0x20, s11  }
0x130: {  	s14 =	sadd.s32 @!p3 $0xFFFFFFF0, s10;
	s16 =	simm.s32 @!p3 $0x0;
	[sflag:s12] =	ssyncadd.s32 @!p1 $0xFFFFC000  }
0x131: {  	p2 =	sne.s32 s11, $0x280;
	s12 =	simm.s32 @!p3 $0x100;
	s17 =	simm.s32 @!p3 $0x5  }
0x132: {  	[tilespmem:s12], [sflag:$0x5] =	stream.linear.gather @!p3 [hbm4b:s14+s16], $0x80, $0x38;
	[tilespmem:$0x1BA80] =	vst v63  }
0x133: {  	p1 =	por p3, p3;
	_ =	swait.ge @!p3 [sflag:s17], $0x80  }
0x134: {  	[sflag:s17] =	ssyncset.done @!p1 $0x0  }
0x135: {  	s14 =	simm.s32 @!p1 $0x180;
	[sflag:s17] =	ssyncadd.s32 @!p1 $0xFFFFFF80  }
0x136: {  	[tilespmem:s14], [sflag:$0x5] =	stream.linear.gather @!p1 [hbm4b:s10+s16], $0x80, $0x38;
	[tilespmem:$0x1BA80] =	vst v63  }
0x137: {  	_ =	swait.ge @!p1 [sflag:s17], $0x80  }
0x138: {  	[sflag:s17] =	ssyncset.done @!p1 $0x0  }
0x139: {  	s16 =	simm.s32 @!p1 $0x80;
	[sflag:s17] =	ssyncadd.s32 @!p1 $0xFFFFFF80;
	s17 =	simm.s32 @!p1 $0x200  }
0x13a: {  	[spmem:s19] =	stream.indirect.scatter.add.f32 @!p1 [tilespmem:s17], [sflag:$0x3], $0x80, s12, s16, $0xb8;
	[tilespmem:$0x1BA80] =	vst v63  }
0x13b: {  	s12 =	simm.s32 @!p1 $0x3  }
0x13c: {  	[spmem:s19] =	stream.indirect.scatter.add.f32 @!p1 [tilespmem:s17], [sflag:$0x4], $0x80, s14, s16, $0xb8;
	[tilespmem:$0x1BA80] =	vst v63  }
.Ltmp1:
0x13d: {  	_ = 	snop;
	(pc) =	sbr.rel @p2 .LBB2_4-.Ltmp1, $4  }
0x13e: {  	_ =	swait.ge @!p1 [sflag:s12], $0x4000  }
0x13f: {  	[sflag:s12] =	ssyncset.done @!p1 $0x0  }
0x140: {  	[sflag:s12] =	ssyncadd.s32 @!p1 $0xFFFFC000;
	s12 =	simm.s32 @!p1 $0x4  }
0x141: {  	s13 =	sadd.s32 s13, s6;
	s10 =	sadd.s32 $0x400, s10;
	_ =	swait.ge @!p1 [sflag:s12], $0x4000  }
0x142: {  	p2 =	sgt.u32 s13, $0x270  }
0x143: {  	[sflag:s12] =	ssyncset.done @!p1 $0x0;
	s11 =	sadd.s32 @!p2 $0xFFFFFFF0, s10;
	s13 =	simm.s32 @!p2 $0x0  }
0x144: {  	[sflag:s12] =	ssyncadd.s32 @!p1 $0xFFFFC000;
	s12 =	simm.s32 @!p2 $0x100;
	s14 =	simm.s32 @!p2 $0x5  }
0x145: {  	[tilespmem:s12], [sflag:$0x5] =	stream.linear.gather @!p2 [hbm4b:s11+s13], $0x80, $0x38;
	[tilespmem:$0x1BA80] =	vst v63  }
0x146: {  	p1 =	por p2, p2;
	_ =	swait.ge @!p2 [sflag:s14], $0x80  }
0x147: {  	[sflag:s14] =	ssyncset.done @!p1 $0x0  }
0x148: {  	s11 =	simm.s32 @!p1 $0x180;
	[sflag:s14] =	ssyncadd.s32 @!p1 $0xFFFFFF80  }
0x149: {  	[tilespmem:s11], [sflag:$0x5] =	stream.linear.gather @!p1 [hbm4b:s10+s13], $0x80, $0x38;
	[tilespmem:$0x1BA80] =	vst v63  }
0x14a: {  	_ =	swait.ge @!p1 [sflag:s14], $0x80  }
0x14b: {  	[sflag:s14] =	ssyncset.done @!p1 $0x0  }
0x14c: {  	s10 =	simm.s32 @!p1 $0x80;
	s13 =	simm.s32 @!p1 $0x200;
	[sflag:s14] =	ssyncadd.s32 @!p1 $0xFFFFFF80  }
0x14d: {  	[spmem:s19] =	stream.indirect.scatter.add.f32 @!p1 [tilespmem:s13], [sflag:$0x3], $0x80, s12, s10, $0xb8;
	[tilespmem:$0x1BA80] =	vst v63  }
0x14e: {  	_ = 	snop  }
0x14f: {  	[spmem:s19] =	stream.indirect.scatter.add.f32 @!p1 [tilespmem:s13], [sflag:$0x4], $0x80, s11, s10, $0xb8;
	[tilespmem:$0x1BA80] =	vst v63  }
0x150: {  	s10 =	simm.s32 @!p1 $0x3  }
0x151: {  	_ =	swait.ge @!p1 [sflag:s10], $0x4000  }
0x152: {  	[sflag:s10] =	ssyncset.done @!p1 $0x0  }
0x153: {  	[sflag:s10] =	ssyncadd.s32 @!p1 $0xFFFFC000;
	s10 =	simm.s32 @!p1 $0x4  }
0x154: {  	_ =	swait.ge @!p1 [sflag:s10], $0x4000  }
0x155: {  	[sflag:s10] =	ssyncset.done @!p1 $0x0  }
0x156: {  	[sflag:s10] =	ssyncadd.s32 @!p1 $0xFFFFC000  }
0x157: {  	[bflag:$0x0] =	sbarrier.arrive $0xFFFF  }
0x158: {  	[tilespmem:s7], [sflag:$0x5] =	stream.linear.gather [spmem:s23], $0x2800, $0x38;
	[tilespmem:$0x1BA80] =	vst v63  }
0x159: {  	_ =	swait.ge [sflag:s8], $0x2800  }
0x15a: {  	[sflag:s8] =	ssyncset.done $0x0  }
0x15b: {  	s12 =	rddreg [dreg:$0xc];
	[sflag:s8] =	ssyncadd.s32 $0xFFFFD800  }
0x15c: {  	[hbm4b:s12+s1] =	stream.linear.scatter [tilespmem:s7], [sflag:$0x5], $0x2800, $0x38;
	[tilespmem:$0x1BA80] =	vst v63  }
0x15d: {  	_ =	swait.ge [sflag:s8], $0x2800  }
0x15e: {  	[sflag:s8] =	ssyncset.done $0x0  }
0x15f: {  	[sflag:s8] =	ssyncadd.s32 $0xFFFFD800  }
0x160: {  	[tilespmem:s7], [sflag:$0x5] =	stream.linear.gather [spmem:s24], $0x2800, $0x38;
	[tilespmem:$0x1BA80] =	vst v63  }
0x161: {  	_ =	swait.ge [sflag:s8], $0x2800  }
0x162: {  	[sflag:s8] =	ssyncset.done $0x0  }
0x163: {  	s13 =	rddreg [dreg:$0xd];
	[sflag:s8] =	ssyncadd.s32 $0xFFFFD800  }
0x164: {  	[hbm4b:s13+s1] =	stream.linear.scatter [tilespmem:s7], [sflag:$0x5], $0x2800, $0x38;
	[tilespmem:$0x1BA80] =	vst v63  }
0x165: {  	_ =	swait.ge [sflag:s8], $0x2800  }
0x166: {  	[sflag:s8] =	ssyncset.done $0x0  }
0x167: {  	[sflag:s8] =	ssyncadd.s32 $0xFFFFD800  }
0x168: {  	[tilespmem:s7], [sflag:$0x5] =	stream.linear.gather [spmem:s25], $0x2800, $0x38;
	[tilespmem:$0x1BA80] =	vst v63  }
0x169: {  	_ =	swait.ge [sflag:s8], $0x2800  }
0x16a: {  	[sflag:s8] =	ssyncset.done $0x0  }
0x16b: {  	s14 =	rddreg [dreg:$0xe];
	[sflag:s8] =	ssyncadd.s32 $0xFFFFD800  }
0x16c: {  	[hbm4b:s14+s1] =	stream.linear.scatter [tilespmem:s7], [sflag:$0x5], $0x2800, $0x38;
	[tilespmem:$0x1BA80] =	vst v63  }
0x16d: {  	_ =	swait.ge [sflag:s8], $0x2800  }
0x16e: {  	[sflag:s8] =	ssyncset.done $0x0  }
0x16f: {  	[sflag:s8] =	ssyncadd.s32 $0xFFFFD800  }
0x170: {  	[tilespmem:s7], [sflag:$0x5] =	stream.linear.gather [spmem:s26], $0x2800, $0x38;
	[tilespmem:$0x1BA80] =	vst v63  }
0x171: {  	_ =	swait.ge [sflag:s8], $0x2800  }
0x172: {  	[sflag:s8] =	ssyncset.done $0x0  }
0x173: {  	s16 =	rddreg [dreg:$0xf];
	[sflag:s8] =	ssyncadd.s32 $0xFFFFD800  }
0x174: {  	[hbm4b:s16+s1] =	stream.linear.scatter [tilespmem:s7], [sflag:$0x5], $0x2800, $0x38;
	[tilespmem:$0x1BA80] =	vst v63  }
0x175: {  	_ =	swait.ge [sflag:s8], $0x2800  }
0x176: {  	[sflag:s8] =	ssyncset.done $0x0  }
0x177: {  	[sflag:s8] =	ssyncadd.s32 $0xFFFFD800  }
0x178: {  	[tilespmem:s7], [sflag:$0x5] =	stream.linear.gather [spmem:s28], $0x2800, $0x38;
	[tilespmem:$0x1BA80] =	vst v63  }
0x179: {  	_ =	swait.ge [sflag:s8], $0x2800  }
0x17a: {  	[sflag:s8] =	ssyncset.done $0x0  }
0x17b: {  	s17 =	rddreg [dreg:$0x10];
	[sflag:s8] =	ssyncadd.s32 $0xFFFFD800  }
0x17c: {  	[hbm4b:s17+s1] =	stream.linear.scatter [tilespmem:s7], [sflag:$0x5], $0x2800, $0x38;
	[tilespmem:$0x1BA80] =	vst v63  }
0x17d: {  	_ =	swait.ge [sflag:s8], $0x2800  }
0x17e: {  	[sflag:s8] =	ssyncset.done $0x0  }
0x17f: {  	[sflag:s8] =	ssyncadd.s32 $0xFFFFD800  }
0x180: {  	[tilespmem:s7], [sflag:$0x5] =	stream.linear.gather [spmem:s29], $0x2800, $0x38;
	[tilespmem:$0x1BA80] =	vst v63  }
0x181: {  	_ =	swait.ge [sflag:s8], $0x2800  }
0x182: {  	[sflag:s8] =	ssyncset.done $0x0  }
0x183: {  	s18 =	rddreg [dreg:$0x11];
	[sflag:s8] =	ssyncadd.s32 $0xFFFFD800  }
0x184: {  	[hbm4b:s18+s1] =	stream.linear.scatter [tilespmem:s7], [sflag:$0x5], $0x2800, $0x38;
	[tilespmem:$0x1BA80] =	vst v63  }
0x185: {  	_ =	swait.ge [sflag:s8], $0x2800  }
0x186: {  	[sflag:s8] =	ssyncset.done $0x0  }
0x187: {  	[sflag:s8] =	ssyncadd.s32 $0xFFFFD800  }
0x188: {  	[tilespmem:s7], [sflag:$0x5] =	stream.linear.gather [spmem:s30], $0x2800, $0x38;
	[tilespmem:$0x1BA80] =	vst v63  }
0x189: {  	_ =	swait.ge [sflag:s8], $0x2800  }
0x18a: {  	[sflag:s8] =	ssyncset.done $0x0  }
0x18b: {  	s20 =	rddreg [dreg:$0x12];
	[sflag:s8] =	ssyncadd.s32 $0xFFFFD800  }
0x18c: {  	[hbm4b:s20+s1] =	stream.linear.scatter [tilespmem:s7], [sflag:$0x5], $0x2800, $0x38;
	[tilespmem:$0x1BA80] =	vst v63  }
0x18d: {  	_ =	swait.ge [sflag:s8], $0x2800  }
0x18e: {  	[sflag:s8] =	ssyncset.done $0x0  }
0x18f: {  	s11 =	simm.s32 @!p0 $0x5;
	s10 =	simm.s32 @!p0 $0x200;
	[sflag:s8] =	ssyncadd.s32 $0xFFFFD800  }
0x190: {  	[tilespmem:s10], [sflag:$0x5] =	stream.linear.gather @!p0 [spmem:s31], $0x2800, $0x38;
	[tilespmem:$0x1BA80] =	vst v63  }
0x191: {  	s9 =	sadd.s32 $0x1, s9;
	_ =	swait.ge @!p0 [sflag:s11], $0x2800  }
0x192: {  	p1 =	sne.s32 s9, s3;
	s12 =	simm.s32 @!p0 $0x0;
	[sflag:s11] =	ssyncset.done @!p0 $0x0  }
.Ltmp2:
0x193: {  	s13 =	rddreg [dreg:$0x13];
	[sflag:s11] =	ssyncadd.s32 @!p0 $0xFFFFD800;
	(pc) =	sbr.rel @p1 .LBB2_1-.Ltmp2, $4  }
0x194: {  	[hbm4b:s13+s12] =	stream.linear.scatter @!p0 [tilespmem:s10], [sflag:$0x5], $0x2800, $0x38;
	[tilespmem:$0x1BA80] =	vst v63  }
0x195: {  	_ =	swait.ge @!p0 [sflag:s11], $0x2800  }
0x196: {  	[sflag:s11] =	ssyncset.done @!p0 $0x0  }
0x197: {  	[sflag:s11] =	ssyncadd.s32 @!p0 $0xFFFFD800  }
0x198: {  	_ =	sfence.sel $0x180000  }
0x199: {  	[bflag:$0x0] =	sbarrier.arrive $0xFFFF  }
0x19a: {  	_ =	strace $0x90000047  }
0x19b: {  	[bflag:$0x2] =	sbarrier.arrive $0xFFFF  }
0x19c: {  	p0 =	sne.s32 s0, $0x0;
	s0 =	rddreg [dreg:$0x3]  }
0x19d: {  	s0 =	sadd.s32 @!p0 $0x100000, s0  }
0x19e: {  	[sflag:s0] =	ssyncadd.tile.s32 @!p0 $0x1;
	_ =	shalt  }
.Lfunc_end2:
_tile_overlayer_lowered:
.L_overlay_start_2:
0x19f: {  	(tag) =	ssettag $0x2  }
0x1a0: {  	s0 =	rddreg [dreg:$0x0];
	s2 =	stileid.u32  }
0x1a1: {  	s1 =	rddreg [dreg:$0x1];
	p0 =	sne.s32 s2, $0x0  }
0x1a2: {  	s3 =	rddreg [dreg:$0x2];
	[bflag:$0x3] =	sbarrier.arrive $0xFFFF;
	s2 =	simm.s32 @!p0 $0x1C05  }
0x1a3: {  	[timem:s3], [sflag:s2] =	dma.local @!p0 [hbm:s0], s1  }
0x1a4: {  	s0 =	simm.s32 @!p0 $0x5  }
0x1a5: {  	_ =	swait.ge @!p0 [sflag:s0], s1  }
0x1a6: {  	s1 =	ssub.s32 @!p0 $0x0, s1;
	[sflag:s0] =	ssyncset.done @!p0 $0x0  }
0x1a7: {  	[sflag:s0] =	ssyncadd.s32 @!p0 s1  }
0x1a8: {  	[bflag:$0x3] =	sbarrier.arrive $0xFFFF  }
0x1a9: {  	_ =	shalt  }

</sc_bundles>
